<compile_context>
chip_gen: v7x
topology: tpu7x:2x2x1
jax: 0.10.2.dev20260603
libtpu: 0.0.44.dev20260713+nightly
codegen_flags: <defaults>
</compile_context>

<pallas_src>
import functools

import jax
import jax.numpy as jnp
from jax import lax
from jax.experimental import pallas as pl
from jax.experimental.pallas import tpu as pltpu
from jax.experimental.pallas import tpu_sc as plsc

WIN = 15
WLEN = 2 * WIN + 1
WBM = 40
NSTR = 4
NLANE = 16


def _rb(v):
    return v.astype(jnp.bfloat16).astype(jnp.float32)


def _rbv(v):
    u = lax.bitcast_convert_type(v, jnp.uint32)
    lsb = jnp.bitwise_and(lax.shift_right_logical(u, jnp.uint32(16)),
                          jnp.uint32(1))
    r = jnp.bitwise_and(u + jnp.uint32(0x7FFF) + lsb, jnp.uint32(0xFFFF0000))
    return lax.bitcast_convert_type(r, jnp.float32)



def _sc_gap_scores(x, bm2, gap_flat, wg_row):
    B, S, H = x.shape
    PAIRS = gap_flat.shape[0]
    NC, NSUB = 2, 16
    NW = NC * NSUB
    per_w = PAIRS // NW
    mesh = plsc.VectorSubcoreMesh(core_axis_name="c", subcore_axis_name="s")

    @functools.partial(
        pl.kernel, mesh=mesh,
        out_type=jax.ShapeDtypeStruct((PAIRS, NLANE), jnp.float32),
        scratch_types=[
            pltpu.VMEM((PAIRS + NLANE,), jnp.int32),
            pltpu.VMEM((WBM, H), jnp.float32),
            pltpu.VMEM((WBM + NLANE,), jnp.float32),
            pltpu.VMEM((3 * H,), jnp.float32),
            pltpu.VMEM((NLANE,), jnp.float32),
        ],
    )
    def k(x_hbm, bm_hbm, gap_hbm, wg_hbm, out_hbm,
          gids_v, win_v, bmw_v, wg_v, outrow_v):
        cid = lax.axis_index("c")
        sid = lax.axis_index("s")
        wid = sid * NC + cid
        pltpu.sync_copy(wg_hbm, wg_v)
        pltpu.sync_copy(gap_hbm, gids_v.at[pl.ds(0, PAIRS)])
        for p in range(per_w):
            pair = wid * per_w + p
            gid = gids_v[pl.ds(pair, NLANE)][0]
            b = pair // (PAIRS // B)
            lo = gid - WIN
            hi = gid + WIN
            d = jnp.clip(lo, 0, S - WLEN)
            d8 = jnp.minimum((d // 8) * 8, S - WBM)
            pltpu.sync_copy(x_hbm.at[b, pl.ds(d8, WBM), :], win_v)
            pltpu.sync_copy(bm_hbm.at[pl.ds(b * S + d8, WBM)],
                            bmw_v.at[pl.ds(0, WBM)])
            off = d - d8
            vb0 = bmw_v[pl.ds(off, NLANE)]
            vb1 = bmw_v[pl.ds(off + NLANE, NLANE)]
            rms = []
            cnt = jnp.float32(0.0)
            for r in range(WLEN):
                pos = d + r
                ok = jnp.logical_and(pos >= lo, pos <= hi)
                bmv = vb0[r] if r < NLANE else vb1[r - NLANE]
                rm = jnp.where(ok, bmv, jnp.float32(0.0))
                rms.append(rm)
                cnt = cnt + rm
            rg = gid - d8

            def chunk(c, acc, rms=rms, rg=rg, cnt=cnt, off=off):
                bl = c * NLANE
                wmax = jnp.zeros((NLANE,), jnp.float32)
                wsum = jnp.zeros((NLANE,), jnp.float32)
                for r in range(WLEN):
                    mv = win_v[off + r, pl.ds(bl, NLANE)] * rms[r]
                    wmax = jnp.maximum(wmax, mv)
                    wsum = wsum + mv
                wmax = jnp.maximum(wmax, jnp.float32(0.0))
                gv = win_v[rg, pl.ds(bl, NLANE)]
                w1 = wg_v[pl.ds(bl, NLANE)]
                w2 = wg_v[pl.ds(H + bl, NLANE)]
                w3 = wg_v[pl.ds(2 * H + bl, NLANE)]
                return (acc + _rbv(gv) * _rbv(w1) + _rbv(wmax) * _rbv(w2)
                        + _rbv(wsum / cnt) * _rbv(w3))

            acc = lax.fori_loop(0, H // NLANE, chunk,
                                jnp.zeros((NLANE,), jnp.float32))
            outrow_v[...] = acc
            pltpu.sync_copy(outrow_v, out_hbm.at[pair])

    return k(x, bm2, gap_flat, wg_row)



def _tc_body(*refs):
    x_refs = refs[0:NSTR]
    bm_ref, pooled_ref, wc_ref = refs[NSTR:NSTR + 3]
    out_ref = refs[NSTR + 3]

    BSR = x_refs[0].shape[1]
    H = x_refs[0].shape[2]

    bm = bm_ref[0, :, :]
    tcnt = jnp.sum(bm)

    tmaxs, tsums = [], []
    for k in range(NSTR):
        xb = x_refs[k][0] * bm[k * BSR:(k + 1) * BSR, :]
        tmaxs.append(jnp.max(xb, axis=0, keepdims=True))
        tsums.append(jnp.sum(xb, axis=0, keepdims=True))
    tmax = functools.reduce(jnp.maximum, tmaxs)
    tsum = functools.reduce(jnp.add, tsums)
    tavg = tsum / tcnt

    wc1 = wc_ref[0:1, 0:H]
    wc2 = wc_ref[0:1, H:2 * H]
    wc3 = wc_ref[0:1, 2 * H:3 * H]
    pooled = pooled_ref[0]
    cls_score = (jnp.sum(_rb(pooled) * _rb(wc1), axis=1, keepdims=True)
                 + jnp.sum(_rb(tmax) * _rb(wc2), axis=1, keepdims=True)
                 + jnp.sum(_rb(tavg) * _rb(wc3), axis=1, keepdims=True))
    out_ref[0] = cls_score


def kernel(sequence_output, pooled_output, token_type_ids, word_mask, gap_ids,
           W_gap, b_gap, W_cls, b_cls):
    B, S, H = sequence_output.shape
    G = gap_ids.shape[1]
    BSR = S // NSTR
    bm = ((token_type_ids == 0).astype(jnp.int32) * word_mask
          ).astype(jnp.float32)
    bm3 = bm[..., None]
    pooled3 = pooled_output[:, None, :]

    gap_raw = _sc_gap_scores(sequence_output, bm.reshape(-1),
                             gap_ids.reshape(-1), W_gap.reshape(-1))
    gap_scores = jnp.sum(gap_raw, axis=1).reshape(B, G) + b_gap[0]

    x_specs = [
        pl.BlockSpec((1, BSR, H), lambda b, k=k: (b, k, 0))
        for k in range(NSTR)
    ]
    cls = pl.pallas_call(
        _tc_body,
        grid=(B,),
        in_specs=[
            *x_specs,
            pl.BlockSpec((1, S, 1), lambda b: (b, 0, 0)),
            pl.BlockSpec((1, 1, H), lambda b: (b, 0, 0)),
            pl.BlockSpec((1, 3 * H), lambda b: (0, 0)),
        ],
        out_specs=pl.BlockSpec((1, 1, 1), lambda b: (b, 0, 0)),
        out_shape=jax.ShapeDtypeStruct((B, 1, 1), jnp.float32),
    )(*([sequence_output] * NSTR), bm3, pooled3, W_cls)
    cls_scores = cls[:, :, 0] + b_cls[0]

    return jnp.concatenate([cls_scores, gap_scores], axis=1)

# --- scband reference (transcript-rebuilt; emitter-appended) ---
"""Pipeline reference for scband-bert-gthead-37177236914708 (READ-ONLY COPY).

The authoritative reference and input builder live on the scoring server;
editing this copy changes nothing except your own understanding.
"""

import jax, jax.numpy as jnp
import numpy as np

WINDOW_SIZE = 15

def setup_inputs(seed: int = 0) -> dict:
    key = jax.random.key(seed)
    ks = jax.random.split(key, 8)
    B, S, H, G = 4, 2048, 1024, 16
    sequence_output = jax.random.normal(ks[0], (B, S, H), dtype=jnp.float32)
    pooled_output = jax.random.normal(ks[1], (B, H), dtype=jnp.float32)
    token_type_ids = jnp.zeros((B, S), dtype=jnp.int32)
    word_mask = jnp.ones((B, S), dtype=jnp.int32)
    gap_ids = jax.random.randint(ks[2], (B, G), 0, S)
    W_gap = jax.random.normal(ks[3], (1, 3 * H), dtype=jnp.float32) * 0.02
    b_gap = jnp.zeros((1,), dtype=jnp.float32)
    W_cls = jax.random.normal(ks[4], (1, 3 * H), dtype=jnp.float32) * 0.02
    b_cls = jnp.zeros((1,), dtype=jnp.float32)
    return {"sequence_output": sequence_output, "pooled_output": pooled_output,
            "token_type_ids": token_type_ids, "word_mask": word_mask, "gap_ids": gap_ids,
            "W_gap": W_gap, "b_gap": b_gap, "W_cls": W_cls, "b_cls": b_cls}

def reference(sequence_output, pooled_output, token_type_ids, word_mask, gap_ids, W_gap, b_gap, W_cls, b_cls):
    B, S, H = sequence_output.shape
    G = gap_ids.shape[1]
    index_seq = jnp.arange(S)[None, :]
    # gather gap token features: [B, G, H]
    gaps = jnp.take_along_axis(sequence_output, gap_ids[:, :, None], axis=1)
    base_mask = (token_type_ids == 0).astype(jnp.int32) * word_mask  # [B, S]
    max_list, avg_list = [], []
    for g in range(G):
        gid = gap_ids[:, g:g + 1]  # [B, 1]
        wmask = ((index_seq >= gid - WINDOW_SIZE) & (index_seq <= gid + WINDOW_SIZE)).astype(jnp.int32)
        wmask = wmask * base_mask  # [B, S]
        window = sequence_output * wmask[:, :, None].astype(jnp.float32)
        max_list.append(jnp.max(window, axis=1, keepdims=True))
        num_tokens = jnp.sum(wmask, axis=1, keepdims=True)[:, :, None].astype(jnp.float32)
        avg_list.append(jnp.sum(window, axis=1, keepdims=True) / num_tokens)
    window_max_pool = jnp.concatenate(max_list, axis=1)  # [B, G, H]
    window_avg_pool = jnp.concatenate(avg_list, axis=1)  # [B, G, H]
    window = sequence_output * base_mask[:, :, None].astype(jnp.float32)
    text_max_pool = jnp.max(window, axis=1, keepdims=True)
    num_tokens = jnp.sum(base_mask, axis=1, keepdims=True)[:, :, None].astype(jnp.float32)
    text_avg_pool = jnp.sum(window, axis=1, keepdims=True) / num_tokens
    gap_features = jnp.concatenate([gaps, window_max_pool, window_avg_pool], axis=-1)  # [B, G, 3H]
    cls_features = jnp.concatenate([pooled_output[:, None, :], text_max_pool, text_avg_pool], axis=-1)  # [B, 1, 3H]
    gap_scores = (gap_features @ W_gap.T + b_gap).squeeze(-1)  # [B, G]
    cls_scores = (cls_features @ W_cls.T + b_cls).squeeze(-1)  # [B, 1]
    return jnp.concatenate([cls_scores, gap_scores], axis=1)  # [B, 1 + G]

if __name__ == "__main__":
    import jax
    _d = setup_inputs()
    print(jax.jit(kernel)(*tuple(_d.values())))

</pallas_src>

<mosaic_0001>
#map = affine_map<(d0, d1) -> (0, 0, 0)>
#map1 = affine_map<(d0, d1) -> (0)>
#map2 = affine_map<(d0, d1) -> (0, 0)>
module attributes {stable_mosaic.version = 14 : i64} {
  func.func @k(%arg0: i32, %arg1: i32, %arg2: memref<4x2048x1024xf32, #tpu.memory_space<hbm>>, %arg3: memref<8192xf32, #tpu.memory_space<hbm>>, %arg4: memref<64xi32, #tpu.memory_space<hbm>>, %arg5: memref<3072xf32, #tpu.memory_space<hbm>>, %arg6: memref<64x16xf32, #tpu.memory_space<hbm>>, %arg7: memref<80xi32, #tpu.memory_space<vmem>>, %arg8: memref<40x1024xf32, #tpu.memory_space<vmem>>, %arg9: memref<56xf32, #tpu.memory_space<vmem>>, %arg10: memref<3072xf32, #tpu.memory_space<vmem>>, %arg11: memref<16xf32, #tpu.memory_space<vmem>>) attributes {dimension_semantics = [#tpu.dimension_semantics<core_parallel>, #tpu.dimension_semantics<subcore_parallel>], iteration_bounds = array<i64: 2, 16>, scalar_prefetch = 0 : i64, scratch_operands = 5 : i64, tpu.core_type = #tpu.core_type<sc_vector_subcore>, window_params = [{transform_indices = #map}, {transform_indices = #map1}, {transform_indices = #map1}, {transform_indices = #map1}, {transform_indices = #map2}]} {
    %mul3A = arith.constant 2 : i32
    %mul3A_0 = arith.muli %arg1, %mul3A : i32
    %add3A = arith.addi %mul3A_0, %arg0 : i32
    "tpu.region"() ({
      %run_scoped3A = tpu.sem_alloc : memref<!tpu.dma_semaphore, #tpu.memory_space<semaphore_mem>>
      tpu.enqueue_dma source(%arg5 : memref<3072xf32, #tpu.memory_space<hbm>>) target(%arg10 : memref<3072xf32, #tpu.memory_space<vmem>>) target_semaphore(%run_scoped3A : memref<!tpu.dma_semaphore, #tpu.memory_space<semaphore_mem>>)
      tpu.wait_dma2 semaphore(%run_scoped3A : memref<!tpu.dma_semaphore, #tpu.memory_space<semaphore_mem>>) src(%arg5 : memref<3072xf32, #tpu.memory_space<hbm>>) dst(%arg10 : memref<3072xf32, #tpu.memory_space<vmem>>)
      tpu.yield
    }) : () -> ()
    "tpu.region"() ({
      %run_scoped3A = tpu.sem_alloc : memref<!tpu.dma_semaphore, #tpu.memory_space<semaphore_mem>>
      %dma_start3A = arith.constant 0 : i32
      %dma_start3A_793 = tpu.memref_slice %arg7[%dma_start3A] : memref<80xi32, #tpu.memory_space<vmem>> -> memref<64xi32, #tpu.memory_space<vmem>>
      %dma_start3A_794 = arith.constant 0 : i32
      %dma_start3A_795 = tpu.memref_slice %arg7[%dma_start3A_794] : memref<80xi32, #tpu.memory_space<vmem>> -> memref<64xi32, #tpu.memory_space<vmem>>
      tpu.enqueue_dma source(%arg4 : memref<64xi32, #tpu.memory_space<hbm>>) target(%dma_start3A_795 : memref<64xi32, #tpu.memory_space<vmem>>) target_semaphore(%run_scoped3A : memref<!tpu.dma_semaphore, #tpu.memory_space<semaphore_mem>>)
      %dma_wait3A = arith.constant 0 : i32
      %dma_wait3A_796 = tpu.memref_slice %arg7[%dma_wait3A] : memref<80xi32, #tpu.memory_space<vmem>> -> memref<64xi32, #tpu.memory_space<vmem>>
      %dma_wait3A_797 = arith.constant 0 : i32
      %dma_wait3A_798 = tpu.memref_slice %arg7[%dma_wait3A_797] : memref<80xi32, #tpu.memory_space<vmem>> -> memref<64xi32, #tpu.memory_space<vmem>>
      tpu.wait_dma2 semaphore(%run_scoped3A : memref<!tpu.dma_semaphore, #tpu.memory_space<semaphore_mem>>) src(%arg4 : memref<64xi32, #tpu.memory_space<hbm>>) dst(%dma_wait3A_798 : memref<64xi32, #tpu.memory_space<vmem>>)
      tpu.yield
    }) : () -> ()
    %mul3A_1 = arith.constant 2 : i32
    %mul3A_2 = arith.muli %add3A, %mul3A_1 : i32
    %add3A_3 = arith.constant 0 : i32
    %add3A_4 = arith.addi %mul3A_2, %add3A_3 : i32
    %get3A = arith.index_cast %add3A_4 : i32 to index
    %get3A_5 = tpu.vector_load %arg7[%get3A] {strides = array<i32>} : memref<80xi32, #tpu.memory_space<vmem>>, vector<16xi32>,
    %get3A_6 = vector.shape_cast %get3A_5 : vector<16xi32> to vector<16xi32>
    %slice3A = vector.extract_strided_slice %get3A_6 {offsets = [0], sizes = [1], strides = [1]} : vector<16xi32> to vector<1xi32>
    %squeeze3A = vector.extract %slice3A[0] : i32 from vector<1xi32>
    %jit3A = arith.constant 16 : i32
    %div3A = arith.divsi %add3A_4, %jit3A : i32
    %sign3A = arith.constant 0 : i32
    %sign3A_7 = arith.cmpi sgt, %add3A_4, %sign3A : i32
    %sign3A_8 = arith.extui %sign3A_7 : i1 to i32
    %sign3A_9 = arith.constant 0 : i32
    %sign3A_10 = arith.cmpi slt, %add3A_4, %sign3A_9 : i32
    %sign3A_11 = arith.extui %sign3A_10 : i1 to i32
    %sign3A_12 = arith.subi %sign3A_8, %sign3A_11 : i32
    %sign3A_13 = arith.constant 0 : i32
    %sign3A_14 = arith.cmpi sgt, %jit3A, %sign3A_13 : i32
    %sign3A_15 = arith.extui %sign3A_14 : i1 to i32
    %sign3A_16 = arith.constant 0 : i32
    %sign3A_17 = arith.cmpi slt, %jit3A, %sign3A_16 : i32
    %sign3A_18 = arith.extui %sign3A_17 : i1 to i32
    %sign3A_19 = arith.subi %sign3A_15, %sign3A_18 : i32
    %ne3A = arith.cmpi ne, %sign3A_12, %sign3A_19 : i32
    %rem3A = arith.remsi %add3A_4, %jit3A : i32
    %ne3A_20 = arith.constant 0 : i32
    %ne3A_21 = arith.cmpi ne, %rem3A, %ne3A_20 : i32
    %and3A = arith.andi %ne3A, %ne3A_21 : i1
    %sub3A = arith.constant 1 : i32
    %sub3A_22 = arith.subi %div3A, %sub3A : i32
    %select_n3A = arith.select %and3A, %sub3A_22, %div3A : i32
    %sub3A_23 = arith.constant 15 : i32
    %sub3A_24 = arith.subi %squeeze3A, %sub3A_23 : i32
    %add3A_25 = arith.constant 15 : i32
    %add3A_26 = arith.addi %squeeze3A, %add3A_25 : i32
    %jit3A_27 = arith.constant 0 : i32
    %jit3A_28 = arith.constant 2017 : i32
    %max3A = arith.maxsi %jit3A_27, %sub3A_24 : i32
    %min3A = arith.minsi %jit3A_28, %max3A : i32
    %jit3A_29 = arith.constant 8 : i32
    %div3A_30 = arith.divsi %min3A, %jit3A_29 : i32
    %sign3A_31 = arith.constant 0 : i32
    %sign3A_32 = arith.cmpi sgt, %min3A, %sign3A_31 : i32
    %sign3A_33 = arith.extui %sign3A_32 : i1 to i32
    %sign3A_34 = arith.constant 0 : i32
    %sign3A_35 = arith.cmpi slt, %min3A, %sign3A_34 : i32
    %sign3A_36 = arith.extui %sign3A_35 : i1 to i32
    %sign3A_37 = arith.subi %sign3A_33, %sign3A_36 : i32
    %sign3A_38 = arith.constant 0 : i32
    %sign3A_39 = arith.cmpi sgt, %jit3A_29, %sign3A_38 : i32
    %sign3A_40 = arith.extui %sign3A_39 : i1 to i32
    %sign3A_41 = arith.constant 0 : i32
    %sign3A_42 = arith.cmpi slt, %jit3A_29, %sign3A_41 : i32
    %sign3A_43 = arith.extui %sign3A_42 : i1 to i32
    %sign3A_44 = arith.subi %sign3A_40, %sign3A_43 : i32
    %ne3A_45 = arith.cmpi ne, %sign3A_37, %sign3A_44 : i32
    %rem3A_46 = arith.remsi %min3A, %jit3A_29 : i32
    %ne3A_47 = arith.constant 0 : i32
    %ne3A_48 = arith.cmpi ne, %rem3A_46, %ne3A_47 : i32
    %and3A_49 = arith.andi %ne3A_45, %ne3A_48 : i1
    %sub3A_50 = arith.constant 1 : i32
    %sub3A_51 = arith.subi %div3A_30, %sub3A_50 : i32
    %select_n3A_52 = arith.select %and3A_49, %sub3A_51, %div3A_30 : i32
    %mul3A_53 = arith.constant 8 : i32
    %mul3A_54 = arith.muli %select_n3A_52, %mul3A_53 : i32
    %min3A_55 = arith.constant 2008 : i32
    %min3A_56 = arith.minsi %mul3A_54, %min3A_55 : i32
    "tpu.region"() ({
      %run_scoped3A = tpu.sem_alloc : memref<!tpu.dma_semaphore, #tpu.memory_space<semaphore_mem>>
      %dma_start3A = arith.constant 0 : i32
      %dma_start3A_793 = tpu.memref_slice %arg2[%select_n3A, %min3A_56, %dma_start3A] : memref<4x2048x1024xf32, #tpu.memory_space<hbm>> -> memref<1x40x1024xf32, #tpu.memory_space<hbm>>
      %dma_start3A_794 = tpu.memref_squeeze %dma_start3A_793 : memref<1x40x1024xf32, #tpu.memory_space<hbm>> -> memref<40x1024xf32, #tpu.memory_space<hbm>>
      %dma_start3A_795 = arith.constant 0 : i32
      %dma_start3A_796 = tpu.memref_slice %arg2[%select_n3A, %min3A_56, %dma_start3A_795] : memref<4x2048x1024xf32, #tpu.memory_space<hbm>> -> memref<1x40x1024xf32, #tpu.memory_space<hbm>>
      %dma_start3A_797 = tpu.memref_squeeze %dma_start3A_796 : memref<1x40x1024xf32, #tpu.memory_space<hbm>> -> memref<40x1024xf32, #tpu.memory_space<hbm>>
      tpu.enqueue_dma source(%dma_start3A_797 : memref<40x1024xf32, #tpu.memory_space<hbm>>) target(%arg8 : memref<40x1024xf32, #tpu.memory_space<vmem>>) target_semaphore(%run_scoped3A : memref<!tpu.dma_semaphore, #tpu.memory_space<semaphore_mem>>)
      %dma_wait3A = arith.constant 0 : i32
      %dma_wait3A_798 = tpu.memref_slice %arg2[%select_n3A, %min3A_56, %dma_wait3A] : memref<4x2048x1024xf32, #tpu.memory_space<hbm>> -> memref<1x40x1024xf32, #tpu.memory_space<hbm>>
      %dma_wait3A_799 = tpu.memref_squeeze %dma_wait3A_798 : memref<1x40x1024xf32, #tpu.memory_space<hbm>> -> memref<40x1024xf32, #tpu.memory_space<hbm>>
      %dma_wait3A_800 = arith.constant 0 : i32
      %dma_wait3A_801 = tpu.memref_slice %arg2[%select_n3A, %min3A_56, %dma_wait3A_800] : memref<4x2048x1024xf32, #tpu.memory_space<hbm>> -> memref<1x40x1024xf32, #tpu.memory_space<hbm>>
      %dma_wait3A_802 = tpu.memref_squeeze %dma_wait3A_801 : memref<1x40x1024xf32, #tpu.memory_space<hbm>> -> memref<40x1024xf32, #tpu.memory_space<hbm>>
      tpu.wait_dma2 semaphore(%run_scoped3A : memref<!tpu.dma_semaphore, #tpu.memory_space<semaphore_mem>>) src(%dma_wait3A_802 : memref<40x1024xf32, #tpu.memory_space<hbm>>) dst(%arg8 : memref<40x1024xf32, #tpu.memory_space<vmem>>)
      tpu.yield
    }) : () -> ()
    %mul3A_57 = arith.constant 2048 : i32
    %mul3A_58 = arith.muli %select_n3A, %mul3A_57 : i32
    %add3A_59 = arith.addi %mul3A_58, %min3A_56 : i32
    "tpu.region"() ({
      %run_scoped3A = tpu.sem_alloc : memref<!tpu.dma_semaphore, #tpu.memory_space<semaphore_mem>>
      %dma_start3A = arith.constant 0 : i32
      %dma_start3A_793 = tpu.memref_slice %arg9[%dma_start3A] : memref<56xf32, #tpu.memory_space<vmem>> -> memref<40xf32, #tpu.memory_space<vmem>>
      %dma_start3A_794 = tpu.memref_slice %arg3[%add3A_59] : memref<8192xf32, #tpu.memory_space<hbm>> -> memref<40xf32, #tpu.memory_space<hbm>>
      %dma_start3A_795 = arith.constant 0 : i32
      %dma_start3A_796 = tpu.memref_slice %arg9[%dma_start3A_795] : memref<56xf32, #tpu.memory_space<vmem>> -> memref<40xf32, #tpu.memory_space<vmem>>
      %dma_start3A_797 = tpu.memref_slice %arg3[%add3A_59] : memref<8192xf32, #tpu.memory_space<hbm>> -> memref<40xf32, #tpu.memory_space<hbm>>
      tpu.enqueue_dma source(%dma_start3A_797 : memref<40xf32, #tpu.memory_space<hbm>>) target(%dma_start3A_796 : memref<40xf32, #tpu.memory_space<vmem>>) target_semaphore(%run_scoped3A : memref<!tpu.dma_semaphore, #tpu.memory_space<semaphore_mem>>)
      %dma_wait3A = arith.constant 0 : i32
      %dma_wait3A_798 = tpu.memref_slice %arg9[%dma_wait3A] : memref<56xf32, #tpu.memory_space<vmem>> -> memref<40xf32, #tpu.memory_space<vmem>>
      %dma_wait3A_799 = tpu.memref_slice %arg3[%add3A_59] : memref<8192xf32, #tpu.memory_space<hbm>> -> memref<40xf32, #tpu.memory_space<hbm>>
      %dma_wait3A_800 = arith.constant 0 : i32
      %dma_wait3A_801 = tpu.memref_slice %arg9[%dma_wait3A_800] : memref<56xf32, #tpu.memory_space<vmem>> -> memref<40xf32, #tpu.memory_space<vmem>>
      %dma_wait3A_802 = tpu.memref_slice %arg3[%add3A_59] : memref<8192xf32, #tpu.memory_space<hbm>> -> memref<40xf32, #tpu.memory_space<hbm>>
      tpu.wait_dma2 semaphore(%run_scoped3A : memref<!tpu.dma_semaphore, #tpu.memory_space<semaphore_mem>>) src(%dma_wait3A_802 : memref<40xf32, #tpu.memory_space<hbm>>) dst(%dma_wait3A_801 : memref<40xf32, #tpu.memory_space<vmem>>)
      tpu.yield
    }) : () -> ()
    %sub3A_60 = arith.subi %min3A, %min3A_56 : i32
    %get3A_61 = arith.index_cast %sub3A_60 : i32 to index
    %get3A_62 = tpu.vector_load %arg9[%get3A_61] {strides = array<i32>} : memref<56xf32, #tpu.memory_space<vmem>>, vector<16xf32>,
    %get3A_63 = vector.shape_cast %get3A_62 : vector<16xf32> to vector<16xf32>
    %add3A_64 = arith.constant 16 : i32
    %add3A_65 = arith.addi %sub3A_60, %add3A_64 : i32
    %get3A_66 = arith.index_cast %add3A_65 : i32 to index
    %get3A_67 = tpu.vector_load %arg9[%get3A_66] {strides = array<i32>} : memref<56xf32, #tpu.memory_space<vmem>>, vector<16xf32>,
    %get3A_68 = vector.shape_cast %get3A_67 : vector<16xf32> to vector<16xf32>
    %add3A_69 = arith.constant 0 : i32
    %add3A_70 = arith.addi %min3A, %add3A_69 : i32
    %ge3A = arith.cmpi sge, %add3A_70, %sub3A_24 : i32
    %le3A = arith.cmpi sle, %add3A_70, %add3A_26 : i32
    %and3A_71 = arith.andi %ge3A, %le3A : i1
    %slice3A_72 = vector.extract_strided_slice %get3A_63 {offsets = [0], sizes = [1], strides = [1]} : vector<16xf32> to vector<1xf32>
    %squeeze3A_73 = vector.extract %slice3A_72[0] : f32 from vector<1xf32>
    %jit3A_74 = arith.constant 0.000000e+00 : f32
    %select_n3A_75 = arith.select %and3A_71, %squeeze3A_73, %jit3A_74 : f32
    %add3A_76 = arith.constant 0.000000e+00 : f32
    %add3A_77 = arith.addf %add3A_76, %select_n3A_75 : f32
    %add3A_78 = arith.constant 1 : i32
    %add3A_79 = arith.addi %min3A, %add3A_78 : i32
    %ge3A_80 = arith.cmpi sge, %add3A_79, %sub3A_24 : i32
    %le3A_81 = arith.cmpi sle, %add3A_79, %add3A_26 : i32
    %and3A_82 = arith.andi %ge3A_80, %le3A_81 : i1
    %slice3A_83 = vector.extract_strided_slice %get3A_63 {offsets = [1], sizes = [1], strides = [1]} : vector<16xf32> to vector<1xf32>
    %squeeze3A_84 = vector.extract %slice3A_83[0] : f32 from vector<1xf32>
    %jit3A_85 = arith.constant 0.000000e+00 : f32
    %select_n3A_86 = arith.select %and3A_82, %squeeze3A_84, %jit3A_85 : f32
    %add3A_87 = arith.addf %add3A_77, %select_n3A_86 : f32
    %add3A_88 = arith.constant 2 : i32
    %add3A_89 = arith.addi %min3A, %add3A_88 : i32
    %ge3A_90 = arith.cmpi sge, %add3A_89, %sub3A_24 : i32
    %le3A_91 = arith.cmpi sle, %add3A_89, %add3A_26 : i32
    %and3A_92 = arith.andi %ge3A_90, %le3A_91 : i1
    %slice3A_93 = vector.extract_strided_slice %get3A_63 {offsets = [2], sizes = [1], strides = [1]} : vector<16xf32> to vector<1xf32>
    %squeeze3A_94 = vector.extract %slice3A_93[0] : f32 from vector<1xf32>
    %jit3A_95 = arith.constant 0.000000e+00 : f32
    %select_n3A_96 = arith.select %and3A_92, %squeeze3A_94, %jit3A_95 : f32
    %add3A_97 = arith.addf %add3A_87, %select_n3A_96 : f32
    %add3A_98 = arith.constant 3 : i32
    %add3A_99 = arith.addi %min3A, %add3A_98 : i32
    %ge3A_100 = arith.cmpi sge, %add3A_99, %sub3A_24 : i32
    %le3A_101 = arith.cmpi sle, %add3A_99, %add3A_26 : i32
    %and3A_102 = arith.andi %ge3A_100, %le3A_101 : i1
    %slice3A_103 = vector.extract_strided_slice %get3A_63 {offsets = [3], sizes = [1], strides = [1]} : vector<16xf32> to vector<1xf32>
    %squeeze3A_104 = vector.extract %slice3A_103[0] : f32 from vector<1xf32>
    %jit3A_105 = arith.constant 0.000000e+00 : f32
    %select_n3A_106 = arith.select %and3A_102, %squeeze3A_104, %jit3A_105 : f32
    %add3A_107 = arith.addf %add3A_97, %select_n3A_106 : f32
    %add3A_108 = arith.constant 4 : i32
    %add3A_109 = arith.addi %min3A, %add3A_108 : i32
    %ge3A_110 = arith.cmpi sge, %add3A_109, %sub3A_24 : i32
    %le3A_111 = arith.cmpi sle, %add3A_109, %add3A_26 : i32
    %and3A_112 = arith.andi %ge3A_110, %le3A_111 : i1
    %slice3A_113 = vector.extract_strided_slice %get3A_63 {offsets = [4], sizes = [1], strides = [1]} : vector<16xf32> to vector<1xf32>
    %squeeze3A_114 = vector.extract %slice3A_113[0] : f32 from vector<1xf32>
    %jit3A_115 = arith.constant 0.000000e+00 : f32
    %select_n3A_116 = arith.select %and3A_112, %squeeze3A_114, %jit3A_115 : f32
    %add3A_117 = arith.addf %add3A_107, %select_n3A_116 : f32
    %add3A_118 = arith.constant 5 : i32
    %add3A_119 = arith.addi %min3A, %add3A_118 : i32
    %ge3A_120 = arith.cmpi sge, %add3A_119, %sub3A_24 : i32
    %le3A_121 = arith.cmpi sle, %add3A_119, %add3A_26 : i32
    %and3A_122 = arith.andi %ge3A_120, %le3A_121 : i1
    %slice3A_123 = vector.extract_strided_slice %get3A_63 {offsets = [5], sizes = [1], strides = [1]} : vector<16xf32> to vector<1xf32>
    %squeeze3A_124 = vector.extract %slice3A_123[0] : f32 from vector<1xf32>
    %jit3A_125 = arith.constant 0.000000e+00 : f32
    %select_n3A_126 = arith.select %and3A_122, %squeeze3A_124, %jit3A_125 : f32
    %add3A_127 = arith.addf %add3A_117, %select_n3A_126 : f32
    %add3A_128 = arith.constant 6 : i32
    %add3A_129 = arith.addi %min3A, %add3A_128 : i32
    %ge3A_130 = arith.cmpi sge, %add3A_129, %sub3A_24 : i32
    %le3A_131 = arith.cmpi sle, %add3A_129, %add3A_26 : i32
    %and3A_132 = arith.andi %ge3A_130, %le3A_131 : i1
    %slice3A_133 = vector.extract_strided_slice %get3A_63 {offsets = [6], sizes = [1], strides = [1]} : vector<16xf32> to vector<1xf32>
    %squeeze3A_134 = vector.extract %slice3A_133[0] : f32 from vector<1xf32>
    %jit3A_135 = arith.constant 0.000000e+00 : f32
    %select_n3A_136 = arith.select %and3A_132, %squeeze3A_134, %jit3A_135 : f32
    %add3A_137 = arith.addf %add3A_127, %select_n3A_136 : f32
    %add3A_138 = arith.constant 7 : i32
    %add3A_139 = arith.addi %min3A, %add3A_138 : i32
    %ge3A_140 = arith.cmpi sge, %add3A_139, %sub3A_24 : i32
    %le3A_141 = arith.cmpi sle, %add3A_139, %add3A_26 : i32
    %and3A_142 = arith.andi %ge3A_140, %le3A_141 : i1
    %slice3A_143 = vector.extract_strided_slice %get3A_63 {offsets = [7], sizes = [1], strides = [1]} : vector<16xf32> to vector<1xf32>
    %squeeze3A_144 = vector.extract %slice3A_143[0] : f32 from vector<1xf32>
    %jit3A_145 = arith.constant 0.000000e+00 : f32
    %select_n3A_146 = arith.select %and3A_142, %squeeze3A_144, %jit3A_145 : f32
    %add3A_147 = arith.addf %add3A_137, %select_n3A_146 : f32
    %add3A_148 = arith.constant 8 : i32
    %add3A_149 = arith.addi %min3A, %add3A_148 : i32
    %ge3A_150 = arith.cmpi sge, %add3A_149, %sub3A_24 : i32
    %le3A_151 = arith.cmpi sle, %add3A_149, %add3A_26 : i32
    %and3A_152 = arith.andi %ge3A_150, %le3A_151 : i1
    %slice3A_153 = vector.extract_strided_slice %get3A_63 {offsets = [8], sizes = [1], strides = [1]} : vector<16xf32> to vector<1xf32>
    %squeeze3A_154 = vector.extract %slice3A_153[0] : f32 from vector<1xf32>
    %jit3A_155 = arith.constant 0.000000e+00 : f32
    %select_n3A_156 = arith.select %and3A_152, %squeeze3A_154, %jit3A_155 : f32
    %add3A_157 = arith.addf %add3A_147, %select_n3A_156 : f32
    %add3A_158 = arith.constant 9 : i32
    %add3A_159 = arith.addi %min3A, %add3A_158 : i32
    %ge3A_160 = arith.cmpi sge, %add3A_159, %sub3A_24 : i32
    %le3A_161 = arith.cmpi sle, %add3A_159, %add3A_26 : i32
    %and3A_162 = arith.andi %ge3A_160, %le3A_161 : i1
    %slice3A_163 = vector.extract_strided_slice %get3A_63 {offsets = [9], sizes = [1], strides = [1]} : vector<16xf32> to vector<1xf32>
    %squeeze3A_164 = vector.extract %slice3A_163[0] : f32 from vector<1xf32>
    %jit3A_165 = arith.constant 0.000000e+00 : f32
    %select_n3A_166 = arith.select %and3A_162, %squeeze3A_164, %jit3A_165 : f32
    %add3A_167 = arith.addf %add3A_157, %select_n3A_166 : f32
    %add3A_168 = arith.constant 10 : i32
    %add3A_169 = arith.addi %min3A, %add3A_168 : i32
    %ge3A_170 = arith.cmpi sge, %add3A_169, %sub3A_24 : i32
    %le3A_171 = arith.cmpi sle, %add3A_169, %add3A_26 : i32
    %and3A_172 = arith.andi %ge3A_170, %le3A_171 : i1
    %slice3A_173 = vector.extract_strided_slice %get3A_63 {offsets = [10], sizes = [1], strides = [1]} : vector<16xf32> to vector<1xf32>
    %squeeze3A_174 = vector.extract %slice3A_173[0] : f32 from vector<1xf32>
    %jit3A_175 = arith.constant 0.000000e+00 : f32
    %select_n3A_176 = arith.select %and3A_172, %squeeze3A_174, %jit3A_175 : f32
    %add3A_177 = arith.addf %add3A_167, %select_n3A_176 : f32
    %add3A_178 = arith.constant 11 : i32
    %add3A_179 = arith.addi %min3A, %add3A_178 : i32
    %ge3A_180 = arith.cmpi sge, %add3A_179, %sub3A_24 : i32
    %le3A_181 = arith.cmpi sle, %add3A_179, %add3A_26 : i32
    %and3A_182 = arith.andi %ge3A_180, %le3A_181 : i1
    %slice3A_183 = vector.extract_strided_slice %get3A_63 {offsets = [11], sizes = [1], strides = [1]} : vector<16xf32> to vector<1xf32>
    %squeeze3A_184 = vector.extract %slice3A_183[0] : f32 from vector<1xf32>
    %jit3A_185 = arith.constant 0.000000e+00 : f32
    %select_n3A_186 = arith.select %and3A_182, %squeeze3A_184, %jit3A_185 : f32
    %add3A_187 = arith.addf %add3A_177, %select_n3A_186 : f32
    %add3A_188 = arith.constant 12 : i32
    %add3A_189 = arith.addi %min3A, %add3A_188 : i32
    %ge3A_190 = arith.cmpi sge, %add3A_189, %sub3A_24 : i32
    %le3A_191 = arith.cmpi sle, %add3A_189, %add3A_26 : i32
    %and3A_192 = arith.andi %ge3A_190, %le3A_191 : i1
    %slice3A_193 = vector.extract_strided_slice %get3A_63 {offsets = [12], sizes = [1], strides = [1]} : vector<16xf32> to vector<1xf32>
    %squeeze3A_194 = vector.extract %slice3A_193[0] : f32 from vector<1xf32>
    %jit3A_195 = arith.constant 0.000000e+00 : f32
    %select_n3A_196 = arith.select %and3A_192, %squeeze3A_194, %jit3A_195 : f32
    %add3A_197 = arith.addf %add3A_187, %select_n3A_196 : f32
    %add3A_198 = arith.constant 13 : i32
    %add3A_199 = arith.addi %min3A, %add3A_198 : i32
    %ge3A_200 = arith.cmpi sge, %add3A_199, %sub3A_24 : i32
    %le3A_201 = arith.cmpi sle, %add3A_199, %add3A_26 : i32
    %and3A_202 = arith.andi %ge3A_200, %le3A_201 : i1
    %slice3A_203 = vector.extract_strided_slice %get3A_63 {offsets = [13], sizes = [1], strides = [1]} : vector<16xf32> to vector<1xf32>
    %squeeze3A_204 = vector.extract %slice3A_203[0] : f32 from vector<1xf32>
    %jit3A_205 = arith.constant 0.000000e+00 : f32
    %select_n3A_206 = arith.select %and3A_202, %squeeze3A_204, %jit3A_205 : f32
    %add3A_207 = arith.addf %add3A_197, %select_n3A_206 : f32
    %add3A_208 = arith.constant 14 : i32
    %add3A_209 = arith.addi %min3A, %add3A_208 : i32
    %ge3A_210 = arith.cmpi sge, %add3A_209, %sub3A_24 : i32
    %le3A_211 = arith.cmpi sle, %add3A_209, %add3A_26 : i32
    %and3A_212 = arith.andi %ge3A_210, %le3A_211 : i1
    %slice3A_213 = vector.extract_strided_slice %get3A_63 {offsets = [14], sizes = [1], strides = [1]} : vector<16xf32> to vector<1xf32>
    %squeeze3A_214 = vector.extract %slice3A_213[0] : f32 from vector<1xf32>
    %jit3A_215 = arith.constant 0.000000e+00 : f32
    %select_n3A_216 = arith.select %and3A_212, %squeeze3A_214, %jit3A_215 : f32
    %add3A_217 = arith.addf %add3A_207, %select_n3A_216 : f32
    %add3A_218 = arith.constant 15 : i32
    %add3A_219 = arith.addi %min3A, %add3A_218 : i32
    %ge3A_220 = arith.cmpi sge, %add3A_219, %sub3A_24 : i32
    %le3A_221 = arith.cmpi sle, %add3A_219, %add3A_26 : i32
    %and3A_222 = arith.andi %ge3A_220, %le3A_221 : i1
    %slice3A_223 = vector.extract_strided_slice %get3A_63 {offsets = [15], sizes = [1], strides = [1]} : vector<16xf32> to vector<1xf32>
    %squeeze3A_224 = vector.extract %slice3A_223[0] : f32 from vector<1xf32>
    %jit3A_225 = arith.constant 0.000000e+00 : f32
    %select_n3A_226 = arith.select %and3A_222, %squeeze3A_224, %jit3A_225 : f32
    %add3A_227 = arith.addf %add3A_217, %select_n3A_226 : f32
    %add3A_228 = arith.constant 16 : i32
    %add3A_229 = arith.addi %min3A, %add3A_228 : i32
    %ge3A_230 = arith.cmpi sge, %add3A_229, %sub3A_24 : i32
    %le3A_231 = arith.cmpi sle, %add3A_229, %add3A_26 : i32
    %and3A_232 = arith.andi %ge3A_230, %le3A_231 : i1
    %slice3A_233 = vector.extract_strided_slice %get3A_68 {offsets = [0], sizes = [1], strides = [1]} : vector<16xf32> to vector<1xf32>
    %squeeze3A_234 = vector.extract %slice3A_233[0] : f32 from vector<1xf32>
    %jit3A_235 = arith.constant 0.000000e+00 : f32
    %select_n3A_236 = arith.select %and3A_232, %squeeze3A_234, %jit3A_235 : f32
    %add3A_237 = arith.addf %add3A_227, %select_n3A_236 : f32
    %add3A_238 = arith.constant 17 : i32
    %add3A_239 = arith.addi %min3A, %add3A_238 : i32
    %ge3A_240 = arith.cmpi sge, %add3A_239, %sub3A_24 : i32
    %le3A_241 = arith.cmpi sle, %add3A_239, %add3A_26 : i32
    %and3A_242 = arith.andi %ge3A_240, %le3A_241 : i1
    %slice3A_243 = vector.extract_strided_slice %get3A_68 {offsets = [1], sizes = [1], strides = [1]} : vector<16xf32> to vector<1xf32>
    %squeeze3A_244 = vector.extract %slice3A_243[0] : f32 from vector<1xf32>
    %jit3A_245 = arith.constant 0.000000e+00 : f32
    %select_n3A_246 = arith.select %and3A_242, %squeeze3A_244, %jit3A_245 : f32
    %add3A_247 = arith.addf %add3A_237, %select_n3A_246 : f32
    %add3A_248 = arith.constant 18 : i32
    %add3A_249 = arith.addi %min3A, %add3A_248 : i32
    %ge3A_250 = arith.cmpi sge, %add3A_249, %sub3A_24 : i32
    %le3A_251 = arith.cmpi sle, %add3A_249, %add3A_26 : i32
    %and3A_252 = arith.andi %ge3A_250, %le3A_251 : i1
    %slice3A_253 = vector.extract_strided_slice %get3A_68 {offsets = [2], sizes = [1], strides = [1]} : vector<16xf32> to vector<1xf32>
    %squeeze3A_254 = vector.extract %slice3A_253[0] : f32 from vector<1xf32>
    %jit3A_255 = arith.constant 0.000000e+00 : f32
    %select_n3A_256 = arith.select %and3A_252, %squeeze3A_254, %jit3A_255 : f32
    %add3A_257 = arith.addf %add3A_247, %select_n3A_256 : f32
    %add3A_258 = arith.constant 19 : i32
    %add3A_259 = arith.addi %min3A, %add3A_258 : i32
    %ge3A_260 = arith.cmpi sge, %add3A_259, %sub3A_24 : i32
    %le3A_261 = arith.cmpi sle, %add3A_259, %add3A_26 : i32
    %and3A_262 = arith.andi %ge3A_260, %le3A_261 : i1
    %slice3A_263 = vector.extract_strided_slice %get3A_68 {offsets = [3], sizes = [1], strides = [1]} : vector<16xf32> to vector<1xf32>
    %squeeze3A_264 = vector.extract %slice3A_263[0] : f32 from vector<1xf32>
    %jit3A_265 = arith.constant 0.000000e+00 : f32
    %select_n3A_266 = arith.select %and3A_262, %squeeze3A_264, %jit3A_265 : f32
    %add3A_267 = arith.addf %add3A_257, %select_n3A_266 : f32
    %add3A_268 = arith.constant 20 : i32
    %add3A_269 = arith.addi %min3A, %add3A_268 : i32
    %ge3A_270 = arith.cmpi sge, %add3A_269, %sub3A_24 : i32
    %le3A_271 = arith.cmpi sle, %add3A_269, %add3A_26 : i32
    %and3A_272 = arith.andi %ge3A_270, %le3A_271 : i1
    %slice3A_273 = vector.extract_strided_slice %get3A_68 {offsets = [4], sizes = [1], strides = [1]} : vector<16xf32> to vector<1xf32>
    %squeeze3A_274 = vector.extract %slice3A_273[0] : f32 from vector<1xf32>
    %jit3A_275 = arith.constant 0.000000e+00 : f32
    %select_n3A_276 = arith.select %and3A_272, %squeeze3A_274, %jit3A_275 : f32
    %add3A_277 = arith.addf %add3A_267, %select_n3A_276 : f32
    %add3A_278 = arith.constant 21 : i32
    %add3A_279 = arith.addi %min3A, %add3A_278 : i32
    %ge3A_280 = arith.cmpi sge, %add3A_279, %sub3A_24 : i32
    %le3A_281 = arith.cmpi sle, %add3A_279, %add3A_26 : i32
    %and3A_282 = arith.andi %ge3A_280, %le3A_281 : i1
    %slice3A_283 = vector.extract_strided_slice %get3A_68 {offsets = [5], sizes = [1], strides = [1]} : vector<16xf32> to vector<1xf32>
    %squeeze3A_284 = vector.extract %slice3A_283[0] : f32 from vector<1xf32>
    %jit3A_285 = arith.constant 0.000000e+00 : f32
    %select_n3A_286 = arith.select %and3A_282, %squeeze3A_284, %jit3A_285 : f32
    %add3A_287 = arith.addf %add3A_277, %select_n3A_286 : f32
    %add3A_288 = arith.constant 22 : i32
    %add3A_289 = arith.addi %min3A, %add3A_288 : i32
    %ge3A_290 = arith.cmpi sge, %add3A_289, %sub3A_24 : i32
    %le3A_291 = arith.cmpi sle, %add3A_289, %add3A_26 : i32
    %and3A_292 = arith.andi %ge3A_290, %le3A_291 : i1
    %slice3A_293 = vector.extract_strided_slice %get3A_68 {offsets = [6], sizes = [1], strides = [1]} : vector<16xf32> to vector<1xf32>
    %squeeze3A_294 = vector.extract %slice3A_293[0] : f32 from vector<1xf32>
    %jit3A_295 = arith.constant 0.000000e+00 : f32
    %select_n3A_296 = arith.select %and3A_292, %squeeze3A_294, %jit3A_295 : f32
    %add3A_297 = arith.addf %add3A_287, %select_n3A_296 : f32
    %add3A_298 = arith.constant 23 : i32
    %add3A_299 = arith.addi %min3A, %add3A_298 : i32
    %ge3A_300 = arith.cmpi sge, %add3A_299, %sub3A_24 : i32
    %le3A_301 = arith.cmpi sle, %add3A_299, %add3A_26 : i32
    %and3A_302 = arith.andi %ge3A_300, %le3A_301 : i1
    %slice3A_303 = vector.extract_strided_slice %get3A_68 {offsets = [7], sizes = [1], strides = [1]} : vector<16xf32> to vector<1xf32>
    %squeeze3A_304 = vector.extract %slice3A_303[0] : f32 from vector<1xf32>
    %jit3A_305 = arith.constant 0.000000e+00 : f32
    %select_n3A_306 = arith.select %and3A_302, %squeeze3A_304, %jit3A_305 : f32
    %add3A_307 = arith.addf %add3A_297, %select_n3A_306 : f32
    %add3A_308 = arith.constant 24 : i32
    %add3A_309 = arith.addi %min3A, %add3A_308 : i32
    %ge3A_310 = arith.cmpi sge, %add3A_309, %sub3A_24 : i32
    %le3A_311 = arith.cmpi sle, %add3A_309, %add3A_26 : i32
    %and3A_312 = arith.andi %ge3A_310, %le3A_311 : i1
    %slice3A_313 = vector.extract_strided_slice %get3A_68 {offsets = [8], sizes = [1], strides = [1]} : vector<16xf32> to vector<1xf32>
    %squeeze3A_314 = vector.extract %slice3A_313[0] : f32 from vector<1xf32>
    %jit3A_315 = arith.constant 0.000000e+00 : f32
    %select_n3A_316 = arith.select %and3A_312, %squeeze3A_314, %jit3A_315 : f32
    %add3A_317 = arith.addf %add3A_307, %select_n3A_316 : f32
    %add3A_318 = arith.constant 25 : i32
    %add3A_319 = arith.addi %min3A, %add3A_318 : i32
    %ge3A_320 = arith.cmpi sge, %add3A_319, %sub3A_24 : i32
    %le3A_321 = arith.cmpi sle, %add3A_319, %add3A_26 : i32
    %and3A_322 = arith.andi %ge3A_320, %le3A_321 : i1
    %slice3A_323 = vector.extract_strided_slice %get3A_68 {offsets = [9], sizes = [1], strides = [1]} : vector<16xf32> to vector<1xf32>
    %squeeze3A_324 = vector.extract %slice3A_323[0] : f32 from vector<1xf32>
    %jit3A_325 = arith.constant 0.000000e+00 : f32
    %select_n3A_326 = arith.select %and3A_322, %squeeze3A_324, %jit3A_325 : f32
    %add3A_327 = arith.addf %add3A_317, %select_n3A_326 : f32
    %add3A_328 = arith.constant 26 : i32
    %add3A_329 = arith.addi %min3A, %add3A_328 : i32
    %ge3A_330 = arith.cmpi sge, %add3A_329, %sub3A_24 : i32
    %le3A_331 = arith.cmpi sle, %add3A_329, %add3A_26 : i32
    %and3A_332 = arith.andi %ge3A_330, %le3A_331 : i1
    %slice3A_333 = vector.extract_strided_slice %get3A_68 {offsets = [10], sizes = [1], strides = [1]} : vector<16xf32> to vector<1xf32>
    %squeeze3A_334 = vector.extract %slice3A_333[0] : f32 from vector<1xf32>
    %jit3A_335 = arith.constant 0.000000e+00 : f32
    %select_n3A_336 = arith.select %and3A_332, %squeeze3A_334, %jit3A_335 : f32
    %add3A_337 = arith.addf %add3A_327, %select_n3A_336 : f32
    %add3A_338 = arith.constant 27 : i32
    %add3A_339 = arith.addi %min3A, %add3A_338 : i32
    %ge3A_340 = arith.cmpi sge, %add3A_339, %sub3A_24 : i32
    %le3A_341 = arith.cmpi sle, %add3A_339, %add3A_26 : i32
    %and3A_342 = arith.andi %ge3A_340, %le3A_341 : i1
    %slice3A_343 = vector.extract_strided_slice %get3A_68 {offsets = [11], sizes = [1], strides = [1]} : vector<16xf32> to vector<1xf32>
    %squeeze3A_344 = vector.extract %slice3A_343[0] : f32 from vector<1xf32>
    %jit3A_345 = arith.constant 0.000000e+00 : f32
    %select_n3A_346 = arith.select %and3A_342, %squeeze3A_344, %jit3A_345 : f32
    %add3A_347 = arith.addf %add3A_337, %select_n3A_346 : f32
    %add3A_348 = arith.constant 28 : i32
    %add3A_349 = arith.addi %min3A, %add3A_348 : i32
    %ge3A_350 = arith.cmpi sge, %add3A_349, %sub3A_24 : i32
    %le3A_351 = arith.cmpi sle, %add3A_349, %add3A_26 : i32
    %and3A_352 = arith.andi %ge3A_350, %le3A_351 : i1
    %slice3A_353 = vector.extract_strided_slice %get3A_68 {offsets = [12], sizes = [1], strides = [1]} : vector<16xf32> to vector<1xf32>
    %squeeze3A_354 = vector.extract %slice3A_353[0] : f32 from vector<1xf32>
    %jit3A_355 = arith.constant 0.000000e+00 : f32
    %select_n3A_356 = arith.select %and3A_352, %squeeze3A_354, %jit3A_355 : f32
    %add3A_357 = arith.addf %add3A_347, %select_n3A_356 : f32
    %add3A_358 = arith.constant 29 : i32
    %add3A_359 = arith.addi %min3A, %add3A_358 : i32
    %ge3A_360 = arith.cmpi sge, %add3A_359, %sub3A_24 : i32
    %le3A_361 = arith.cmpi sle, %add3A_359, %add3A_26 : i32
    %and3A_362 = arith.andi %ge3A_360, %le3A_361 : i1
    %slice3A_363 = vector.extract_strided_slice %get3A_68 {offsets = [13], sizes = [1], strides = [1]} : vector<16xf32> to vector<1xf32>
    %squeeze3A_364 = vector.extract %slice3A_363[0] : f32 from vector<1xf32>
    %jit3A_365 = arith.constant 0.000000e+00 : f32
    %select_n3A_366 = arith.select %and3A_362, %squeeze3A_364, %jit3A_365 : f32
    %add3A_367 = arith.addf %add3A_357, %select_n3A_366 : f32
    %add3A_368 = arith.constant 30 : i32
    %add3A_369 = arith.addi %min3A, %add3A_368 : i32
    %ge3A_370 = arith.cmpi sge, %add3A_369, %sub3A_24 : i32
    %le3A_371 = arith.cmpi sle, %add3A_369, %add3A_26 : i32
    %and3A_372 = arith.andi %ge3A_370, %le3A_371 : i1
    %slice3A_373 = vector.extract_strided_slice %get3A_68 {offsets = [14], sizes = [1], strides = [1]} : vector<16xf32> to vector<1xf32>
    %squeeze3A_374 = vector.extract %slice3A_373[0] : f32 from vector<1xf32>
    %jit3A_375 = arith.constant 0.000000e+00 : f32
    %select_n3A_376 = arith.select %and3A_372, %squeeze3A_374, %jit3A_375 : f32
    %add3A_377 = arith.addf %add3A_367, %select_n3A_376 : f32
    %sub3A_378 = arith.subi %squeeze3A, %min3A_56 : i32
    %broadcast_in_dim3A = arith.constant 0.000000e+00 : f32
    %broadcast_in_dim3A_379 = vector.broadcast %broadcast_in_dim3A : f32 to vector<16xf32>
    %scan3A = arith.constant 0 : i32
    %scan3A_380 = arith.constant 64 : i32
    %scan3A_381 = arith.addi %scan3A, %scan3A_380 : i32
    %scan3A_382 = arith.constant 1 : i32
    %scan3A_383 = scf.for %scan3A_793 = %scan3A to %scan3A_381 step %scan3A_382 iter_args(%scan3A_794 = %broadcast_in_dim3A_379) -> (vector<16xf32>)  : i32 {
      %mul3A_795 = arith.constant 16 : i32
      %mul3A_796 = arith.muli %scan3A_793, %mul3A_795 : i32
      %broadcast_in_dim3A_797 = arith.constant 0.000000e+00 : f32
      %broadcast_in_dim3A_798 = vector.broadcast %broadcast_in_dim3A_797 : f32 to vector<16xf32>
      %broadcast_in_dim3A_799 = arith.constant 0.000000e+00 : f32
      %broadcast_in_dim3A_800 = vector.broadcast %broadcast_in_dim3A_799 : f32 to vector<16xf32>
      %add3A_801 = arith.constant 0 : i32
      %add3A_802 = arith.addi %sub3A_60, %add3A_801 : i32
      %get3A_803 = arith.index_cast %add3A_802 : i32 to index
      %get3A_804 = arith.index_cast %mul3A_796 : i32 to index
      %get3A_805 = tpu.vector_load %arg8[%get3A_803, %get3A_804] {strides = array<i32>} : memref<40x1024xf32, #tpu.memory_space<vmem>>, vector<1x16xf32>,
      %get3A_806 = vector.shape_cast %get3A_805 : vector<1x16xf32> to vector<16xf32>
      %mul3A_807 = vector.broadcast %select_n3A_75 : f32 to vector<16xf32>
      %mul3A_808 = arith.mulf %get3A_806, %mul3A_807 : vector<16xf32>
      %max3A_809 = arith.maximumf %broadcast_in_dim3A_798, %mul3A_808 : vector<16xf32>
      %add3A_810 = arith.addf %broadcast_in_dim3A_800, %mul3A_808 : vector<16xf32>
      %add3A_811 = arith.constant 1 : i32
      %add3A_812 = arith.addi %sub3A_60, %add3A_811 : i32
      %get3A_813 = arith.index_cast %add3A_812 : i32 to index
      %get3A_814 = arith.index_cast %mul3A_796 : i32 to index
      %get3A_815 = tpu.vector_load %arg8[%get3A_813, %get3A_814] {strides = array<i32>} : memref<40x1024xf32, #tpu.memory_space<vmem>>, vector<1x16xf32>,
      %get3A_816 = vector.shape_cast %get3A_815 : vector<1x16xf32> to vector<16xf32>
      %mul3A_817 = vector.broadcast %select_n3A_86 : f32 to vector<16xf32>
      %mul3A_818 = arith.mulf %get3A_816, %mul3A_817 : vector<16xf32>
      %max3A_819 = arith.maximumf %max3A_809, %mul3A_818 : vector<16xf32>
      %add3A_820 = arith.addf %add3A_810, %mul3A_818 : vector<16xf32>
      %add3A_821 = arith.constant 2 : i32
      %add3A_822 = arith.addi %sub3A_60, %add3A_821 : i32
      %get3A_823 = arith.index_cast %add3A_822 : i32 to index
      %get3A_824 = arith.index_cast %mul3A_796 : i32 to index
      %get3A_825 = tpu.vector_load %arg8[%get3A_823, %get3A_824] {strides = array<i32>} : memref<40x1024xf32, #tpu.memory_space<vmem>>, vector<1x16xf32>,
      %get3A_826 = vector.shape_cast %get3A_825 : vector<1x16xf32> to vector<16xf32>
      %mul3A_827 = vector.broadcast %select_n3A_96 : f32 to vector<16xf32>
      %mul3A_828 = arith.mulf %get3A_826, %mul3A_827 : vector<16xf32>
      %max3A_829 = arith.maximumf %max3A_819, %mul3A_828 : vector<16xf32>
      %add3A_830 = arith.addf %add3A_820, %mul3A_828 : vector<16xf32>
      %add3A_831 = arith.constant 3 : i32
      %add3A_832 = arith.addi %sub3A_60, %add3A_831 : i32
      %get3A_833 = arith.index_cast %add3A_832 : i32 to index
      %get3A_834 = arith.index_cast %mul3A_796 : i32 to index
      %get3A_835 = tpu.vector_load %arg8[%get3A_833, %get3A_834] {strides = array<i32>} : memref<40x1024xf32, #tpu.memory_space<vmem>>, vector<1x16xf32>,
      %get3A_836 = vector.shape_cast %get3A_835 : vector<1x16xf32> to vector<16xf32>
      %mul3A_837 = vector.broadcast %select_n3A_106 : f32 to vector<16xf32>
      %mul3A_838 = arith.mulf %get3A_836, %mul3A_837 : vector<16xf32>
      %max3A_839 = arith.maximumf %max3A_829, %mul3A_838 : vector<16xf32>
      %add3A_840 = arith.addf %add3A_830, %mul3A_838 : vector<16xf32>
      %add3A_841 = arith.constant 4 : i32
      %add3A_842 = arith.addi %sub3A_60, %add3A_841 : i32
      %get3A_843 = arith.index_cast %add3A_842 : i32 to index
      %get3A_844 = arith.index_cast %mul3A_796 : i32 to index
      %get3A_845 = tpu.vector_load %arg8[%get3A_843, %get3A_844] {strides = array<i32>} : memref<40x1024xf32, #tpu.memory_space<vmem>>, vector<1x16xf32>,
      %get3A_846 = vector.shape_cast %get3A_845 : vector<1x16xf32> to vector<16xf32>
      %mul3A_847 = vector.broadcast %select_n3A_116 : f32 to vector<16xf32>
      %mul3A_848 = arith.mulf %get3A_846, %mul3A_847 : vector<16xf32>
      %max3A_849 = arith.maximumf %max3A_839, %mul3A_848 : vector<16xf32>
      %add3A_850 = arith.addf %add3A_840, %mul3A_848 : vector<16xf32>
      %add3A_851 = arith.constant 5 : i32
      %add3A_852 = arith.addi %sub3A_60, %add3A_851 : i32
      %get3A_853 = arith.index_cast %add3A_852 : i32 to index
      %get3A_854 = arith.index_cast %mul3A_796 : i32 to index
      %get3A_855 = tpu.vector_load %arg8[%get3A_853, %get3A_854] {strides = array<i32>} : memref<40x1024xf32, #tpu.memory_space<vmem>>, vector<1x16xf32>,
      %get3A_856 = vector.shape_cast %get3A_855 : vector<1x16xf32> to vector<16xf32>
      %mul3A_857 = vector.broadcast %select_n3A_126 : f32 to vector<16xf32>
      %mul3A_858 = arith.mulf %get3A_856, %mul3A_857 : vector<16xf32>
      %max3A_859 = arith.maximumf %max3A_849, %mul3A_858 : vector<16xf32>
      %add3A_860 = arith.addf %add3A_850, %mul3A_858 : vector<16xf32>
      %add3A_861 = arith.constant 6 : i32
      %add3A_862 = arith.addi %sub3A_60, %add3A_861 : i32
      %get3A_863 = arith.index_cast %add3A_862 : i32 to index
      %get3A_864 = arith.index_cast %mul3A_796 : i32 to index
      %get3A_865 = tpu.vector_load %arg8[%get3A_863, %get3A_864] {strides = array<i32>} : memref<40x1024xf32, #tpu.memory_space<vmem>>, vector<1x16xf32>,
      %get3A_866 = vector.shape_cast %get3A_865 : vector<1x16xf32> to vector<16xf32>
      %mul3A_867 = vector.broadcast %select_n3A_136 : f32 to vector<16xf32>
      %mul3A_868 = arith.mulf %get3A_866, %mul3A_867 : vector<16xf32>
      %max3A_869 = arith.maximumf %max3A_859, %mul3A_868 : vector<16xf32>
      %add3A_870 = arith.addf %add3A_860, %mul3A_868 : vector<16xf32>
      %add3A_871 = arith.constant 7 : i32
      %add3A_872 = arith.addi %sub3A_60, %add3A_871 : i32
      %get3A_873 = arith.index_cast %add3A_872 : i32 to index
      %get3A_874 = arith.index_cast %mul3A_796 : i32 to index
      %get3A_875 = tpu.vector_load %arg8[%get3A_873, %get3A_874] {strides = array<i32>} : memref<40x1024xf32, #tpu.memory_space<vmem>>, vector<1x16xf32>,
      %get3A_876 = vector.shape_cast %get3A_875 : vector<1x16xf32> to vector<16xf32>
      %mul3A_877 = vector.broadcast %select_n3A_146 : f32 to vector<16xf32>
      %mul3A_878 = arith.mulf %get3A_876, %mul3A_877 : vector<16xf32>
      %max3A_879 = arith.maximumf %max3A_869, %mul3A_878 : vector<16xf32>
      %add3A_880 = arith.addf %add3A_870, %mul3A_878 : vector<16xf32>
      %add3A_881 = arith.constant 8 : i32
      %add3A_882 = arith.addi %sub3A_60, %add3A_881 : i32
      %get3A_883 = arith.index_cast %add3A_882 : i32 to index
      %get3A_884 = arith.index_cast %mul3A_796 : i32 to index
      %get3A_885 = tpu.vector_load %arg8[%get3A_883, %get3A_884] {strides = array<i32>} : memref<40x1024xf32, #tpu.memory_space<vmem>>, vector<1x16xf32>,
      %get3A_886 = vector.shape_cast %get3A_885 : vector<1x16xf32> to vector<16xf32>
      %mul3A_887 = vector.broadcast %select_n3A_156 : f32 to vector<16xf32>
      %mul3A_888 = arith.mulf %get3A_886, %mul3A_887 : vector<16xf32>
      %max3A_889 = arith.maximumf %max3A_879, %mul3A_888 : vector<16xf32>
      %add3A_890 = arith.addf %add3A_880, %mul3A_888 : vector<16xf32>
      %add3A_891 = arith.constant 9 : i32
      %add3A_892 = arith.addi %sub3A_60, %add3A_891 : i32
      %get3A_893 = arith.index_cast %add3A_892 : i32 to index
      %get3A_894 = arith.index_cast %mul3A_796 : i32 to index
      %get3A_895 = tpu.vector_load %arg8[%get3A_893, %get3A_894] {strides = array<i32>} : memref<40x1024xf32, #tpu.memory_space<vmem>>, vector<1x16xf32>,
      %get3A_896 = vector.shape_cast %get3A_895 : vector<1x16xf32> to vector<16xf32>
      %mul3A_897 = vector.broadcast %select_n3A_166 : f32 to vector<16xf32>
      %mul3A_898 = arith.mulf %get3A_896, %mul3A_897 : vector<16xf32>
      %max3A_899 = arith.maximumf %max3A_889, %mul3A_898 : vector<16xf32>
      %add3A_900 = arith.addf %add3A_890, %mul3A_898 : vector<16xf32>
      %add3A_901 = arith.constant 10 : i32
      %add3A_902 = arith.addi %sub3A_60, %add3A_901 : i32
      %get3A_903 = arith.index_cast %add3A_902 : i32 to index
      %get3A_904 = arith.index_cast %mul3A_796 : i32 to index
      %get3A_905 = tpu.vector_load %arg8[%get3A_903, %get3A_904] {strides = array<i32>} : memref<40x1024xf32, #tpu.memory_space<vmem>>, vector<1x16xf32>,
      %get3A_906 = vector.shape_cast %get3A_905 : vector<1x16xf32> to vector<16xf32>
      %mul3A_907 = vector.broadcast %select_n3A_176 : f32 to vector<16xf32>
      %mul3A_908 = arith.mulf %get3A_906, %mul3A_907 : vector<16xf32>
      %max3A_909 = arith.maximumf %max3A_899, %mul3A_908 : vector<16xf32>
      %add3A_910 = arith.addf %add3A_900, %mul3A_908 : vector<16xf32>
      %add3A_911 = arith.constant 11 : i32
      %add3A_912 = arith.addi %sub3A_60, %add3A_911 : i32
      %get3A_913 = arith.index_cast %add3A_912 : i32 to index
      %get3A_914 = arith.index_cast %mul3A_796 : i32 to index
      %get3A_915 = tpu.vector_load %arg8[%get3A_913, %get3A_914] {strides = array<i32>} : memref<40x1024xf32, #tpu.memory_space<vmem>>, vector<1x16xf32>,
      %get3A_916 = vector.shape_cast %get3A_915 : vector<1x16xf32> to vector<16xf32>
      %mul3A_917 = vector.broadcast %select_n3A_186 : f32 to vector<16xf32>
      %mul3A_918 = arith.mulf %get3A_916, %mul3A_917 : vector<16xf32>
      %max3A_919 = arith.maximumf %max3A_909, %mul3A_918 : vector<16xf32>
      %add3A_920 = arith.addf %add3A_910, %mul3A_918 : vector<16xf32>
      %add3A_921 = arith.constant 12 : i32
      %add3A_922 = arith.addi %sub3A_60, %add3A_921 : i32
      %get3A_923 = arith.index_cast %add3A_922 : i32 to index
      %get3A_924 = arith.index_cast %mul3A_796 : i32 to index
      %get3A_925 = tpu.vector_load %arg8[%get3A_923, %get3A_924] {strides = array<i32>} : memref<40x1024xf32, #tpu.memory_space<vmem>>, vector<1x16xf32>,
      %get3A_926 = vector.shape_cast %get3A_925 : vector<1x16xf32> to vector<16xf32>
      %mul3A_927 = vector.broadcast %select_n3A_196 : f32 to vector<16xf32>
      %mul3A_928 = arith.mulf %get3A_926, %mul3A_927 : vector<16xf32>
      %max3A_929 = arith.maximumf %max3A_919, %mul3A_928 : vector<16xf32>
      %add3A_930 = arith.addf %add3A_920, %mul3A_928 : vector<16xf32>
      %add3A_931 = arith.constant 13 : i32
      %add3A_932 = arith.addi %sub3A_60, %add3A_931 : i32
      %get3A_933 = arith.index_cast %add3A_932 : i32 to index
      %get3A_934 = arith.index_cast %mul3A_796 : i32 to index
      %get3A_935 = tpu.vector_load %arg8[%get3A_933, %get3A_934] {strides = array<i32>} : memref<40x1024xf32, #tpu.memory_space<vmem>>, vector<1x16xf32>,
      %get3A_936 = vector.shape_cast %get3A_935 : vector<1x16xf32> to vector<16xf32>
      %mul3A_937 = vector.broadcast %select_n3A_206 : f32 to vector<16xf32>
      %mul3A_938 = arith.mulf %get3A_936, %mul3A_937 : vector<16xf32>
      %max3A_939 = arith.maximumf %max3A_929, %mul3A_938 : vector<16xf32>
      %add3A_940 = arith.addf %add3A_930, %mul3A_938 : vector<16xf32>
      %add3A_941 = arith.constant 14 : i32
      %add3A_942 = arith.addi %sub3A_60, %add3A_941 : i32
      %get3A_943 = arith.index_cast %add3A_942 : i32 to index
      %get3A_944 = arith.index_cast %mul3A_796 : i32 to index
      %get3A_945 = tpu.vector_load %arg8[%get3A_943, %get3A_944] {strides = array<i32>} : memref<40x1024xf32, #tpu.memory_space<vmem>>, vector<1x16xf32>,
      %get3A_946 = vector.shape_cast %get3A_945 : vector<1x16xf32> to vector<16xf32>
      %mul3A_947 = vector.broadcast %select_n3A_216 : f32 to vector<16xf32>
      %mul3A_948 = arith.mulf %get3A_946, %mul3A_947 : vector<16xf32>
      %max3A_949 = arith.maximumf %max3A_939, %mul3A_948 : vector<16xf32>
      %add3A_950 = arith.addf %add3A_940, %mul3A_948 : vector<16xf32>
      %add3A_951 = arith.constant 15 : i32
      %add3A_952 = arith.addi %sub3A_60, %add3A_951 : i32
      %get3A_953 = arith.index_cast %add3A_952 : i32 to index
      %get3A_954 = arith.index_cast %mul3A_796 : i32 to index
      %get3A_955 = tpu.vector_load %arg8[%get3A_953, %get3A_954] {strides = array<i32>} : memref<40x1024xf32, #tpu.memory_space<vmem>>, vector<1x16xf32>,
      %get3A_956 = vector.shape_cast %get3A_955 : vector<1x16xf32> to vector<16xf32>
      %mul3A_957 = vector.broadcast %select_n3A_226 : f32 to vector<16xf32>
      %mul3A_958 = arith.mulf %get3A_956, %mul3A_957 : vector<16xf32>
      %max3A_959 = arith.maximumf %max3A_949, %mul3A_958 : vector<16xf32>
      %add3A_960 = arith.addf %add3A_950, %mul3A_958 : vector<16xf32>
      %add3A_961 = arith.constant 16 : i32
      %add3A_962 = arith.addi %sub3A_60, %add3A_961 : i32
      %get3A_963 = arith.index_cast %add3A_962 : i32 to index
      %get3A_964 = arith.index_cast %mul3A_796 : i32 to index
      %get3A_965 = tpu.vector_load %arg8[%get3A_963, %get3A_964] {strides = array<i32>} : memref<40x1024xf32, #tpu.memory_space<vmem>>, vector<1x16xf32>,
      %get3A_966 = vector.shape_cast %get3A_965 : vector<1x16xf32> to vector<16xf32>
      %mul3A_967 = vector.broadcast %select_n3A_236 : f32 to vector<16xf32>
      %mul3A_968 = arith.mulf %get3A_966, %mul3A_967 : vector<16xf32>
      %max3A_969 = arith.maximumf %max3A_959, %mul3A_968 : vector<16xf32>
      %add3A_970 = arith.addf %add3A_960, %mul3A_968 : vector<16xf32>
      %add3A_971 = arith.constant 17 : i32
      %add3A_972 = arith.addi %sub3A_60, %add3A_971 : i32
      %get3A_973 = arith.index_cast %add3A_972 : i32 to index
      %get3A_974 = arith.index_cast %mul3A_796 : i32 to index
      %get3A_975 = tpu.vector_load %arg8[%get3A_973, %get3A_974] {strides = array<i32>} : memref<40x1024xf32, #tpu.memory_space<vmem>>, vector<1x16xf32>,
      %get3A_976 = vector.shape_cast %get3A_975 : vector<1x16xf32> to vector<16xf32>
      %mul3A_977 = vector.broadcast %select_n3A_246 : f32 to vector<16xf32>
      %mul3A_978 = arith.mulf %get3A_976, %mul3A_977 : vector<16xf32>
      %max3A_979 = arith.maximumf %max3A_969, %mul3A_978 : vector<16xf32>
      %add3A_980 = arith.addf %add3A_970, %mul3A_978 : vector<16xf32>
      %add3A_981 = arith.constant 18 : i32
      %add3A_982 = arith.addi %sub3A_60, %add3A_981 : i32
      %get3A_983 = arith.index_cast %add3A_982 : i32 to index
      %get3A_984 = arith.index_cast %mul3A_796 : i32 to index
      %get3A_985 = tpu.vector_load %arg8[%get3A_983, %get3A_984] {strides = array<i32>} : memref<40x1024xf32, #tpu.memory_space<vmem>>, vector<1x16xf32>,
      %get3A_986 = vector.shape_cast %get3A_985 : vector<1x16xf32> to vector<16xf32>
      %mul3A_987 = vector.broadcast %select_n3A_256 : f32 to vector<16xf32>
      %mul3A_988 = arith.mulf %get3A_986, %mul3A_987 : vector<16xf32>
      %max3A_989 = arith.maximumf %max3A_979, %mul3A_988 : vector<16xf32>
      %add3A_990 = arith.addf %add3A_980, %mul3A_988 : vector<16xf32>
      %add3A_991 = arith.constant 19 : i32
      %add3A_992 = arith.addi %sub3A_60, %add3A_991 : i32
      %get3A_993 = arith.index_cast %add3A_992 : i32 to index
      %get3A_994 = arith.index_cast %mul3A_796 : i32 to index
      %get3A_995 = tpu.vector_load %arg8[%get3A_993, %get3A_994] {strides = array<i32>} : memref<40x1024xf32, #tpu.memory_space<vmem>>, vector<1x16xf32>,
      %get3A_996 = vector.shape_cast %get3A_995 : vector<1x16xf32> to vector<16xf32>
      %mul3A_997 = vector.broadcast %select_n3A_266 : f32 to vector<16xf32>
      %mul3A_998 = arith.mulf %get3A_996, %mul3A_997 : vector<16xf32>
      %max3A_999 = arith.maximumf %max3A_989, %mul3A_998 : vector<16xf32>
      %add3A_1000 = arith.addf %add3A_990, %mul3A_998 : vector<16xf32>
      %add3A_1001 = arith.constant 20 : i32
      %add3A_1002 = arith.addi %sub3A_60, %add3A_1001 : i32
      %get3A_1003 = arith.index_cast %add3A_1002 : i32 to index
      %get3A_1004 = arith.index_cast %mul3A_796 : i32 to index
      %get3A_1005 = tpu.vector_load %arg8[%get3A_1003, %get3A_1004] {strides = array<i32>} : memref<40x1024xf32, #tpu.memory_space<vmem>>, vector<1x16xf32>,
      %get3A_1006 = vector.shape_cast %get3A_1005 : vector<1x16xf32> to vector<16xf32>
      %mul3A_1007 = vector.broadcast %select_n3A_276 : f32 to vector<16xf32>
      %mul3A_1008 = arith.mulf %get3A_1006, %mul3A_1007 : vector<16xf32>
      %max3A_1009 = arith.maximumf %max3A_999, %mul3A_1008 : vector<16xf32>
      %add3A_1010 = arith.addf %add3A_1000, %mul3A_1008 : vector<16xf32>
      %add3A_1011 = arith.constant 21 : i32
      %add3A_1012 = arith.addi %sub3A_60, %add3A_1011 : i32
      %get3A_1013 = arith.index_cast %add3A_1012 : i32 to index
      %get3A_1014 = arith.index_cast %mul3A_796 : i32 to index
      %get3A_1015 = tpu.vector_load %arg8[%get3A_1013, %get3A_1014] {strides = array<i32>} : memref<40x1024xf32, #tpu.memory_space<vmem>>, vector<1x16xf32>,
      %get3A_1016 = vector.shape_cast %get3A_1015 : vector<1x16xf32> to vector<16xf32>
      %mul3A_1017 = vector.broadcast %select_n3A_286 : f32 to vector<16xf32>
      %mul3A_1018 = arith.mulf %get3A_1016, %mul3A_1017 : vector<16xf32>
      %max3A_1019 = arith.maximumf %max3A_1009, %mul3A_1018 : vector<16xf32>
      %add3A_1020 = arith.addf %add3A_1010, %mul3A_1018 : vector<16xf32>
      %add3A_1021 = arith.constant 22 : i32
      %add3A_1022 = arith.addi %sub3A_60, %add3A_1021 : i32
      %get3A_1023 = arith.index_cast %add3A_1022 : i32 to index
      %get3A_1024 = arith.index_cast %mul3A_796 : i32 to index
      %get3A_1025 = tpu.vector_load %arg8[%get3A_1023, %get3A_1024] {strides = array<i32>} : memref<40x1024xf32, #tpu.memory_space<vmem>>, vector<1x16xf32>,
      %get3A_1026 = vector.shape_cast %get3A_1025 : vector<1x16xf32> to vector<16xf32>
      %mul3A_1027 = vector.broadcast %select_n3A_296 : f32 to vector<16xf32>
      %mul3A_1028 = arith.mulf %get3A_1026, %mul3A_1027 : vector<16xf32>
      %max3A_1029 = arith.maximumf %max3A_1019, %mul3A_1028 : vector<16xf32>
      %add3A_1030 = arith.addf %add3A_1020, %mul3A_1028 : vector<16xf32>
      %add3A_1031 = arith.constant 23 : i32
      %add3A_1032 = arith.addi %sub3A_60, %add3A_1031 : i32
      %get3A_1033 = arith.index_cast %add3A_1032 : i32 to index
      %get3A_1034 = arith.index_cast %mul3A_796 : i32 to index
      %get3A_1035 = tpu.vector_load %arg8[%get3A_1033, %get3A_1034] {strides = array<i32>} : memref<40x1024xf32, #tpu.memory_space<vmem>>, vector<1x16xf32>,
      %get3A_1036 = vector.shape_cast %get3A_1035 : vector<1x16xf32> to vector<16xf32>
      %mul3A_1037 = vector.broadcast %select_n3A_306 : f32 to vector<16xf32>
      %mul3A_1038 = arith.mulf %get3A_1036, %mul3A_1037 : vector<16xf32>
      %max3A_1039 = arith.maximumf %max3A_1029, %mul3A_1038 : vector<16xf32>
      %add3A_1040 = arith.addf %add3A_1030, %mul3A_1038 : vector<16xf32>
      %add3A_1041 = arith.constant 24 : i32
      %add3A_1042 = arith.addi %sub3A_60, %add3A_1041 : i32
      %get3A_1043 = arith.index_cast %add3A_1042 : i32 to index
      %get3A_1044 = arith.index_cast %mul3A_796 : i32 to index
      %get3A_1045 = tpu.vector_load %arg8[%get3A_1043, %get3A_1044] {strides = array<i32>} : memref<40x1024xf32, #tpu.memory_space<vmem>>, vector<1x16xf32>,
      %get3A_1046 = vector.shape_cast %get3A_1045 : vector<1x16xf32> to vector<16xf32>
      %mul3A_1047 = vector.broadcast %select_n3A_316 : f32 to vector<16xf32>
      %mul3A_1048 = arith.mulf %get3A_1046, %mul3A_1047 : vector<16xf32>
      %max3A_1049 = arith.maximumf %max3A_1039, %mul3A_1048 : vector<16xf32>
      %add3A_1050 = arith.addf %add3A_1040, %mul3A_1048 : vector<16xf32>
      %add3A_1051 = arith.constant 25 : i32
      %add3A_1052 = arith.addi %sub3A_60, %add3A_1051 : i32
      %get3A_1053 = arith.index_cast %add3A_1052 : i32 to index
      %get3A_1054 = arith.index_cast %mul3A_796 : i32 to index
      %get3A_1055 = tpu.vector_load %arg8[%get3A_1053, %get3A_1054] {strides = array<i32>} : memref<40x1024xf32, #tpu.memory_space<vmem>>, vector<1x16xf32>,
      %get3A_1056 = vector.shape_cast %get3A_1055 : vector<1x16xf32> to vector<16xf32>
      %mul3A_1057 = vector.broadcast %select_n3A_326 : f32 to vector<16xf32>
      %mul3A_1058 = arith.mulf %get3A_1056, %mul3A_1057 : vector<16xf32>
      %max3A_1059 = arith.maximumf %max3A_1049, %mul3A_1058 : vector<16xf32>
      %add3A_1060 = arith.addf %add3A_1050, %mul3A_1058 : vector<16xf32>
      %add3A_1061 = arith.constant 26 : i32
      %add3A_1062 = arith.addi %sub3A_60, %add3A_1061 : i32
      %get3A_1063 = arith.index_cast %add3A_1062 : i32 to index
      %get3A_1064 = arith.index_cast %mul3A_796 : i32 to index
      %get3A_1065 = tpu.vector_load %arg8[%get3A_1063, %get3A_1064] {strides = array<i32>} : memref<40x1024xf32, #tpu.memory_space<vmem>>, vector<1x16xf32>,
      %get3A_1066 = vector.shape_cast %get3A_1065 : vector<1x16xf32> to vector<16xf32>
      %mul3A_1067 = vector.broadcast %select_n3A_336 : f32 to vector<16xf32>
      %mul3A_1068 = arith.mulf %get3A_1066, %mul3A_1067 : vector<16xf32>
      %max3A_1069 = arith.maximumf %max3A_1059, %mul3A_1068 : vector<16xf32>
      %add3A_1070 = arith.addf %add3A_1060, %mul3A_1068 : vector<16xf32>
      %add3A_1071 = arith.constant 27 : i32
      %add3A_1072 = arith.addi %sub3A_60, %add3A_1071 : i32
      %get3A_1073 = arith.index_cast %add3A_1072 : i32 to index
      %get3A_1074 = arith.index_cast %mul3A_796 : i32 to index
      %get3A_1075 = tpu.vector_load %arg8[%get3A_1073, %get3A_1074] {strides = array<i32>} : memref<40x1024xf32, #tpu.memory_space<vmem>>, vector<1x16xf32>,
      %get3A_1076 = vector.shape_cast %get3A_1075 : vector<1x16xf32> to vector<16xf32>
      %mul3A_1077 = vector.broadcast %select_n3A_346 : f32 to vector<16xf32>
      %mul3A_1078 = arith.mulf %get3A_1076, %mul3A_1077 : vector<16xf32>
      %max3A_1079 = arith.maximumf %max3A_1069, %mul3A_1078 : vector<16xf32>
      %add3A_1080 = arith.addf %add3A_1070, %mul3A_1078 : vector<16xf32>
      %add3A_1081 = arith.constant 28 : i32
      %add3A_1082 = arith.addi %sub3A_60, %add3A_1081 : i32
      %get3A_1083 = arith.index_cast %add3A_1082 : i32 to index
      %get3A_1084 = arith.index_cast %mul3A_796 : i32 to index
      %get3A_1085 = tpu.vector_load %arg8[%get3A_1083, %get3A_1084] {strides = array<i32>} : memref<40x1024xf32, #tpu.memory_space<vmem>>, vector<1x16xf32>,
      %get3A_1086 = vector.shape_cast %get3A_1085 : vector<1x16xf32> to vector<16xf32>
      %mul3A_1087 = vector.broadcast %select_n3A_356 : f32 to vector<16xf32>
      %mul3A_1088 = arith.mulf %get3A_1086, %mul3A_1087 : vector<16xf32>
      %max3A_1089 = arith.maximumf %max3A_1079, %mul3A_1088 : vector<16xf32>
      %add3A_1090 = arith.addf %add3A_1080, %mul3A_1088 : vector<16xf32>
      %add3A_1091 = arith.constant 29 : i32
      %add3A_1092 = arith.addi %sub3A_60, %add3A_1091 : i32
      %get3A_1093 = arith.index_cast %add3A_1092 : i32 to index
      %get3A_1094 = arith.index_cast %mul3A_796 : i32 to index
      %get3A_1095 = tpu.vector_load %arg8[%get3A_1093, %get3A_1094] {strides = array<i32>} : memref<40x1024xf32, #tpu.memory_space<vmem>>, vector<1x16xf32>,
      %get3A_1096 = vector.shape_cast %get3A_1095 : vector<1x16xf32> to vector<16xf32>
      %mul3A_1097 = vector.broadcast %select_n3A_366 : f32 to vector<16xf32>
      %mul3A_1098 = arith.mulf %get3A_1096, %mul3A_1097 : vector<16xf32>
      %max3A_1099 = arith.maximumf %max3A_1089, %mul3A_1098 : vector<16xf32>
      %add3A_1100 = arith.addf %add3A_1090, %mul3A_1098 : vector<16xf32>
      %add3A_1101 = arith.constant 30 : i32
      %add3A_1102 = arith.addi %sub3A_60, %add3A_1101 : i32
      %get3A_1103 = arith.index_cast %add3A_1102 : i32 to index
      %get3A_1104 = arith.index_cast %mul3A_796 : i32 to index
      %get3A_1105 = tpu.vector_load %arg8[%get3A_1103, %get3A_1104] {strides = array<i32>} : memref<40x1024xf32, #tpu.memory_space<vmem>>, vector<1x16xf32>,
      %get3A_1106 = vector.shape_cast %get3A_1105 : vector<1x16xf32> to vector<16xf32>
      %mul3A_1107 = vector.broadcast %select_n3A_376 : f32 to vector<16xf32>
      %mul3A_1108 = arith.mulf %get3A_1106, %mul3A_1107 : vector<16xf32>
      %max3A_1109 = arith.maximumf %max3A_1099, %mul3A_1108 : vector<16xf32>
      %add3A_1110 = arith.addf %add3A_1100, %mul3A_1108 : vector<16xf32>
      %max3A_1111 = arith.constant 0.000000e+00 : f32
      %max3A_1112 = vector.broadcast %max3A_1111 : f32 to vector<16xf32>
      %max3A_1113 = arith.maximumf %max3A_1109, %max3A_1112 : vector<16xf32>
      %get3A_1114 = arith.index_cast %sub3A_378 : i32 to index
      %get3A_1115 = arith.index_cast %mul3A_796 : i32 to index
      %get3A_1116 = tpu.vector_load %arg8[%get3A_1114, %get3A_1115] {strides = array<i32>} : memref<40x1024xf32, #tpu.memory_space<vmem>>, vector<1x16xf32>,
      %get3A_1117 = vector.shape_cast %get3A_1116 : vector<1x16xf32> to vector<16xf32>
      %get3A_1118 = arith.index_cast %mul3A_796 : i32 to index
      %get3A_1119 = tpu.vector_load %arg10[%get3A_1118] {strides = array<i32>} : memref<3072xf32, #tpu.memory_space<vmem>>, vector<16xf32>,
      %get3A_1120 = vector.shape_cast %get3A_1119 : vector<16xf32> to vector<16xf32>
      %add3A_1121 = arith.constant 1024 : i32
      %add3A_1122 = arith.addi %add3A_1121, %mul3A_796 : i32
      %get3A_1123 = arith.index_cast %add3A_1122 : i32 to index
      %get3A_1124 = tpu.vector_load %arg10[%get3A_1123] {strides = array<i32>} : memref<3072xf32, #tpu.memory_space<vmem>>, vector<16xf32>,
      %get3A_1125 = vector.shape_cast %get3A_1124 : vector<16xf32> to vector<16xf32>
      %add3A_1126 = arith.constant 2048 : i32
      %add3A_1127 = arith.addi %add3A_1126, %mul3A_796 : i32
      %get3A_1128 = arith.index_cast %add3A_1127 : i32 to index
      %get3A_1129 = tpu.vector_load %arg10[%get3A_1128] {strides = array<i32>} : memref<3072xf32, #tpu.memory_space<vmem>>, vector<16xf32>,
      %get3A_1130 = vector.shape_cast %get3A_1129 : vector<16xf32> to vector<16xf32>
      %bitcast_convert_type3A = tpu.bitcast %get3A_1117 : vector<16xf32> -> vector<16xi32>
      %shift_right_logical3A = arith.constant 16 : i32
      %shift_right_logical3A_1131 = vector.broadcast %shift_right_logical3A : i32 to vector<16xi32>
      %shift_right_logical3A_1132 = arith.shrui %bitcast_convert_type3A, %shift_right_logical3A_1131 : vector<16xi32>
      %and3A_1133 = arith.constant 1 : i32
      %and3A_1134 = vector.broadcast %and3A_1133 : i32 to vector<16xi32>
      %and3A_1135 = arith.andi %shift_right_logical3A_1132, %and3A_1134 : vector<16xi32>
      %add3A_1136 = arith.constant 32767 : i32
      %add3A_1137 = vector.broadcast %add3A_1136 : i32 to vector<16xi32>
      %add3A_1138 = arith.addi %bitcast_convert_type3A, %add3A_1137 : vector<16xi32>
      %add3A_1139 = arith.addi %add3A_1138, %and3A_1135 : vector<16xi32>
      %and3A_1140 = arith.constant -65536 : i32
      %and3A_1141 = vector.broadcast %and3A_1140 : i32 to vector<16xi32>
      %and3A_1142 = arith.andi %add3A_1139, %and3A_1141 : vector<16xi32>
      %bitcast_convert_type3A_1143 = tpu.bitcast %and3A_1142 : vector<16xi32> -> vector<16xf32>
      %bitcast_convert_type3A_1144 = tpu.bitcast %get3A_1120 : vector<16xf32> -> vector<16xi32>
      %shift_right_logical3A_1145 = arith.constant 16 : i32
      %shift_right_logical3A_1146 = vector.broadcast %shift_right_logical3A_1145 : i32 to vector<16xi32>
      %shift_right_logical3A_1147 = arith.shrui %bitcast_convert_type3A_1144, %shift_right_logical3A_1146 : vector<16xi32>
      %and3A_1148 = arith.constant 1 : i32
      %and3A_1149 = vector.broadcast %and3A_1148 : i32 to vector<16xi32>
      %and3A_1150 = arith.andi %shift_right_logical3A_1147, %and3A_1149 : vector<16xi32>
      %add3A_1151 = arith.constant 32767 : i32
      %add3A_1152 = vector.broadcast %add3A_1151 : i32 to vector<16xi32>
      %add3A_1153 = arith.addi %bitcast_convert_type3A_1144, %add3A_1152 : vector<16xi32>
      %add3A_1154 = arith.addi %add3A_1153, %and3A_1150 : vector<16xi32>
      %and3A_1155 = arith.constant -65536 : i32
      %and3A_1156 = vector.broadcast %and3A_1155 : i32 to vector<16xi32>
      %and3A_1157 = arith.andi %add3A_1154, %and3A_1156 : vector<16xi32>
      %bitcast_convert_type3A_1158 = tpu.bitcast %and3A_1157 : vector<16xi32> -> vector<16xf32>
      %mul3A_1159 = arith.mulf %bitcast_convert_type3A_1143, %bitcast_convert_type3A_1158 : vector<16xf32>
      %add3A_1160 = arith.addf %scan3A_794, %mul3A_1159 : vector<16xf32>
      %bitcast_convert_type3A_1161 = tpu.bitcast %max3A_1113 : vector<16xf32> -> vector<16xi32>
      %shift_right_logical3A_1162 = arith.constant 16 : i32
      %shift_right_logical3A_1163 = vector.broadcast %shift_right_logical3A_1162 : i32 to vector<16xi32>
      %shift_right_logical3A_1164 = arith.shrui %bitcast_convert_type3A_1161, %shift_right_logical3A_1163 : vector<16xi32>
      %and3A_1165 = arith.constant 1 : i32
      %and3A_1166 = vector.broadcast %and3A_1165 : i32 to vector<16xi32>
      %and3A_1167 = arith.andi %shift_right_logical3A_1164, %and3A_1166 : vector<16xi32>
      %add3A_1168 = arith.constant 32767 : i32
      %add3A_1169 = vector.broadcast %add3A_1168 : i32 to vector<16xi32>
      %add3A_1170 = arith.addi %bitcast_convert_type3A_1161, %add3A_1169 : vector<16xi32>
      %add3A_1171 = arith.addi %add3A_1170, %and3A_1167 : vector<16xi32>
      %and3A_1172 = arith.constant -65536 : i32
      %and3A_1173 = vector.broadcast %and3A_1172 : i32 to vector<16xi32>
      %and3A_1174 = arith.andi %add3A_1171, %and3A_1173 : vector<16xi32>
      %bitcast_convert_type3A_1175 = tpu.bitcast %and3A_1174 : vector<16xi32> -> vector<16xf32>
      %bitcast_convert_type3A_1176 = tpu.bitcast %get3A_1125 : vector<16xf32> -> vector<16xi32>
      %shift_right_logical3A_1177 = arith.constant 16 : i32
      %shift_right_logical3A_1178 = vector.broadcast %shift_right_logical3A_1177 : i32 to vector<16xi32>
      %shift_right_logical3A_1179 = arith.shrui %bitcast_convert_type3A_1176, %shift_right_logical3A_1178 : vector<16xi32>
      %and3A_1180 = arith.constant 1 : i32
      %and3A_1181 = vector.broadcast %and3A_1180 : i32 to vector<16xi32>
      %and3A_1182 = arith.andi %shift_right_logical3A_1179, %and3A_1181 : vector<16xi32>
      %add3A_1183 = arith.constant 32767 : i32
      %add3A_1184 = vector.broadcast %add3A_1183 : i32 to vector<16xi32>
      %add3A_1185 = arith.addi %bitcast_convert_type3A_1176, %add3A_1184 : vector<16xi32>
      %add3A_1186 = arith.addi %add3A_1185, %and3A_1182 : vector<16xi32>
      %and3A_1187 = arith.constant -65536 : i32
      %and3A_1188 = vector.broadcast %and3A_1187 : i32 to vector<16xi32>
      %and3A_1189 = arith.andi %add3A_1186, %and3A_1188 : vector<16xi32>
      %bitcast_convert_type3A_1190 = tpu.bitcast %and3A_1189 : vector<16xi32> -> vector<16xf32>
      %mul3A_1191 = arith.mulf %bitcast_convert_type3A_1175, %bitcast_convert_type3A_1190 : vector<16xf32>
      %add3A_1192 = arith.addf %add3A_1160, %mul3A_1191 : vector<16xf32>
      %div3A_1193 = vector.broadcast %add3A_377 : f32 to vector<16xf32>
      %div3A_1194 = arith.divf %add3A_1110, %div3A_1193 : vector<16xf32>
      %bitcast_convert_type3A_1195 = tpu.bitcast %div3A_1194 : vector<16xf32> -> vector<16xi32>
      %shift_right_logical3A_1196 = arith.constant 16 : i32
      %shift_right_logical3A_1197 = vector.broadcast %shift_right_logical3A_1196 : i32 to vector<16xi32>
      %shift_right_logical3A_1198 = arith.shrui %bitcast_convert_type3A_1195, %shift_right_logical3A_1197 : vector<16xi32>
      %and3A_1199 = arith.constant 1 : i32
      %and3A_1200 = vector.broadcast %and3A_1199 : i32 to vector<16xi32>
      %and3A_1201 = arith.andi %shift_right_logical3A_1198, %and3A_1200 : vector<16xi32>
      %add3A_1202 = arith.constant 32767 : i32
      %add3A_1203 = vector.broadcast %add3A_1202 : i32 to vector<16xi32>
      %add3A_1204 = arith.addi %bitcast_convert_type3A_1195, %add3A_1203 : vector<16xi32>
      %add3A_1205 = arith.addi %add3A_1204, %and3A_1201 : vector<16xi32>
      %and3A_1206 = arith.constant -65536 : i32
      %and3A_1207 = vector.broadcast %and3A_1206 : i32 to vector<16xi32>
      %and3A_1208 = arith.andi %add3A_1205, %and3A_1207 : vector<16xi32>
      %bitcast_convert_type3A_1209 = tpu.bitcast %and3A_1208 : vector<16xi32> -> vector<16xf32>
      %bitcast_convert_type3A_1210 = tpu.bitcast %get3A_1130 : vector<16xf32> -> vector<16xi32>
      %shift_right_logical3A_1211 = arith.constant 16 : i32
      %shift_right_logical3A_1212 = vector.broadcast %shift_right_logical3A_1211 : i32 to vector<16xi32>
      %shift_right_logical3A_1213 = arith.shrui %bitcast_convert_type3A_1210, %shift_right_logical3A_1212 : vector<16xi32>
      %and3A_1214 = arith.constant 1 : i32
      %and3A_1215 = vector.broadcast %and3A_1214 : i32 to vector<16xi32>
      %and3A_1216 = arith.andi %shift_right_logical3A_1213, %and3A_1215 : vector<16xi32>
      %add3A_1217 = arith.constant 32767 : i32
      %add3A_1218 = vector.broadcast %add3A_1217 : i32 to vector<16xi32>
      %add3A_1219 = arith.addi %bitcast_convert_type3A_1210, %add3A_1218 : vector<16xi32>
      %add3A_1220 = arith.addi %add3A_1219, %and3A_1216 : vector<16xi32>
      %and3A_1221 = arith.constant -65536 : i32
      %and3A_1222 = vector.broadcast %and3A_1221 : i32 to vector<16xi32>
      %and3A_1223 = arith.andi %add3A_1220, %and3A_1222 : vector<16xi32>
      %bitcast_convert_type3A_1224 = tpu.bitcast %and3A_1223 : vector<16xi32> -> vector<16xf32>
      %mul3A_1225 = arith.mulf %bitcast_convert_type3A_1209, %bitcast_convert_type3A_1224 : vector<16xf32>
      %add3A_1226 = arith.addf %add3A_1192, %mul3A_1225 : vector<16xf32>
      scf.yield %add3A_1226 : vector<16xf32>
    }
    %scan3A_384 = arith.constant 64 : i32
    %swap3A = arith.constant 0 : index
    %swap3A_385 = tpu.vector_load %arg11[%swap3A] {strides = array<i32>} : memref<16xf32, #tpu.memory_space<vmem>>, vector<16xf32>,
    %swap3A_386 = vector.shape_cast %swap3A_385 : vector<16xf32> to vector<16xf32>
    %swap3A_387 = vector.shape_cast %scan3A_383 : vector<16xf32> to vector<16xf32>
    tpu.vector_store %arg11[%swap3A], %swap3A_387 {strides = array<i32>} : memref<16xf32, #tpu.memory_space<vmem>>, vector<16xf32>,
    "tpu.region"() ({
      %run_scoped3A = tpu.sem_alloc : memref<!tpu.dma_semaphore, #tpu.memory_space<semaphore_mem>>
      %dma_start3A = arith.constant 0 : i32
      %dma_start3A_793 = tpu.memref_slice %arg6[%add3A_4, %dma_start3A] : memref<64x16xf32, #tpu.memory_space<hbm>> -> memref<1x16xf32, #tpu.memory_space<hbm>>
      %dma_start3A_794 = tpu.memref_squeeze %dma_start3A_793 : memref<1x16xf32, #tpu.memory_space<hbm>> -> memref<16xf32, #tpu.memory_space<hbm>>
      %dma_start3A_795 = arith.constant 0 : i32
      %dma_start3A_796 = tpu.memref_slice %arg6[%add3A_4, %dma_start3A_795] : memref<64x16xf32, #tpu.memory_space<hbm>> -> memref<1x16xf32, #tpu.memory_space<hbm>>
      %dma_start3A_797 = tpu.memref_squeeze %dma_start3A_796 : memref<1x16xf32, #tpu.memory_space<hbm>> -> memref<16xf32, #tpu.memory_space<hbm>>
      tpu.enqueue_dma source(%arg11 : memref<16xf32, #tpu.memory_space<vmem>>) target(%dma_start3A_797 : memref<16xf32, #tpu.memory_space<hbm>>) target_semaphore(%run_scoped3A : memref<!tpu.dma_semaphore, #tpu.memory_space<semaphore_mem>>)
      %dma_wait3A = arith.constant 0 : i32
      %dma_wait3A_798 = tpu.memref_slice %arg6[%add3A_4, %dma_wait3A] : memref<64x16xf32, #tpu.memory_space<hbm>> -> memref<1x16xf32, #tpu.memory_space<hbm>>
      %dma_wait3A_799 = tpu.memref_squeeze %dma_wait3A_798 : memref<1x16xf32, #tpu.memory_space<hbm>> -> memref<16xf32, #tpu.memory_space<hbm>>
      %dma_wait3A_800 = arith.constant 0 : i32
      %dma_wait3A_801 = tpu.memref_slice %arg6[%add3A_4, %dma_wait3A_800] : memref<64x16xf32, #tpu.memory_space<hbm>> -> memref<1x16xf32, #tpu.memory_space<hbm>>
      %dma_wait3A_802 = tpu.memref_squeeze %dma_wait3A_801 : memref<1x16xf32, #tpu.memory_space<hbm>> -> memref<16xf32, #tpu.memory_space<hbm>>
      tpu.wait_dma2 semaphore(%run_scoped3A : memref<!tpu.dma_semaphore, #tpu.memory_space<semaphore_mem>>) src(%arg11 : memref<16xf32, #tpu.memory_space<vmem>>) dst(%dma_wait3A_802 : memref<16xf32, #tpu.memory_space<hbm>>)
      tpu.yield
    }) : () -> ()
    %mul3A_388 = arith.constant 2 : i32
    %mul3A_389 = arith.muli %add3A, %mul3A_388 : i32
    %add3A_390 = arith.constant 1 : i32
    %add3A_391 = arith.addi %mul3A_389, %add3A_390 : i32
    %get3A_392 = arith.index_cast %add3A_391 : i32 to index
    %get3A_393 = tpu.vector_load %arg7[%get3A_392] {strides = array<i32>} : memref<80xi32, #tpu.memory_space<vmem>>, vector<16xi32>,
    %get3A_394 = vector.shape_cast %get3A_393 : vector<16xi32> to vector<16xi32>
    %slice3A_395 = vector.extract_strided_slice %get3A_394 {offsets = [0], sizes = [1], strides = [1]} : vector<16xi32> to vector<1xi32>
    %squeeze3A_396 = vector.extract %slice3A_395[0] : i32 from vector<1xi32>
    %jit3A_397 = arith.constant 16 : i32
    %div3A_398 = arith.divsi %add3A_391, %jit3A_397 : i32
    %sign3A_399 = arith.constant 0 : i32
    %sign3A_400 = arith.cmpi sgt, %add3A_391, %sign3A_399 : i32
    %sign3A_401 = arith.extui %sign3A_400 : i1 to i32
    %sign3A_402 = arith.constant 0 : i32
    %sign3A_403 = arith.cmpi slt, %add3A_391, %sign3A_402 : i32
    %sign3A_404 = arith.extui %sign3A_403 : i1 to i32
    %sign3A_405 = arith.subi %sign3A_401, %sign3A_404 : i32
    %sign3A_406 = arith.constant 0 : i32
    %sign3A_407 = arith.cmpi sgt, %jit3A_397, %sign3A_406 : i32
    %sign3A_408 = arith.extui %sign3A_407 : i1 to i32
    %sign3A_409 = arith.constant 0 : i32
    %sign3A_410 = arith.cmpi slt, %jit3A_397, %sign3A_409 : i32
    %sign3A_411 = arith.extui %sign3A_410 : i1 to i32
    %sign3A_412 = arith.subi %sign3A_408, %sign3A_411 : i32
    %ne3A_413 = arith.cmpi ne, %sign3A_405, %sign3A_412 : i32
    %rem3A_414 = arith.remsi %add3A_391, %jit3A_397 : i32
    %ne3A_415 = arith.constant 0 : i32
    %ne3A_416 = arith.cmpi ne, %rem3A_414, %ne3A_415 : i32
    %and3A_417 = arith.andi %ne3A_413, %ne3A_416 : i1
    %sub3A_418 = arith.constant 1 : i32
    %sub3A_419 = arith.subi %div3A_398, %sub3A_418 : i32
    %select_n3A_420 = arith.select %and3A_417, %sub3A_419, %div3A_398 : i32
    %sub3A_421 = arith.constant 15 : i32
    %sub3A_422 = arith.subi %squeeze3A_396, %sub3A_421 : i32
    %add3A_423 = arith.constant 15 : i32
    %add3A_424 = arith.addi %squeeze3A_396, %add3A_423 : i32
    %jit3A_425 = arith.constant 0 : i32
    %jit3A_426 = arith.constant 2017 : i32
    %max3A_427 = arith.maxsi %jit3A_425, %sub3A_422 : i32
    %min3A_428 = arith.minsi %jit3A_426, %max3A_427 : i32
    %jit3A_429 = arith.constant 8 : i32
    %div3A_430 = arith.divsi %min3A_428, %jit3A_429 : i32
    %sign3A_431 = arith.constant 0 : i32
    %sign3A_432 = arith.cmpi sgt, %min3A_428, %sign3A_431 : i32
    %sign3A_433 = arith.extui %sign3A_432 : i1 to i32
    %sign3A_434 = arith.constant 0 : i32
    %sign3A_435 = arith.cmpi slt, %min3A_428, %sign3A_434 : i32
    %sign3A_436 = arith.extui %sign3A_435 : i1 to i32
    %sign3A_437 = arith.subi %sign3A_433, %sign3A_436 : i32
    %sign3A_438 = arith.constant 0 : i32
    %sign3A_439 = arith.cmpi sgt, %jit3A_429, %sign3A_438 : i32
    %sign3A_440 = arith.extui %sign3A_439 : i1 to i32
    %sign3A_441 = arith.constant 0 : i32
    %sign3A_442 = arith.cmpi slt, %jit3A_429, %sign3A_441 : i32
    %sign3A_443 = arith.extui %sign3A_442 : i1 to i32
    %sign3A_444 = arith.subi %sign3A_440, %sign3A_443 : i32
    %ne3A_445 = arith.cmpi ne, %sign3A_437, %sign3A_444 : i32
    %rem3A_446 = arith.remsi %min3A_428, %jit3A_429 : i32
    %ne3A_447 = arith.constant 0 : i32
    %ne3A_448 = arith.cmpi ne, %rem3A_446, %ne3A_447 : i32
    %and3A_449 = arith.andi %ne3A_445, %ne3A_448 : i1
    %sub3A_450 = arith.constant 1 : i32
    %sub3A_451 = arith.subi %div3A_430, %sub3A_450 : i32
    %select_n3A_452 = arith.select %and3A_449, %sub3A_451, %div3A_430 : i32
    %mul3A_453 = arith.constant 8 : i32
    %mul3A_454 = arith.muli %select_n3A_452, %mul3A_453 : i32
    %min3A_455 = arith.constant 2008 : i32
    %min3A_456 = arith.minsi %mul3A_454, %min3A_455 : i32
    "tpu.region"() ({
      %run_scoped3A = tpu.sem_alloc : memref<!tpu.dma_semaphore, #tpu.memory_space<semaphore_mem>>
      %dma_start3A = arith.constant 0 : i32
      %dma_start3A_793 = tpu.memref_slice %arg2[%select_n3A_420, %min3A_456, %dma_start3A] : memref<4x2048x1024xf32, #tpu.memory_space<hbm>> -> memref<1x40x1024xf32, #tpu.memory_space<hbm>>
      %dma_start3A_794 = tpu.memref_squeeze %dma_start3A_793 : memref<1x40x1024xf32, #tpu.memory_space<hbm>> -> memref<40x1024xf32, #tpu.memory_space<hbm>>
      %dma_start3A_795 = arith.constant 0 : i32
      %dma_start3A_796 = tpu.memref_slice %arg2[%select_n3A_420, %min3A_456, %dma_start3A_795] : memref<4x2048x1024xf32, #tpu.memory_space<hbm>> -> memref<1x40x1024xf32, #tpu.memory_space<hbm>>
      %dma_start3A_797 = tpu.memref_squeeze %dma_start3A_796 : memref<1x40x1024xf32, #tpu.memory_space<hbm>> -> memref<40x1024xf32, #tpu.memory_space<hbm>>
      tpu.enqueue_dma source(%dma_start3A_797 : memref<40x1024xf32, #tpu.memory_space<hbm>>) target(%arg8 : memref<40x1024xf32, #tpu.memory_space<vmem>>) target_semaphore(%run_scoped3A : memref<!tpu.dma_semaphore, #tpu.memory_space<semaphore_mem>>)
      %dma_wait3A = arith.constant 0 : i32
      %dma_wait3A_798 = tpu.memref_slice %arg2[%select_n3A_420, %min3A_456, %dma_wait3A] : memref<4x2048x1024xf32, #tpu.memory_space<hbm>> -> memref<1x40x1024xf32, #tpu.memory_space<hbm>>
      %dma_wait3A_799 = tpu.memref_squeeze %dma_wait3A_798 : memref<1x40x1024xf32, #tpu.memory_space<hbm>> -> memref<40x1024xf32, #tpu.memory_space<hbm>>
      %dma_wait3A_800 = arith.constant 0 : i32
      %dma_wait3A_801 = tpu.memref_slice %arg2[%select_n3A_420, %min3A_456, %dma_wait3A_800] : memref<4x2048x1024xf32, #tpu.memory_space<hbm>> -> memref<1x40x1024xf32, #tpu.memory_space<hbm>>
      %dma_wait3A_802 = tpu.memref_squeeze %dma_wait3A_801 : memref<1x40x1024xf32, #tpu.memory_space<hbm>> -> memref<40x1024xf32, #tpu.memory_space<hbm>>
      tpu.wait_dma2 semaphore(%run_scoped3A : memref<!tpu.dma_semaphore, #tpu.memory_space<semaphore_mem>>) src(%dma_wait3A_802 : memref<40x1024xf32, #tpu.memory_space<hbm>>) dst(%arg8 : memref<40x1024xf32, #tpu.memory_space<vmem>>)
      tpu.yield
    }) : () -> ()
    %mul3A_457 = arith.constant 2048 : i32
    %mul3A_458 = arith.muli %select_n3A_420, %mul3A_457 : i32
    %add3A_459 = arith.addi %mul3A_458, %min3A_456 : i32
    "tpu.region"() ({
      %run_scoped3A = tpu.sem_alloc : memref<!tpu.dma_semaphore, #tpu.memory_space<semaphore_mem>>
      %dma_start3A = arith.constant 0 : i32
      %dma_start3A_793 = tpu.memref_slice %arg9[%dma_start3A] : memref<56xf32, #tpu.memory_space<vmem>> -> memref<40xf32, #tpu.memory_space<vmem>>
      %dma_start3A_794 = tpu.memref_slice %arg3[%add3A_459] : memref<8192xf32, #tpu.memory_space<hbm>> -> memref<40xf32, #tpu.memory_space<hbm>>
      %dma_start3A_795 = arith.constant 0 : i32
      %dma_start3A_796 = tpu.memref_slice %arg9[%dma_start3A_795] : memref<56xf32, #tpu.memory_space<vmem>> -> memref<40xf32, #tpu.memory_space<vmem>>
      %dma_start3A_797 = tpu.memref_slice %arg3[%add3A_459] : memref<8192xf32, #tpu.memory_space<hbm>> -> memref<40xf32, #tpu.memory_space<hbm>>
      tpu.enqueue_dma source(%dma_start3A_797 : memref<40xf32, #tpu.memory_space<hbm>>) target(%dma_start3A_796 : memref<40xf32, #tpu.memory_space<vmem>>) target_semaphore(%run_scoped3A : memref<!tpu.dma_semaphore, #tpu.memory_space<semaphore_mem>>)
      %dma_wait3A = arith.constant 0 : i32
      %dma_wait3A_798 = tpu.memref_slice %arg9[%dma_wait3A] : memref<56xf32, #tpu.memory_space<vmem>> -> memref<40xf32, #tpu.memory_space<vmem>>
      %dma_wait3A_799 = tpu.memref_slice %arg3[%add3A_459] : memref<8192xf32, #tpu.memory_space<hbm>> -> memref<40xf32, #tpu.memory_space<hbm>>
      %dma_wait3A_800 = arith.constant 0 : i32
      %dma_wait3A_801 = tpu.memref_slice %arg9[%dma_wait3A_800] : memref<56xf32, #tpu.memory_space<vmem>> -> memref<40xf32, #tpu.memory_space<vmem>>
      %dma_wait3A_802 = tpu.memref_slice %arg3[%add3A_459] : memref<8192xf32, #tpu.memory_space<hbm>> -> memref<40xf32, #tpu.memory_space<hbm>>
      tpu.wait_dma2 semaphore(%run_scoped3A : memref<!tpu.dma_semaphore, #tpu.memory_space<semaphore_mem>>) src(%dma_wait3A_802 : memref<40xf32, #tpu.memory_space<hbm>>) dst(%dma_wait3A_801 : memref<40xf32, #tpu.memory_space<vmem>>)
      tpu.yield
    }) : () -> ()
    %sub3A_460 = arith.subi %min3A_428, %min3A_456 : i32
    %get3A_461 = arith.index_cast %sub3A_460 : i32 to index
    %get3A_462 = tpu.vector_load %arg9[%get3A_461] {strides = array<i32>} : memref<56xf32, #tpu.memory_space<vmem>>, vector<16xf32>,
    %get3A_463 = vector.shape_cast %get3A_462 : vector<16xf32> to vector<16xf32>
    %add3A_464 = arith.constant 16 : i32
    %add3A_465 = arith.addi %sub3A_460, %add3A_464 : i32
    %get3A_466 = arith.index_cast %add3A_465 : i32 to index
    %get3A_467 = tpu.vector_load %arg9[%get3A_466] {strides = array<i32>} : memref<56xf32, #tpu.memory_space<vmem>>, vector<16xf32>,
    %get3A_468 = vector.shape_cast %get3A_467 : vector<16xf32> to vector<16xf32>
    %add3A_469 = arith.constant 0 : i32
    %add3A_470 = arith.addi %min3A_428, %add3A_469 : i32
    %ge3A_471 = arith.cmpi sge, %add3A_470, %sub3A_422 : i32
    %le3A_472 = arith.cmpi sle, %add3A_470, %add3A_424 : i32
    %and3A_473 = arith.andi %ge3A_471, %le3A_472 : i1
    %slice3A_474 = vector.extract_strided_slice %get3A_463 {offsets = [0], sizes = [1], strides = [1]} : vector<16xf32> to vector<1xf32>
    %squeeze3A_475 = vector.extract %slice3A_474[0] : f32 from vector<1xf32>
    %jit3A_476 = arith.constant 0.000000e+00 : f32
    %select_n3A_477 = arith.select %and3A_473, %squeeze3A_475, %jit3A_476 : f32
    %add3A_478 = arith.constant 0.000000e+00 : f32
    %add3A_479 = arith.addf %add3A_478, %select_n3A_477 : f32
    %add3A_480 = arith.constant 1 : i32
    %add3A_481 = arith.addi %min3A_428, %add3A_480 : i32
    %ge3A_482 = arith.cmpi sge, %add3A_481, %sub3A_422 : i32
    %le3A_483 = arith.cmpi sle, %add3A_481, %add3A_424 : i32
    %and3A_484 = arith.andi %ge3A_482, %le3A_483 : i1
    %slice3A_485 = vector.extract_strided_slice %get3A_463 {offsets = [1], sizes = [1], strides = [1]} : vector<16xf32> to vector<1xf32>
    %squeeze3A_486 = vector.extract %slice3A_485[0] : f32 from vector<1xf32>
    %jit3A_487 = arith.constant 0.000000e+00 : f32
    %select_n3A_488 = arith.select %and3A_484, %squeeze3A_486, %jit3A_487 : f32
    %add3A_489 = arith.addf %add3A_479, %select_n3A_488 : f32
    %add3A_490 = arith.constant 2 : i32
    %add3A_491 = arith.addi %min3A_428, %add3A_490 : i32
    %ge3A_492 = arith.cmpi sge, %add3A_491, %sub3A_422 : i32
    %le3A_493 = arith.cmpi sle, %add3A_491, %add3A_424 : i32
    %and3A_494 = arith.andi %ge3A_492, %le3A_493 : i1
    %slice3A_495 = vector.extract_strided_slice %get3A_463 {offsets = [2], sizes = [1], strides = [1]} : vector<16xf32> to vector<1xf32>
    %squeeze3A_496 = vector.extract %slice3A_495[0] : f32 from vector<1xf32>
    %jit3A_497 = arith.constant 0.000000e+00 : f32
    %select_n3A_498 = arith.select %and3A_494, %squeeze3A_496, %jit3A_497 : f32
    %add3A_499 = arith.addf %add3A_489, %select_n3A_498 : f32
    %add3A_500 = arith.constant 3 : i32
    %add3A_501 = arith.addi %min3A_428, %add3A_500 : i32
    %ge3A_502 = arith.cmpi sge, %add3A_501, %sub3A_422 : i32
    %le3A_503 = arith.cmpi sle, %add3A_501, %add3A_424 : i32
    %and3A_504 = arith.andi %ge3A_502, %le3A_503 : i1
    %slice3A_505 = vector.extract_strided_slice %get3A_463 {offsets = [3], sizes = [1], strides = [1]} : vector<16xf32> to vector<1xf32>
    %squeeze3A_506 = vector.extract %slice3A_505[0] : f32 from vector<1xf32>
    %jit3A_507 = arith.constant 0.000000e+00 : f32
    %select_n3A_508 = arith.select %and3A_504, %squeeze3A_506, %jit3A_507 : f32
    %add3A_509 = arith.addf %add3A_499, %select_n3A_508 : f32
    %add3A_510 = arith.constant 4 : i32
    %add3A_511 = arith.addi %min3A_428, %add3A_510 : i32
    %ge3A_512 = arith.cmpi sge, %add3A_511, %sub3A_422 : i32
    %le3A_513 = arith.cmpi sle, %add3A_511, %add3A_424 : i32
    %and3A_514 = arith.andi %ge3A_512, %le3A_513 : i1
    %slice3A_515 = vector.extract_strided_slice %get3A_463 {offsets = [4], sizes = [1], strides = [1]} : vector<16xf32> to vector<1xf32>
    %squeeze3A_516 = vector.extract %slice3A_515[0] : f32 from vector<1xf32>
    %jit3A_517 = arith.constant 0.000000e+00 : f32
    %select_n3A_518 = arith.select %and3A_514, %squeeze3A_516, %jit3A_517 : f32
    %add3A_519 = arith.addf %add3A_509, %select_n3A_518 : f32
    %add3A_520 = arith.constant 5 : i32
    %add3A_521 = arith.addi %min3A_428, %add3A_520 : i32
    %ge3A_522 = arith.cmpi sge, %add3A_521, %sub3A_422 : i32
    %le3A_523 = arith.cmpi sle, %add3A_521, %add3A_424 : i32
    %and3A_524 = arith.andi %ge3A_522, %le3A_523 : i1
    %slice3A_525 = vector.extract_strided_slice %get3A_463 {offsets = [5], sizes = [1], strides = [1]} : vector<16xf32> to vector<1xf32>
    %squeeze3A_526 = vector.extract %slice3A_525[0] : f32 from vector<1xf32>
    %jit3A_527 = arith.constant 0.000000e+00 : f32
    %select_n3A_528 = arith.select %and3A_524, %squeeze3A_526, %jit3A_527 : f32
    %add3A_529 = arith.addf %add3A_519, %select_n3A_528 : f32
    %add3A_530 = arith.constant 6 : i32
    %add3A_531 = arith.addi %min3A_428, %add3A_530 : i32
    %ge3A_532 = arith.cmpi sge, %add3A_531, %sub3A_422 : i32
    %le3A_533 = arith.cmpi sle, %add3A_531, %add3A_424 : i32
    %and3A_534 = arith.andi %ge3A_532, %le3A_533 : i1
    %slice3A_535 = vector.extract_strided_slice %get3A_463 {offsets = [6], sizes = [1], strides = [1]} : vector<16xf32> to vector<1xf32>
    %squeeze3A_536 = vector.extract %slice3A_535[0] : f32 from vector<1xf32>
    %jit3A_537 = arith.constant 0.000000e+00 : f32
    %select_n3A_538 = arith.select %and3A_534, %squeeze3A_536, %jit3A_537 : f32
    %add3A_539 = arith.addf %add3A_529, %select_n3A_538 : f32
    %add3A_540 = arith.constant 7 : i32
    %add3A_541 = arith.addi %min3A_428, %add3A_540 : i32
    %ge3A_542 = arith.cmpi sge, %add3A_541, %sub3A_422 : i32
    %le3A_543 = arith.cmpi sle, %add3A_541, %add3A_424 : i32
    %and3A_544 = arith.andi %ge3A_542, %le3A_543 : i1
    %slice3A_545 = vector.extract_strided_slice %get3A_463 {offsets = [7], sizes = [1], strides = [1]} : vector<16xf32> to vector<1xf32>
    %squeeze3A_546 = vector.extract %slice3A_545[0] : f32 from vector<1xf32>
    %jit3A_547 = arith.constant 0.000000e+00 : f32
    %select_n3A_548 = arith.select %and3A_544, %squeeze3A_546, %jit3A_547 : f32
    %add3A_549 = arith.addf %add3A_539, %select_n3A_548 : f32
    %add3A_550 = arith.constant 8 : i32
    %add3A_551 = arith.addi %min3A_428, %add3A_550 : i32
    %ge3A_552 = arith.cmpi sge, %add3A_551, %sub3A_422 : i32
    %le3A_553 = arith.cmpi sle, %add3A_551, %add3A_424 : i32
    %and3A_554 = arith.andi %ge3A_552, %le3A_553 : i1
    %slice3A_555 = vector.extract_strided_slice %get3A_463 {offsets = [8], sizes = [1], strides = [1]} : vector<16xf32> to vector<1xf32>
    %squeeze3A_556 = vector.extract %slice3A_555[0] : f32 from vector<1xf32>
    %jit3A_557 = arith.constant 0.000000e+00 : f32
    %select_n3A_558 = arith.select %and3A_554, %squeeze3A_556, %jit3A_557 : f32
    %add3A_559 = arith.addf %add3A_549, %select_n3A_558 : f32
    %add3A_560 = arith.constant 9 : i32
    %add3A_561 = arith.addi %min3A_428, %add3A_560 : i32
    %ge3A_562 = arith.cmpi sge, %add3A_561, %sub3A_422 : i32
    %le3A_563 = arith.cmpi sle, %add3A_561, %add3A_424 : i32
    %and3A_564 = arith.andi %ge3A_562, %le3A_563 : i1
    %slice3A_565 = vector.extract_strided_slice %get3A_463 {offsets = [9], sizes = [1], strides = [1]} : vector<16xf32> to vector<1xf32>
    %squeeze3A_566 = vector.extract %slice3A_565[0] : f32 from vector<1xf32>
    %jit3A_567 = arith.constant 0.000000e+00 : f32
    %select_n3A_568 = arith.select %and3A_564, %squeeze3A_566, %jit3A_567 : f32
    %add3A_569 = arith.addf %add3A_559, %select_n3A_568 : f32
    %add3A_570 = arith.constant 10 : i32
    %add3A_571 = arith.addi %min3A_428, %add3A_570 : i32
    %ge3A_572 = arith.cmpi sge, %add3A_571, %sub3A_422 : i32
    %le3A_573 = arith.cmpi sle, %add3A_571, %add3A_424 : i32
    %and3A_574 = arith.andi %ge3A_572, %le3A_573 : i1
    %slice3A_575 = vector.extract_strided_slice %get3A_463 {offsets = [10], sizes = [1], strides = [1]} : vector<16xf32> to vector<1xf32>
    %squeeze3A_576 = vector.extract %slice3A_575[0] : f32 from vector<1xf32>
    %jit3A_577 = arith.constant 0.000000e+00 : f32
    %select_n3A_578 = arith.select %and3A_574, %squeeze3A_576, %jit3A_577 : f32
    %add3A_579 = arith.addf %add3A_569, %select_n3A_578 : f32
    %add3A_580 = arith.constant 11 : i32
    %add3A_581 = arith.addi %min3A_428, %add3A_580 : i32
    %ge3A_582 = arith.cmpi sge, %add3A_581, %sub3A_422 : i32
    %le3A_583 = arith.cmpi sle, %add3A_581, %add3A_424 : i32
    %and3A_584 = arith.andi %ge3A_582, %le3A_583 : i1
    %slice3A_585 = vector.extract_strided_slice %get3A_463 {offsets = [11], sizes = [1], strides = [1]} : vector<16xf32> to vector<1xf32>
    %squeeze3A_586 = vector.extract %slice3A_585[0] : f32 from vector<1xf32>
    %jit3A_587 = arith.constant 0.000000e+00 : f32
    %select_n3A_588 = arith.select %and3A_584, %squeeze3A_586, %jit3A_587 : f32
    %add3A_589 = arith.addf %add3A_579, %select_n3A_588 : f32
    %add3A_590 = arith.constant 12 : i32
    %add3A_591 = arith.addi %min3A_428, %add3A_590 : i32
    %ge3A_592 = arith.cmpi sge, %add3A_591, %sub3A_422 : i32
    %le3A_593 = arith.cmpi sle, %add3A_591, %add3A_424 : i32
    %and3A_594 = arith.andi %ge3A_592, %le3A_593 : i1
    %slice3A_595 = vector.extract_strided_slice %get3A_463 {offsets = [12], sizes = [1], strides = [1]} : vector<16xf32> to vector<1xf32>
    %squeeze3A_596 = vector.extract %slice3A_595[0] : f32 from vector<1xf32>
    %jit3A_597 = arith.constant 0.000000e+00 : f32
    %select_n3A_598 = arith.select %and3A_594, %squeeze3A_596, %jit3A_597 : f32
    %add3A_599 = arith.addf %add3A_589, %select_n3A_598 : f32
    %add3A_600 = arith.constant 13 : i32
    %add3A_601 = arith.addi %min3A_428, %add3A_600 : i32
    %ge3A_602 = arith.cmpi sge, %add3A_601, %sub3A_422 : i32
    %le3A_603 = arith.cmpi sle, %add3A_601, %add3A_424 : i32
    %and3A_604 = arith.andi %ge3A_602, %le3A_603 : i1
    %slice3A_605 = vector.extract_strided_slice %get3A_463 {offsets = [13], sizes = [1], strides = [1]} : vector<16xf32> to vector<1xf32>
    %squeeze3A_606 = vector.extract %slice3A_605[0] : f32 from vector<1xf32>
    %jit3A_607 = arith.constant 0.000000e+00 : f32
    %select_n3A_608 = arith.select %and3A_604, %squeeze3A_606, %jit3A_607 : f32
    %add3A_609 = arith.addf %add3A_599, %select_n3A_608 : f32
    %add3A_610 = arith.constant 14 : i32
    %add3A_611 = arith.addi %min3A_428, %add3A_610 : i32
    %ge3A_612 = arith.cmpi sge, %add3A_611, %sub3A_422 : i32
    %le3A_613 = arith.cmpi sle, %add3A_611, %add3A_424 : i32
    %and3A_614 = arith.andi %ge3A_612, %le3A_613 : i1
    %slice3A_615 = vector.extract_strided_slice %get3A_463 {offsets = [14], sizes = [1], strides = [1]} : vector<16xf32> to vector<1xf32>
    %squeeze3A_616 = vector.extract %slice3A_615[0] : f32 from vector<1xf32>
    %jit3A_617 = arith.constant 0.000000e+00 : f32
    %select_n3A_618 = arith.select %and3A_614, %squeeze3A_616, %jit3A_617 : f32
    %add3A_619 = arith.addf %add3A_609, %select_n3A_618 : f32
    %add3A_620 = arith.constant 15 : i32
    %add3A_621 = arith.addi %min3A_428, %add3A_620 : i32
    %ge3A_622 = arith.cmpi sge, %add3A_621, %sub3A_422 : i32
    %le3A_623 = arith.cmpi sle, %add3A_621, %add3A_424 : i32
    %and3A_624 = arith.andi %ge3A_622, %le3A_623 : i1
    %slice3A_625 = vector.extract_strided_slice %get3A_463 {offsets = [15], sizes = [1], strides = [1]} : vector<16xf32> to vector<1xf32>
    %squeeze3A_626 = vector.extract %slice3A_625[0] : f32 from vector<1xf32>
    %jit3A_627 = arith.constant 0.000000e+00 : f32
    %select_n3A_628 = arith.select %and3A_624, %squeeze3A_626, %jit3A_627 : f32
    %add3A_629 = arith.addf %add3A_619, %select_n3A_628 : f32
    %add3A_630 = arith.constant 16 : i32
    %add3A_631 = arith.addi %min3A_428, %add3A_630 : i32
    %ge3A_632 = arith.cmpi sge, %add3A_631, %sub3A_422 : i32
    %le3A_633 = arith.cmpi sle, %add3A_631, %add3A_424 : i32
    %and3A_634 = arith.andi %ge3A_632, %le3A_633 : i1
    %slice3A_635 = vector.extract_strided_slice %get3A_468 {offsets = [0], sizes = [1], strides = [1]} : vector<16xf32> to vector<1xf32>
    %squeeze3A_636 = vector.extract %slice3A_635[0] : f32 from vector<1xf32>
    %jit3A_637 = arith.constant 0.000000e+00 : f32
    %select_n3A_638 = arith.select %and3A_634, %squeeze3A_636, %jit3A_637 : f32
    %add3A_639 = arith.addf %add3A_629, %select_n3A_638 : f32
    %add3A_640 = arith.constant 17 : i32
    %add3A_641 = arith.addi %min3A_428, %add3A_640 : i32
    %ge3A_642 = arith.cmpi sge, %add3A_641, %sub3A_422 : i32
    %le3A_643 = arith.cmpi sle, %add3A_641, %add3A_424 : i32
    %and3A_644 = arith.andi %ge3A_642, %le3A_643 : i1
    %slice3A_645 = vector.extract_strided_slice %get3A_468 {offsets = [1], sizes = [1], strides = [1]} : vector<16xf32> to vector<1xf32>
    %squeeze3A_646 = vector.extract %slice3A_645[0] : f32 from vector<1xf32>
    %jit3A_647 = arith.constant 0.000000e+00 : f32
    %select_n3A_648 = arith.select %and3A_644, %squeeze3A_646, %jit3A_647 : f32
    %add3A_649 = arith.addf %add3A_639, %select_n3A_648 : f32
    %add3A_650 = arith.constant 18 : i32
    %add3A_651 = arith.addi %min3A_428, %add3A_650 : i32
    %ge3A_652 = arith.cmpi sge, %add3A_651, %sub3A_422 : i32
    %le3A_653 = arith.cmpi sle, %add3A_651, %add3A_424 : i32
    %and3A_654 = arith.andi %ge3A_652, %le3A_653 : i1
    %slice3A_655 = vector.extract_strided_slice %get3A_468 {offsets = [2], sizes = [1], strides = [1]} : vector<16xf32> to vector<1xf32>
    %squeeze3A_656 = vector.extract %slice3A_655[0] : f32 from vector<1xf32>
    %jit3A_657 = arith.constant 0.000000e+00 : f32
    %select_n3A_658 = arith.select %and3A_654, %squeeze3A_656, %jit3A_657 : f32
    %add3A_659 = arith.addf %add3A_649, %select_n3A_658 : f32
    %add3A_660 = arith.constant 19 : i32
    %add3A_661 = arith.addi %min3A_428, %add3A_660 : i32
    %ge3A_662 = arith.cmpi sge, %add3A_661, %sub3A_422 : i32
    %le3A_663 = arith.cmpi sle, %add3A_661, %add3A_424 : i32
    %and3A_664 = arith.andi %ge3A_662, %le3A_663 : i1
    %slice3A_665 = vector.extract_strided_slice %get3A_468 {offsets = [3], sizes = [1], strides = [1]} : vector<16xf32> to vector<1xf32>
    %squeeze3A_666 = vector.extract %slice3A_665[0] : f32 from vector<1xf32>
    %jit3A_667 = arith.constant 0.000000e+00 : f32
    %select_n3A_668 = arith.select %and3A_664, %squeeze3A_666, %jit3A_667 : f32
    %add3A_669 = arith.addf %add3A_659, %select_n3A_668 : f32
    %add3A_670 = arith.constant 20 : i32
    %add3A_671 = arith.addi %min3A_428, %add3A_670 : i32
    %ge3A_672 = arith.cmpi sge, %add3A_671, %sub3A_422 : i32
    %le3A_673 = arith.cmpi sle, %add3A_671, %add3A_424 : i32
    %and3A_674 = arith.andi %ge3A_672, %le3A_673 : i1
    %slice3A_675 = vector.extract_strided_slice %get3A_468 {offsets = [4], sizes = [1], strides = [1]} : vector<16xf32> to vector<1xf32>
    %squeeze3A_676 = vector.extract %slice3A_675[0] : f32 from vector<1xf32>
    %jit3A_677 = arith.constant 0.000000e+00 : f32
    %select_n3A_678 = arith.select %and3A_674, %squeeze3A_676, %jit3A_677 : f32
    %add3A_679 = arith.addf %add3A_669, %select_n3A_678 : f32
    %add3A_680 = arith.constant 21 : i32
    %add3A_681 = arith.addi %min3A_428, %add3A_680 : i32
    %ge3A_682 = arith.cmpi sge, %add3A_681, %sub3A_422 : i32
    %le3A_683 = arith.cmpi sle, %add3A_681, %add3A_424 : i32
    %and3A_684 = arith.andi %ge3A_682, %le3A_683 : i1
    %slice3A_685 = vector.extract_strided_slice %get3A_468 {offsets = [5], sizes = [1], strides = [1]} : vector<16xf32> to vector<1xf32>
    %squeeze3A_686 = vector.extract %slice3A_685[0] : f32 from vector<1xf32>
    %jit3A_687 = arith.constant 0.000000e+00 : f32
    %select_n3A_688 = arith.select %and3A_684, %squeeze3A_686, %jit3A_687 : f32
    %add3A_689 = arith.addf %add3A_679, %select_n3A_688 : f32
    %add3A_690 = arith.constant 22 : i32
    %add3A_691 = arith.addi %min3A_428, %add3A_690 : i32
    %ge3A_692 = arith.cmpi sge, %add3A_691, %sub3A_422 : i32
    %le3A_693 = arith.cmpi sle, %add3A_691, %add3A_424 : i32
    %and3A_694 = arith.andi %ge3A_692, %le3A_693 : i1
    %slice3A_695 = vector.extract_strided_slice %get3A_468 {offsets = [6], sizes = [1], strides = [1]} : vector<16xf32> to vector<1xf32>
    %squeeze3A_696 = vector.extract %slice3A_695[0] : f32 from vector<1xf32>
    %jit3A_697 = arith.constant 0.000000e+00 : f32
    %select_n3A_698 = arith.select %and3A_694, %squeeze3A_696, %jit3A_697 : f32
    %add3A_699 = arith.addf %add3A_689, %select_n3A_698 : f32
    %add3A_700 = arith.constant 23 : i32
    %add3A_701 = arith.addi %min3A_428, %add3A_700 : i32
    %ge3A_702 = arith.cmpi sge, %add3A_701, %sub3A_422 : i32
    %le3A_703 = arith.cmpi sle, %add3A_701, %add3A_424 : i32
    %and3A_704 = arith.andi %ge3A_702, %le3A_703 : i1
    %slice3A_705 = vector.extract_strided_slice %get3A_468 {offsets = [7], sizes = [1], strides = [1]} : vector<16xf32> to vector<1xf32>
    %squeeze3A_706 = vector.extract %slice3A_705[0] : f32 from vector<1xf32>
    %jit3A_707 = arith.constant 0.000000e+00 : f32
    %select_n3A_708 = arith.select %and3A_704, %squeeze3A_706, %jit3A_707 : f32
    %add3A_709 = arith.addf %add3A_699, %select_n3A_708 : f32
    %add3A_710 = arith.constant 24 : i32
    %add3A_711 = arith.addi %min3A_428, %add3A_710 : i32
    %ge3A_712 = arith.cmpi sge, %add3A_711, %sub3A_422 : i32
    %le3A_713 = arith.cmpi sle, %add3A_711, %add3A_424 : i32
    %and3A_714 = arith.andi %ge3A_712, %le3A_713 : i1
    %slice3A_715 = vector.extract_strided_slice %get3A_468 {offsets = [8], sizes = [1], strides = [1]} : vector<16xf32> to vector<1xf32>
    %squeeze3A_716 = vector.extract %slice3A_715[0] : f32 from vector<1xf32>
    %jit3A_717 = arith.constant 0.000000e+00 : f32
    %select_n3A_718 = arith.select %and3A_714, %squeeze3A_716, %jit3A_717 : f32
    %add3A_719 = arith.addf %add3A_709, %select_n3A_718 : f32
    %add3A_720 = arith.constant 25 : i32
    %add3A_721 = arith.addi %min3A_428, %add3A_720 : i32
    %ge3A_722 = arith.cmpi sge, %add3A_721, %sub3A_422 : i32
    %le3A_723 = arith.cmpi sle, %add3A_721, %add3A_424 : i32
    %and3A_724 = arith.andi %ge3A_722, %le3A_723 : i1
    %slice3A_725 = vector.extract_strided_slice %get3A_468 {offsets = [9], sizes = [1], strides = [1]} : vector<16xf32> to vector<1xf32>
    %squeeze3A_726 = vector.extract %slice3A_725[0] : f32 from vector<1xf32>
    %jit3A_727 = arith.constant 0.000000e+00 : f32
    %select_n3A_728 = arith.select %and3A_724, %squeeze3A_726, %jit3A_727 : f32
    %add3A_729 = arith.addf %add3A_719, %select_n3A_728 : f32
    %add3A_730 = arith.constant 26 : i32
    %add3A_731 = arith.addi %min3A_428, %add3A_730 : i32
    %ge3A_732 = arith.cmpi sge, %add3A_731, %sub3A_422 : i32
    %le3A_733 = arith.cmpi sle, %add3A_731, %add3A_424 : i32
    %and3A_734 = arith.andi %ge3A_732, %le3A_733 : i1
    %slice3A_735 = vector.extract_strided_slice %get3A_468 {offsets = [10], sizes = [1], strides = [1]} : vector<16xf32> to vector<1xf32>
    %squeeze3A_736 = vector.extract %slice3A_735[0] : f32 from vector<1xf32>
    %jit3A_737 = arith.constant 0.000000e+00 : f32
    %select_n3A_738 = arith.select %and3A_734, %squeeze3A_736, %jit3A_737 : f32
    %add3A_739 = arith.addf %add3A_729, %select_n3A_738 : f32
    %add3A_740 = arith.constant 27 : i32
    %add3A_741 = arith.addi %min3A_428, %add3A_740 : i32
    %ge3A_742 = arith.cmpi sge, %add3A_741, %sub3A_422 : i32
    %le3A_743 = arith.cmpi sle, %add3A_741, %add3A_424 : i32
    %and3A_744 = arith.andi %ge3A_742, %le3A_743 : i1
    %slice3A_745 = vector.extract_strided_slice %get3A_468 {offsets = [11], sizes = [1], strides = [1]} : vector<16xf32> to vector<1xf32>
    %squeeze3A_746 = vector.extract %slice3A_745[0] : f32 from vector<1xf32>
    %jit3A_747 = arith.constant 0.000000e+00 : f32
    %select_n3A_748 = arith.select %and3A_744, %squeeze3A_746, %jit3A_747 : f32
    %add3A_749 = arith.addf %add3A_739, %select_n3A_748 : f32
    %add3A_750 = arith.constant 28 : i32
    %add3A_751 = arith.addi %min3A_428, %add3A_750 : i32
    %ge3A_752 = arith.cmpi sge, %add3A_751, %sub3A_422 : i32
    %le3A_753 = arith.cmpi sle, %add3A_751, %add3A_424 : i32
    %and3A_754 = arith.andi %ge3A_752, %le3A_753 : i1
    %slice3A_755 = vector.extract_strided_slice %get3A_468 {offsets = [12], sizes = [1], strides = [1]} : vector<16xf32> to vector<1xf32>
    %squeeze3A_756 = vector.extract %slice3A_755[0] : f32 from vector<1xf32>
    %jit3A_757 = arith.constant 0.000000e+00 : f32
    %select_n3A_758 = arith.select %and3A_754, %squeeze3A_756, %jit3A_757 : f32
    %add3A_759 = arith.addf %add3A_749, %select_n3A_758 : f32
    %add3A_760 = arith.constant 29 : i32
    %add3A_761 = arith.addi %min3A_428, %add3A_760 : i32
    %ge3A_762 = arith.cmpi sge, %add3A_761, %sub3A_422 : i32
    %le3A_763 = arith.cmpi sle, %add3A_761, %add3A_424 : i32
    %and3A_764 = arith.andi %ge3A_762, %le3A_763 : i1
    %slice3A_765 = vector.extract_strided_slice %get3A_468 {offsets = [13], sizes = [1], strides = [1]} : vector<16xf32> to vector<1xf32>
    %squeeze3A_766 = vector.extract %slice3A_765[0] : f32 from vector<1xf32>
    %jit3A_767 = arith.constant 0.000000e+00 : f32
    %select_n3A_768 = arith.select %and3A_764, %squeeze3A_766, %jit3A_767 : f32
    %add3A_769 = arith.addf %add3A_759, %select_n3A_768 : f32
    %add3A_770 = arith.constant 30 : i32
    %add3A_771 = arith.addi %min3A_428, %add3A_770 : i32
    %ge3A_772 = arith.cmpi sge, %add3A_771, %sub3A_422 : i32
    %le3A_773 = arith.cmpi sle, %add3A_771, %add3A_424 : i32
    %and3A_774 = arith.andi %ge3A_772, %le3A_773 : i1
    %slice3A_775 = vector.extract_strided_slice %get3A_468 {offsets = [14], sizes = [1], strides = [1]} : vector<16xf32> to vector<1xf32>
    %squeeze3A_776 = vector.extract %slice3A_775[0] : f32 from vector<1xf32>
    %jit3A_777 = arith.constant 0.000000e+00 : f32
    %select_n3A_778 = arith.select %and3A_774, %squeeze3A_776, %jit3A_777 : f32
    %add3A_779 = arith.addf %add3A_769, %select_n3A_778 : f32
    %sub3A_780 = arith.subi %squeeze3A_396, %min3A_456 : i32
    %broadcast_in_dim3A_781 = arith.constant 0.000000e+00 : f32
    %broadcast_in_dim3A_782 = vector.broadcast %broadcast_in_dim3A_781 : f32 to vector<16xf32>
    %scan3A_783 = arith.constant 0 : i32
    %scan3A_784 = arith.constant 64 : i32
    %scan3A_785 = arith.addi %scan3A_783, %scan3A_784 : i32
    %scan3A_786 = arith.constant 1 : i32
    %scan3A_787 = scf.for %scan3A_793 = %scan3A_783 to %scan3A_785 step %scan3A_786 iter_args(%scan3A_794 = %broadcast_in_dim3A_782) -> (vector<16xf32>)  : i32 {
      %mul3A_795 = arith.constant 16 : i32
      %mul3A_796 = arith.muli %scan3A_793, %mul3A_795 : i32
      %broadcast_in_dim3A_797 = arith.constant 0.000000e+00 : f32
      %broadcast_in_dim3A_798 = vector.broadcast %broadcast_in_dim3A_797 : f32 to vector<16xf32>
      %broadcast_in_dim3A_799 = arith.constant 0.000000e+00 : f32
      %broadcast_in_dim3A_800 = vector.broadcast %broadcast_in_dim3A_799 : f32 to vector<16xf32>
      %add3A_801 = arith.constant 0 : i32
      %add3A_802 = arith.addi %sub3A_460, %add3A_801 : i32
      %get3A_803 = arith.index_cast %add3A_802 : i32 to index
      %get3A_804 = arith.index_cast %mul3A_796 : i32 to index
      %get3A_805 = tpu.vector_load %arg8[%get3A_803, %get3A_804] {strides = array<i32>} : memref<40x1024xf32, #tpu.memory_space<vmem>>, vector<1x16xf32>,
      %get3A_806 = vector.shape_cast %get3A_805 : vector<1x16xf32> to vector<16xf32>
      %mul3A_807 = vector.broadcast %select_n3A_477 : f32 to vector<16xf32>
      %mul3A_808 = arith.mulf %get3A_806, %mul3A_807 : vector<16xf32>
      %max3A_809 = arith.maximumf %broadcast_in_dim3A_798, %mul3A_808 : vector<16xf32>
      %add3A_810 = arith.addf %broadcast_in_dim3A_800, %mul3A_808 : vector<16xf32>
      %add3A_811 = arith.constant 1 : i32
      %add3A_812 = arith.addi %sub3A_460, %add3A_811 : i32
      %get3A_813 = arith.index_cast %add3A_812 : i32 to index
      %get3A_814 = arith.index_cast %mul3A_796 : i32 to index
      %get3A_815 = tpu.vector_load %arg8[%get3A_813, %get3A_814] {strides = array<i32>} : memref<40x1024xf32, #tpu.memory_space<vmem>>, vector<1x16xf32>,
      %get3A_816 = vector.shape_cast %get3A_815 : vector<1x16xf32> to vector<16xf32>
      %mul3A_817 = vector.broadcast %select_n3A_488 : f32 to vector<16xf32>
      %mul3A_818 = arith.mulf %get3A_816, %mul3A_817 : vector<16xf32>
      %max3A_819 = arith.maximumf %max3A_809, %mul3A_818 : vector<16xf32>
      %add3A_820 = arith.addf %add3A_810, %mul3A_818 : vector<16xf32>
      %add3A_821 = arith.constant 2 : i32
      %add3A_822 = arith.addi %sub3A_460, %add3A_821 : i32
      %get3A_823 = arith.index_cast %add3A_822 : i32 to index
      %get3A_824 = arith.index_cast %mul3A_796 : i32 to index
      %get3A_825 = tpu.vector_load %arg8[%get3A_823, %get3A_824] {strides = array<i32>} : memref<40x1024xf32, #tpu.memory_space<vmem>>, vector<1x16xf32>,
      %get3A_826 = vector.shape_cast %get3A_825 : vector<1x16xf32> to vector<16xf32>
      %mul3A_827 = vector.broadcast %select_n3A_498 : f32 to vector<16xf32>
      %mul3A_828 = arith.mulf %get3A_826, %mul3A_827 : vector<16xf32>
      %max3A_829 = arith.maximumf %max3A_819, %mul3A_828 : vector<16xf32>
      %add3A_830 = arith.addf %add3A_820, %mul3A_828 : vector<16xf32>
      %add3A_831 = arith.constant 3 : i32
      %add3A_832 = arith.addi %sub3A_460, %add3A_831 : i32
      %get3A_833 = arith.index_cast %add3A_832 : i32 to index
      %get3A_834 = arith.index_cast %mul3A_796 : i32 to index
      %get3A_835 = tpu.vector_load %arg8[%get3A_833, %get3A_834] {strides = array<i32>} : memref<40x1024xf32, #tpu.memory_space<vmem>>, vector<1x16xf32>,
      %get3A_836 = vector.shape_cast %get3A_835 : vector<1x16xf32> to vector<16xf32>
      %mul3A_837 = vector.broadcast %select_n3A_508 : f32 to vector<16xf32>
      %mul3A_838 = arith.mulf %get3A_836, %mul3A_837 : vector<16xf32>
      %max3A_839 = arith.maximumf %max3A_829, %mul3A_838 : vector<16xf32>
      %add3A_840 = arith.addf %add3A_830, %mul3A_838 : vector<16xf32>
      %add3A_841 = arith.constant 4 : i32
      %add3A_842 = arith.addi %sub3A_460, %add3A_841 : i32
      %get3A_843 = arith.index_cast %add3A_842 : i32 to index
      %get3A_844 = arith.index_cast %mul3A_796 : i32 to index
      %get3A_845 = tpu.vector_load %arg8[%get3A_843, %get3A_844] {strides = array<i32>} : memref<40x1024xf32, #tpu.memory_space<vmem>>, vector<1x16xf32>,
      %get3A_846 = vector.shape_cast %get3A_845 : vector<1x16xf32> to vector<16xf32>
      %mul3A_847 = vector.broadcast %select_n3A_518 : f32 to vector<16xf32>
      %mul3A_848 = arith.mulf %get3A_846, %mul3A_847 : vector<16xf32>
      %max3A_849 = arith.maximumf %max3A_839, %mul3A_848 : vector<16xf32>
      %add3A_850 = arith.addf %add3A_840, %mul3A_848 : vector<16xf32>
      %add3A_851 = arith.constant 5 : i32
      %add3A_852 = arith.addi %sub3A_460, %add3A_851 : i32
      %get3A_853 = arith.index_cast %add3A_852 : i32 to index
      %get3A_854 = arith.index_cast %mul3A_796 : i32 to index
      %get3A_855 = tpu.vector_load %arg8[%get3A_853, %get3A_854] {strides = array<i32>} : memref<40x1024xf32, #tpu.memory_space<vmem>>, vector<1x16xf32>,
      %get3A_856 = vector.shape_cast %get3A_855 : vector<1x16xf32> to vector<16xf32>
      %mul3A_857 = vector.broadcast %select_n3A_528 : f32 to vector<16xf32>
      %mul3A_858 = arith.mulf %get3A_856, %mul3A_857 : vector<16xf32>
      %max3A_859 = arith.maximumf %max3A_849, %mul3A_858 : vector<16xf32>
      %add3A_860 = arith.addf %add3A_850, %mul3A_858 : vector<16xf32>
      %add3A_861 = arith.constant 6 : i32
      %add3A_862 = arith.addi %sub3A_460, %add3A_861 : i32
      %get3A_863 = arith.index_cast %add3A_862 : i32 to index
      %get3A_864 = arith.index_cast %mul3A_796 : i32 to index
      %get3A_865 = tpu.vector_load %arg8[%get3A_863, %get3A_864] {strides = array<i32>} : memref<40x1024xf32, #tpu.memory_space<vmem>>, vector<1x16xf32>,
      %get3A_866 = vector.shape_cast %get3A_865 : vector<1x16xf32> to vector<16xf32>
      %mul3A_867 = vector.broadcast %select_n3A_538 : f32 to vector<16xf32>
      %mul3A_868 = arith.mulf %get3A_866, %mul3A_867 : vector<16xf32>
      %max3A_869 = arith.maximumf %max3A_859, %mul3A_868 : vector<16xf32>
      %add3A_870 = arith.addf %add3A_860, %mul3A_868 : vector<16xf32>
      %add3A_871 = arith.constant 7 : i32
      %add3A_872 = arith.addi %sub3A_460, %add3A_871 : i32
      %get3A_873 = arith.index_cast %add3A_872 : i32 to index
      %get3A_874 = arith.index_cast %mul3A_796 : i32 to index
      %get3A_875 = tpu.vector_load %arg8[%get3A_873, %get3A_874] {strides = array<i32>} : memref<40x1024xf32, #tpu.memory_space<vmem>>, vector<1x16xf32>,
      %get3A_876 = vector.shape_cast %get3A_875 : vector<1x16xf32> to vector<16xf32>
      %mul3A_877 = vector.broadcast %select_n3A_548 : f32 to vector<16xf32>
      %mul3A_878 = arith.mulf %get3A_876, %mul3A_877 : vector<16xf32>
      %max3A_879 = arith.maximumf %max3A_869, %mul3A_878 : vector<16xf32>
      %add3A_880 = arith.addf %add3A_870, %mul3A_878 : vector<16xf32>
      %add3A_881 = arith.constant 8 : i32
      %add3A_882 = arith.addi %sub3A_460, %add3A_881 : i32
      %get3A_883 = arith.index_cast %add3A_882 : i32 to index
      %get3A_884 = arith.index_cast %mul3A_796 : i32 to index
      %get3A_885 = tpu.vector_load %arg8[%get3A_883, %get3A_884] {strides = array<i32>} : memref<40x1024xf32, #tpu.memory_space<vmem>>, vector<1x16xf32>,
      %get3A_886 = vector.shape_cast %get3A_885 : vector<1x16xf32> to vector<16xf32>
      %mul3A_887 = vector.broadcast %select_n3A_558 : f32 to vector<16xf32>
      %mul3A_888 = arith.mulf %get3A_886, %mul3A_887 : vector<16xf32>
      %max3A_889 = arith.maximumf %max3A_879, %mul3A_888 : vector<16xf32>
      %add3A_890 = arith.addf %add3A_880, %mul3A_888 : vector<16xf32>
      %add3A_891 = arith.constant 9 : i32
      %add3A_892 = arith.addi %sub3A_460, %add3A_891 : i32
      %get3A_893 = arith.index_cast %add3A_892 : i32 to index
      %get3A_894 = arith.index_cast %mul3A_796 : i32 to index
      %get3A_895 = tpu.vector_load %arg8[%get3A_893, %get3A_894] {strides = array<i32>} : memref<40x1024xf32, #tpu.memory_space<vmem>>, vector<1x16xf32>,
      %get3A_896 = vector.shape_cast %get3A_895 : vector<1x16xf32> to vector<16xf32>
      %mul3A_897 = vector.broadcast %select_n3A_568 : f32 to vector<16xf32>
      %mul3A_898 = arith.mulf %get3A_896, %mul3A_897 : vector<16xf32>
      %max3A_899 = arith.maximumf %max3A_889, %mul3A_898 : vector<16xf32>
      %add3A_900 = arith.addf %add3A_890, %mul3A_898 : vector<16xf32>
      %add3A_901 = arith.constant 10 : i32
      %add3A_902 = arith.addi %sub3A_460, %add3A_901 : i32
      %get3A_903 = arith.index_cast %add3A_902 : i32 to index
      %get3A_904 = arith.index_cast %mul3A_796 : i32 to index
      %get3A_905 = tpu.vector_load %arg8[%get3A_903, %get3A_904] {strides = array<i32>} : memref<40x1024xf32, #tpu.memory_space<vmem>>, vector<1x16xf32>,
      %get3A_906 = vector.shape_cast %get3A_905 : vector<1x16xf32> to vector<16xf32>
      %mul3A_907 = vector.broadcast %select_n3A_578 : f32 to vector<16xf32>
      %mul3A_908 = arith.mulf %get3A_906, %mul3A_907 : vector<16xf32>
      %max3A_909 = arith.maximumf %max3A_899, %mul3A_908 : vector<16xf32>
      %add3A_910 = arith.addf %add3A_900, %mul3A_908 : vector<16xf32>
      %add3A_911 = arith.constant 11 : i32
      %add3A_912 = arith.addi %sub3A_460, %add3A_911 : i32
      %get3A_913 = arith.index_cast %add3A_912 : i32 to index
      %get3A_914 = arith.index_cast %mul3A_796 : i32 to index
      %get3A_915 = tpu.vector_load %arg8[%get3A_913, %get3A_914] {strides = array<i32>} : memref<40x1024xf32, #tpu.memory_space<vmem>>, vector<1x16xf32>,
      %get3A_916 = vector.shape_cast %get3A_915 : vector<1x16xf32> to vector<16xf32>
      %mul3A_917 = vector.broadcast %select_n3A_588 : f32 to vector<16xf32>
      %mul3A_918 = arith.mulf %get3A_916, %mul3A_917 : vector<16xf32>
      %max3A_919 = arith.maximumf %max3A_909, %mul3A_918 : vector<16xf32>
      %add3A_920 = arith.addf %add3A_910, %mul3A_918 : vector<16xf32>
      %add3A_921 = arith.constant 12 : i32
      %add3A_922 = arith.addi %sub3A_460, %add3A_921 : i32
      %get3A_923 = arith.index_cast %add3A_922 : i32 to index
      %get3A_924 = arith.index_cast %mul3A_796 : i32 to index
      %get3A_925 = tpu.vector_load %arg8[%get3A_923, %get3A_924] {strides = array<i32>} : memref<40x1024xf32, #tpu.memory_space<vmem>>, vector<1x16xf32>,
      %get3A_926 = vector.shape_cast %get3A_925 : vector<1x16xf32> to vector<16xf32>
      %mul3A_927 = vector.broadcast %select_n3A_598 : f32 to vector<16xf32>
      %mul3A_928 = arith.mulf %get3A_926, %mul3A_927 : vector<16xf32>
      %max3A_929 = arith.maximumf %max3A_919, %mul3A_928 : vector<16xf32>
      %add3A_930 = arith.addf %add3A_920, %mul3A_928 : vector<16xf32>
      %add3A_931 = arith.constant 13 : i32
      %add3A_932 = arith.addi %sub3A_460, %add3A_931 : i32
      %get3A_933 = arith.index_cast %add3A_932 : i32 to index
      %get3A_934 = arith.index_cast %mul3A_796 : i32 to index
      %get3A_935 = tpu.vector_load %arg8[%get3A_933, %get3A_934] {strides = array<i32>} : memref<40x1024xf32, #tpu.memory_space<vmem>>, vector<1x16xf32>,
      %get3A_936 = vector.shape_cast %get3A_935 : vector<1x16xf32> to vector<16xf32>
      %mul3A_937 = vector.broadcast %select_n3A_608 : f32 to vector<16xf32>
      %mul3A_938 = arith.mulf %get3A_936, %mul3A_937 : vector<16xf32>
      %max3A_939 = arith.maximumf %max3A_929, %mul3A_938 : vector<16xf32>
      %add3A_940 = arith.addf %add3A_930, %mul3A_938 : vector<16xf32>
      %add3A_941 = arith.constant 14 : i32
      %add3A_942 = arith.addi %sub3A_460, %add3A_941 : i32
      %get3A_943 = arith.index_cast %add3A_942 : i32 to index
      %get3A_944 = arith.index_cast %mul3A_796 : i32 to index
      %get3A_945 = tpu.vector_load %arg8[%get3A_943, %get3A_944] {strides = array<i32>} : memref<40x1024xf32, #tpu.memory_space<vmem>>, vector<1x16xf32>,
      %get3A_946 = vector.shape_cast %get3A_945 : vector<1x16xf32> to vector<16xf32>
      %mul3A_947 = vector.broadcast %select_n3A_618 : f32 to vector<16xf32>
      %mul3A_948 = arith.mulf %get3A_946, %mul3A_947 : vector<16xf32>
      %max3A_949 = arith.maximumf %max3A_939, %mul3A_948 : vector<16xf32>
      %add3A_950 = arith.addf %add3A_940, %mul3A_948 : vector<16xf32>
      %add3A_951 = arith.constant 15 : i32
      %add3A_952 = arith.addi %sub3A_460, %add3A_951 : i32
      %get3A_953 = arith.index_cast %add3A_952 : i32 to index
      %get3A_954 = arith.index_cast %mul3A_796 : i32 to index
      %get3A_955 = tpu.vector_load %arg8[%get3A_953, %get3A_954] {strides = array<i32>} : memref<40x1024xf32, #tpu.memory_space<vmem>>, vector<1x16xf32>,
      %get3A_956 = vector.shape_cast %get3A_955 : vector<1x16xf32> to vector<16xf32>
      %mul3A_957 = vector.broadcast %select_n3A_628 : f32 to vector<16xf32>
      %mul3A_958 = arith.mulf %get3A_956, %mul3A_957 : vector<16xf32>
      %max3A_959 = arith.maximumf %max3A_949, %mul3A_958 : vector<16xf32>
      %add3A_960 = arith.addf %add3A_950, %mul3A_958 : vector<16xf32>
      %add3A_961 = arith.constant 16 : i32
      %add3A_962 = arith.addi %sub3A_460, %add3A_961 : i32
      %get3A_963 = arith.index_cast %add3A_962 : i32 to index
      %get3A_964 = arith.index_cast %mul3A_796 : i32 to index
      %get3A_965 = tpu.vector_load %arg8[%get3A_963, %get3A_964] {strides = array<i32>} : memref<40x1024xf32, #tpu.memory_space<vmem>>, vector<1x16xf32>,
      %get3A_966 = vector.shape_cast %get3A_965 : vector<1x16xf32> to vector<16xf32>
      %mul3A_967 = vector.broadcast %select_n3A_638 : f32 to vector<16xf32>
      %mul3A_968 = arith.mulf %get3A_966, %mul3A_967 : vector<16xf32>
      %max3A_969 = arith.maximumf %max3A_959, %mul3A_968 : vector<16xf32>
      %add3A_970 = arith.addf %add3A_960, %mul3A_968 : vector<16xf32>
      %add3A_971 = arith.constant 17 : i32
      %add3A_972 = arith.addi %sub3A_460, %add3A_971 : i32
      %get3A_973 = arith.index_cast %add3A_972 : i32 to index
      %get3A_974 = arith.index_cast %mul3A_796 : i32 to index
      %get3A_975 = tpu.vector_load %arg8[%get3A_973, %get3A_974] {strides = array<i32>} : memref<40x1024xf32, #tpu.memory_space<vmem>>, vector<1x16xf32>,
      %get3A_976 = vector.shape_cast %get3A_975 : vector<1x16xf32> to vector<16xf32>
      %mul3A_977 = vector.broadcast %select_n3A_648 : f32 to vector<16xf32>
      %mul3A_978 = arith.mulf %get3A_976, %mul3A_977 : vector<16xf32>
      %max3A_979 = arith.maximumf %max3A_969, %mul3A_978 : vector<16xf32>
      %add3A_980 = arith.addf %add3A_970, %mul3A_978 : vector<16xf32>
      %add3A_981 = arith.constant 18 : i32
      %add3A_982 = arith.addi %sub3A_460, %add3A_981 : i32
      %get3A_983 = arith.index_cast %add3A_982 : i32 to index
      %get3A_984 = arith.index_cast %mul3A_796 : i32 to index
      %get3A_985 = tpu.vector_load %arg8[%get3A_983, %get3A_984] {strides = array<i32>} : memref<40x1024xf32, #tpu.memory_space<vmem>>, vector<1x16xf32>,
      %get3A_986 = vector.shape_cast %get3A_985 : vector<1x16xf32> to vector<16xf32>
      %mul3A_987 = vector.broadcast %select_n3A_658 : f32 to vector<16xf32>
      %mul3A_988 = arith.mulf %get3A_986, %mul3A_987 : vector<16xf32>
      %max3A_989 = arith.maximumf %max3A_979, %mul3A_988 : vector<16xf32>
      %add3A_990 = arith.addf %add3A_980, %mul3A_988 : vector<16xf32>
      %add3A_991 = arith.constant 19 : i32
      %add3A_992 = arith.addi %sub3A_460, %add3A_991 : i32
      %get3A_993 = arith.index_cast %add3A_992 : i32 to index
      %get3A_994 = arith.index_cast %mul3A_796 : i32 to index
      %get3A_995 = tpu.vector_load %arg8[%get3A_993, %get3A_994] {strides = array<i32>} : memref<40x1024xf32, #tpu.memory_space<vmem>>, vector<1x16xf32>,
      %get3A_996 = vector.shape_cast %get3A_995 : vector<1x16xf32> to vector<16xf32>
      %mul3A_997 = vector.broadcast %select_n3A_668 : f32 to vector<16xf32>
      %mul3A_998 = arith.mulf %get3A_996, %mul3A_997 : vector<16xf32>
      %max3A_999 = arith.maximumf %max3A_989, %mul3A_998 : vector<16xf32>
      %add3A_1000 = arith.addf %add3A_990, %mul3A_998 : vector<16xf32>
      %add3A_1001 = arith.constant 20 : i32
      %add3A_1002 = arith.addi %sub3A_460, %add3A_1001 : i32
      %get3A_1003 = arith.index_cast %add3A_1002 : i32 to index
      %get3A_1004 = arith.index_cast %mul3A_796 : i32 to index
      %get3A_1005 = tpu.vector_load %arg8[%get3A_1003, %get3A_1004] {strides = array<i32>} : memref<40x1024xf32, #tpu.memory_space<vmem>>, vector<1x16xf32>,
      %get3A_1006 = vector.shape_cast %get3A_1005 : vector<1x16xf32> to vector<16xf32>
      %mul3A_1007 = vector.broadcast %select_n3A_678 : f32 to vector<16xf32>
      %mul3A_1008 = arith.mulf %get3A_1006, %mul3A_1007 : vector<16xf32>
      %max3A_1009 = arith.maximumf %max3A_999, %mul3A_1008 : vector<16xf32>
      %add3A_1010 = arith.addf %add3A_1000, %mul3A_1008 : vector<16xf32>
      %add3A_1011 = arith.constant 21 : i32
      %add3A_1012 = arith.addi %sub3A_460, %add3A_1011 : i32
      %get3A_1013 = arith.index_cast %add3A_1012 : i32 to index
      %get3A_1014 = arith.index_cast %mul3A_796 : i32 to index
      %get3A_1015 = tpu.vector_load %arg8[%get3A_1013, %get3A_1014] {strides = array<i32>} : memref<40x1024xf32, #tpu.memory_space<vmem>>, vector<1x16xf32>,
      %get3A_1016 = vector.shape_cast %get3A_1015 : vector<1x16xf32> to vector<16xf32>
      %mul3A_1017 = vector.broadcast %select_n3A_688 : f32 to vector<16xf32>
      %mul3A_1018 = arith.mulf %get3A_1016, %mul3A_1017 : vector<16xf32>
      %max3A_1019 = arith.maximumf %max3A_1009, %mul3A_1018 : vector<16xf32>
      %add3A_1020 = arith.addf %add3A_1010, %mul3A_1018 : vector<16xf32>
      %add3A_1021 = arith.constant 22 : i32
      %add3A_1022 = arith.addi %sub3A_460, %add3A_1021 : i32
      %get3A_1023 = arith.index_cast %add3A_1022 : i32 to index
      %get3A_1024 = arith.index_cast %mul3A_796 : i32 to index
      %get3A_1025 = tpu.vector_load %arg8[%get3A_1023, %get3A_1024] {strides = array<i32>} : memref<40x1024xf32, #tpu.memory_space<vmem>>, vector<1x16xf32>,
      %get3A_1026 = vector.shape_cast %get3A_1025 : vector<1x16xf32> to vector<16xf32>
      %mul3A_1027 = vector.broadcast %select_n3A_698 : f32 to vector<16xf32>
      %mul3A_1028 = arith.mulf %get3A_1026, %mul3A_1027 : vector<16xf32>
      %max3A_1029 = arith.maximumf %max3A_1019, %mul3A_1028 : vector<16xf32>
      %add3A_1030 = arith.addf %add3A_1020, %mul3A_1028 : vector<16xf32>
      %add3A_1031 = arith.constant 23 : i32
      %add3A_1032 = arith.addi %sub3A_460, %add3A_1031 : i32
      %get3A_1033 = arith.index_cast %add3A_1032 : i32 to index
      %get3A_1034 = arith.index_cast %mul3A_796 : i32 to index
      %get3A_1035 = tpu.vector_load %arg8[%get3A_1033, %get3A_1034] {strides = array<i32>} : memref<40x1024xf32, #tpu.memory_space<vmem>>, vector<1x16xf32>,
      %get3A_1036 = vector.shape_cast %get3A_1035 : vector<1x16xf32> to vector<16xf32>
      %mul3A_1037 = vector.broadcast %select_n3A_708 : f32 to vector<16xf32>
      %mul3A_1038 = arith.mulf %get3A_1036, %mul3A_1037 : vector<16xf32>
      %max3A_1039 = arith.maximumf %max3A_1029, %mul3A_1038 : vector<16xf32>
      %add3A_1040 = arith.addf %add3A_1030, %mul3A_1038 : vector<16xf32>
      %add3A_1041 = arith.constant 24 : i32
      %add3A_1042 = arith.addi %sub3A_460, %add3A_1041 : i32
      %get3A_1043 = arith.index_cast %add3A_1042 : i32 to index
      %get3A_1044 = arith.index_cast %mul3A_796 : i32 to index
      %get3A_1045 = tpu.vector_load %arg8[%get3A_1043, %get3A_1044] {strides = array<i32>} : memref<40x1024xf32, #tpu.memory_space<vmem>>, vector<1x16xf32>,
      %get3A_1046 = vector.shape_cast %get3A_1045 : vector<1x16xf32> to vector<16xf32>
      %mul3A_1047 = vector.broadcast %select_n3A_718 : f32 to vector<16xf32>
      %mul3A_1048 = arith.mulf %get3A_1046, %mul3A_1047 : vector<16xf32>
      %max3A_1049 = arith.maximumf %max3A_1039, %mul3A_1048 : vector<16xf32>
      %add3A_1050 = arith.addf %add3A_1040, %mul3A_1048 : vector<16xf32>
      %add3A_1051 = arith.constant 25 : i32
      %add3A_1052 = arith.addi %sub3A_460, %add3A_1051 : i32
      %get3A_1053 = arith.index_cast %add3A_1052 : i32 to index
      %get3A_1054 = arith.index_cast %mul3A_796 : i32 to index
      %get3A_1055 = tpu.vector_load %arg8[%get3A_1053, %get3A_1054] {strides = array<i32>} : memref<40x1024xf32, #tpu.memory_space<vmem>>, vector<1x16xf32>,
      %get3A_1056 = vector.shape_cast %get3A_1055 : vector<1x16xf32> to vector<16xf32>
      %mul3A_1057 = vector.broadcast %select_n3A_728 : f32 to vector<16xf32>
      %mul3A_1058 = arith.mulf %get3A_1056, %mul3A_1057 : vector<16xf32>
      %max3A_1059 = arith.maximumf %max3A_1049, %mul3A_1058 : vector<16xf32>
      %add3A_1060 = arith.addf %add3A_1050, %mul3A_1058 : vector<16xf32>
      %add3A_1061 = arith.constant 26 : i32
      %add3A_1062 = arith.addi %sub3A_460, %add3A_1061 : i32
      %get3A_1063 = arith.index_cast %add3A_1062 : i32 to index
      %get3A_1064 = arith.index_cast %mul3A_796 : i32 to index
      %get3A_1065 = tpu.vector_load %arg8[%get3A_1063, %get3A_1064] {strides = array<i32>} : memref<40x1024xf32, #tpu.memory_space<vmem>>, vector<1x16xf32>,
      %get3A_1066 = vector.shape_cast %get3A_1065 : vector<1x16xf32> to vector<16xf32>
      %mul3A_1067 = vector.broadcast %select_n3A_738 : f32 to vector<16xf32>
      %mul3A_1068 = arith.mulf %get3A_1066, %mul3A_1067 : vector<16xf32>
      %max3A_1069 = arith.maximumf %max3A_1059, %mul3A_1068 : vector<16xf32>
      %add3A_1070 = arith.addf %add3A_1060, %mul3A_1068 : vector<16xf32>
      %add3A_1071 = arith.constant 27 : i32
      %add3A_1072 = arith.addi %sub3A_460, %add3A_1071 : i32
      %get3A_1073 = arith.index_cast %add3A_1072 : i32 to index
      %get3A_1074 = arith.index_cast %mul3A_796 : i32 to index
      %get3A_1075 = tpu.vector_load %arg8[%get3A_1073, %get3A_1074] {strides = array<i32>} : memref<40x1024xf32, #tpu.memory_space<vmem>>, vector<1x16xf32>,
      %get3A_1076 = vector.shape_cast %get3A_1075 : vector<1x16xf32> to vector<16xf32>
      %mul3A_1077 = vector.broadcast %select_n3A_748 : f32 to vector<16xf32>
      %mul3A_1078 = arith.mulf %get3A_1076, %mul3A_1077 : vector<16xf32>
      %max3A_1079 = arith.maximumf %max3A_1069, %mul3A_1078 : vector<16xf32>
      %add3A_1080 = arith.addf %add3A_1070, %mul3A_1078 : vector<16xf32>
      %add3A_1081 = arith.constant 28 : i32
      %add3A_1082 = arith.addi %sub3A_460, %add3A_1081 : i32
      %get3A_1083 = arith.index_cast %add3A_1082 : i32 to index
      %get3A_1084 = arith.index_cast %mul3A_796 : i32 to index
      %get3A_1085 = tpu.vector_load %arg8[%get3A_1083, %get3A_1084] {strides = array<i32>} : memref<40x1024xf32, #tpu.memory_space<vmem>>, vector<1x16xf32>,
      %get3A_1086 = vector.shape_cast %get3A_1085 : vector<1x16xf32> to vector<16xf32>
      %mul3A_1087 = vector.broadcast %select_n3A_758 : f32 to vector<16xf32>
      %mul3A_1088 = arith.mulf %get3A_1086, %mul3A_1087 : vector<16xf32>
      %max3A_1089 = arith.maximumf %max3A_1079, %mul3A_1088 : vector<16xf32>
      %add3A_1090 = arith.addf %add3A_1080, %mul3A_1088 : vector<16xf32>
      %add3A_1091 = arith.constant 29 : i32
      %add3A_1092 = arith.addi %sub3A_460, %add3A_1091 : i32
      %get3A_1093 = arith.index_cast %add3A_1092 : i32 to index
      %get3A_1094 = arith.index_cast %mul3A_796 : i32 to index
      %get3A_1095 = tpu.vector_load %arg8[%get3A_1093, %get3A_1094] {strides = array<i32>} : memref<40x1024xf32, #tpu.memory_space<vmem>>, vector<1x16xf32>,
      %get3A_1096 = vector.shape_cast %get3A_1095 : vector<1x16xf32> to vector<16xf32>
      %mul3A_1097 = vector.broadcast %select_n3A_768 : f32 to vector<16xf32>
      %mul3A_1098 = arith.mulf %get3A_1096, %mul3A_1097 : vector<16xf32>
      %max3A_1099 = arith.maximumf %max3A_1089, %mul3A_1098 : vector<16xf32>
      %add3A_1100 = arith.addf %add3A_1090, %mul3A_1098 : vector<16xf32>
      %add3A_1101 = arith.constant 30 : i32
      %add3A_1102 = arith.addi %sub3A_460, %add3A_1101 : i32
      %get3A_1103 = arith.index_cast %add3A_1102 : i32 to index
      %get3A_1104 = arith.index_cast %mul3A_796 : i32 to index
      %get3A_1105 = tpu.vector_load %arg8[%get3A_1103, %get3A_1104] {strides = array<i32>} : memref<40x1024xf32, #tpu.memory_space<vmem>>, vector<1x16xf32>,
      %get3A_1106 = vector.shape_cast %get3A_1105 : vector<1x16xf32> to vector<16xf32>
      %mul3A_1107 = vector.broadcast %select_n3A_778 : f32 to vector<16xf32>
      %mul3A_1108 = arith.mulf %get3A_1106, %mul3A_1107 : vector<16xf32>
      %max3A_1109 = arith.maximumf %max3A_1099, %mul3A_1108 : vector<16xf32>
      %add3A_1110 = arith.addf %add3A_1100, %mul3A_1108 : vector<16xf32>
      %max3A_1111 = arith.constant 0.000000e+00 : f32
      %max3A_1112 = vector.broadcast %max3A_1111 : f32 to vector<16xf32>
      %max3A_1113 = arith.maximumf %max3A_1109, %max3A_1112 : vector<16xf32>
      %get3A_1114 = arith.index_cast %sub3A_780 : i32 to index
      %get3A_1115 = arith.index_cast %mul3A_796 : i32 to index
      %get3A_1116 = tpu.vector_load %arg8[%get3A_1114, %get3A_1115] {strides = array<i32>} : memref<40x1024xf32, #tpu.memory_space<vmem>>, vector<1x16xf32>,
      %get3A_1117 = vector.shape_cast %get3A_1116 : vector<1x16xf32> to vector<16xf32>
      %get3A_1118 = arith.index_cast %mul3A_796 : i32 to index
      %get3A_1119 = tpu.vector_load %arg10[%get3A_1118] {strides = array<i32>} : memref<3072xf32, #tpu.memory_space<vmem>>, vector<16xf32>,
      %get3A_1120 = vector.shape_cast %get3A_1119 : vector<16xf32> to vector<16xf32>
      %add3A_1121 = arith.constant 1024 : i32
      %add3A_1122 = arith.addi %add3A_1121, %mul3A_796 : i32
      %get3A_1123 = arith.index_cast %add3A_1122 : i32 to index
      %get3A_1124 = tpu.vector_load %arg10[%get3A_1123] {strides = array<i32>} : memref<3072xf32, #tpu.memory_space<vmem>>, vector<16xf32>,
      %get3A_1125 = vector.shape_cast %get3A_1124 : vector<16xf32> to vector<16xf32>
      %add3A_1126 = arith.constant 2048 : i32
      %add3A_1127 = arith.addi %add3A_1126, %mul3A_796 : i32
      %get3A_1128 = arith.index_cast %add3A_1127 : i32 to index
      %get3A_1129 = tpu.vector_load %arg10[%get3A_1128] {strides = array<i32>} : memref<3072xf32, #tpu.memory_space<vmem>>, vector<16xf32>,
      %get3A_1130 = vector.shape_cast %get3A_1129 : vector<16xf32> to vector<16xf32>
      %bitcast_convert_type3A = tpu.bitcast %get3A_1117 : vector<16xf32> -> vector<16xi32>
      %shift_right_logical3A = arith.constant 16 : i32
      %shift_right_logical3A_1131 = vector.broadcast %shift_right_logical3A : i32 to vector<16xi32>
      %shift_right_logical3A_1132 = arith.shrui %bitcast_convert_type3A, %shift_right_logical3A_1131 : vector<16xi32>
      %and3A_1133 = arith.constant 1 : i32
      %and3A_1134 = vector.broadcast %and3A_1133 : i32 to vector<16xi32>
      %and3A_1135 = arith.andi %shift_right_logical3A_1132, %and3A_1134 : vector<16xi32>
      %add3A_1136 = arith.constant 32767 : i32
      %add3A_1137 = vector.broadcast %add3A_1136 : i32 to vector<16xi32>
      %add3A_1138 = arith.addi %bitcast_convert_type3A, %add3A_1137 : vector<16xi32>
      %add3A_1139 = arith.addi %add3A_1138, %and3A_1135 : vector<16xi32>
      %and3A_1140 = arith.constant -65536 : i32
      %and3A_1141 = vector.broadcast %and3A_1140 : i32 to vector<16xi32>
      %and3A_1142 = arith.andi %add3A_1139, %and3A_1141 : vector<16xi32>
      %bitcast_convert_type3A_1143 = tpu.bitcast %and3A_1142 : vector<16xi32> -> vector<16xf32>
      %bitcast_convert_type3A_1144 = tpu.bitcast %get3A_1120 : vector<16xf32> -> vector<16xi32>
      %shift_right_logical3A_1145 = arith.constant 16 : i32
      %shift_right_logical3A_1146 = vector.broadcast %shift_right_logical3A_1145 : i32 to vector<16xi32>
      %shift_right_logical3A_1147 = arith.shrui %bitcast_convert_type3A_1144, %shift_right_logical3A_1146 : vector<16xi32>
      %and3A_1148 = arith.constant 1 : i32
      %and3A_1149 = vector.broadcast %and3A_1148 : i32 to vector<16xi32>
      %and3A_1150 = arith.andi %shift_right_logical3A_1147, %and3A_1149 : vector<16xi32>
      %add3A_1151 = arith.constant 32767 : i32
      %add3A_1152 = vector.broadcast %add3A_1151 : i32 to vector<16xi32>
      %add3A_1153 = arith.addi %bitcast_convert_type3A_1144, %add3A_1152 : vector<16xi32>
      %add3A_1154 = arith.addi %add3A_1153, %and3A_1150 : vector<16xi32>
      %and3A_1155 = arith.constant -65536 : i32
      %and3A_1156 = vector.broadcast %and3A_1155 : i32 to vector<16xi32>
      %and3A_1157 = arith.andi %add3A_1154, %and3A_1156 : vector<16xi32>
      %bitcast_convert_type3A_1158 = tpu.bitcast %and3A_1157 : vector<16xi32> -> vector<16xf32>
      %mul3A_1159 = arith.mulf %bitcast_convert_type3A_1143, %bitcast_convert_type3A_1158 : vector<16xf32>
      %add3A_1160 = arith.addf %scan3A_794, %mul3A_1159 : vector<16xf32>
      %bitcast_convert_type3A_1161 = tpu.bitcast %max3A_1113 : vector<16xf32> -> vector<16xi32>
      %shift_right_logical3A_1162 = arith.constant 16 : i32
      %shift_right_logical3A_1163 = vector.broadcast %shift_right_logical3A_1162 : i32 to vector<16xi32>
      %shift_right_logical3A_1164 = arith.shrui %bitcast_convert_type3A_1161, %shift_right_logical3A_1163 : vector<16xi32>
      %and3A_1165 = arith.constant 1 : i32
      %and3A_1166 = vector.broadcast %and3A_1165 : i32 to vector<16xi32>
      %and3A_1167 = arith.andi %shift_right_logical3A_1164, %and3A_1166 : vector<16xi32>
      %add3A_1168 = arith.constant 32767 : i32
      %add3A_1169 = vector.broadcast %add3A_1168 : i32 to vector<16xi32>
      %add3A_1170 = arith.addi %bitcast_convert_type3A_1161, %add3A_1169 : vector<16xi32>
      %add3A_1171 = arith.addi %add3A_1170, %and3A_1167 : vector<16xi32>
      %and3A_1172 = arith.constant -65536 : i32
      %and3A_1173 = vector.broadcast %and3A_1172 : i32 to vector<16xi32>
      %and3A_1174 = arith.andi %add3A_1171, %and3A_1173 : vector<16xi32>
      %bitcast_convert_type3A_1175 = tpu.bitcast %and3A_1174 : vector<16xi32> -> vector<16xf32>
      %bitcast_convert_type3A_1176 = tpu.bitcast %get3A_1125 : vector<16xf32> -> vector<16xi32>
      %shift_right_logical3A_1177 = arith.constant 16 : i32
      %shift_right_logical3A_1178 = vector.broadcast %shift_right_logical3A_1177 : i32 to vector<16xi32>
      %shift_right_logical3A_1179 = arith.shrui %bitcast_convert_type3A_1176, %shift_right_logical3A_1178 : vector<16xi32>
      %and3A_1180 = arith.constant 1 : i32
      %and3A_1181 = vector.broadcast %and3A_1180 : i32 to vector<16xi32>
      %and3A_1182 = arith.andi %shift_right_logical3A_1179, %and3A_1181 : vector<16xi32>
      %add3A_1183 = arith.constant 32767 : i32
      %add3A_1184 = vector.broadcast %add3A_1183 : i32 to vector<16xi32>
      %add3A_1185 = arith.addi %bitcast_convert_type3A_1176, %add3A_1184 : vector<16xi32>
      %add3A_1186 = arith.addi %add3A_1185, %and3A_1182 : vector<16xi32>
      %and3A_1187 = arith.constant -65536 : i32
      %and3A_1188 = vector.broadcast %and3A_1187 : i32 to vector<16xi32>
      %and3A_1189 = arith.andi %add3A_1186, %and3A_1188 : vector<16xi32>
      %bitcast_convert_type3A_1190 = tpu.bitcast %and3A_1189 : vector<16xi32> -> vector<16xf32>
      %mul3A_1191 = arith.mulf %bitcast_convert_type3A_1175, %bitcast_convert_type3A_1190 : vector<16xf32>
      %add3A_1192 = arith.addf %add3A_1160, %mul3A_1191 : vector<16xf32>
      %div3A_1193 = vector.broadcast %add3A_779 : f32 to vector<16xf32>
      %div3A_1194 = arith.divf %add3A_1110, %div3A_1193 : vector<16xf32>
      %bitcast_convert_type3A_1195 = tpu.bitcast %div3A_1194 : vector<16xf32> -> vector<16xi32>
      %shift_right_logical3A_1196 = arith.constant 16 : i32
      %shift_right_logical3A_1197 = vector.broadcast %shift_right_logical3A_1196 : i32 to vector<16xi32>
      %shift_right_logical3A_1198 = arith.shrui %bitcast_convert_type3A_1195, %shift_right_logical3A_1197 : vector<16xi32>
      %and3A_1199 = arith.constant 1 : i32
      %and3A_1200 = vector.broadcast %and3A_1199 : i32 to vector<16xi32>
      %and3A_1201 = arith.andi %shift_right_logical3A_1198, %and3A_1200 : vector<16xi32>
      %add3A_1202 = arith.constant 32767 : i32
      %add3A_1203 = vector.broadcast %add3A_1202 : i32 to vector<16xi32>
      %add3A_1204 = arith.addi %bitcast_convert_type3A_1195, %add3A_1203 : vector<16xi32>
      %add3A_1205 = arith.addi %add3A_1204, %and3A_1201 : vector<16xi32>
      %and3A_1206 = arith.constant -65536 : i32
      %and3A_1207 = vector.broadcast %and3A_1206 : i32 to vector<16xi32>
      %and3A_1208 = arith.andi %add3A_1205, %and3A_1207 : vector<16xi32>
      %bitcast_convert_type3A_1209 = tpu.bitcast %and3A_1208 : vector<16xi32> -> vector<16xf32>
      %bitcast_convert_type3A_1210 = tpu.bitcast %get3A_1130 : vector<16xf32> -> vector<16xi32>
      %shift_right_logical3A_1211 = arith.constant 16 : i32
      %shift_right_logical3A_1212 = vector.broadcast %shift_right_logical3A_1211 : i32 to vector<16xi32>
      %shift_right_logical3A_1213 = arith.shrui %bitcast_convert_type3A_1210, %shift_right_logical3A_1212 : vector<16xi32>
      %and3A_1214 = arith.constant 1 : i32
      %and3A_1215 = vector.broadcast %and3A_1214 : i32 to vector<16xi32>
      %and3A_1216 = arith.andi %shift_right_logical3A_1213, %and3A_1215 : vector<16xi32>
      %add3A_1217 = arith.constant 32767 : i32
      %add3A_1218 = vector.broadcast %add3A_1217 : i32 to vector<16xi32>
      %add3A_1219 = arith.addi %bitcast_convert_type3A_1210, %add3A_1218 : vector<16xi32>
      %add3A_1220 = arith.addi %add3A_1219, %and3A_1216 : vector<16xi32>
      %and3A_1221 = arith.constant -65536 : i32
      %and3A_1222 = vector.broadcast %and3A_1221 : i32 to vector<16xi32>
      %and3A_1223 = arith.andi %add3A_1220, %and3A_1222 : vector<16xi32>
      %bitcast_convert_type3A_1224 = tpu.bitcast %and3A_1223 : vector<16xi32> -> vector<16xf32>
      %mul3A_1225 = arith.mulf %bitcast_convert_type3A_1209, %bitcast_convert_type3A_1224 : vector<16xf32>
      %add3A_1226 = arith.addf %add3A_1192, %mul3A_1225 : vector<16xf32>
      scf.yield %add3A_1226 : vector<16xf32>
    }
    %scan3A_788 = arith.constant 64 : i32
    %swap3A_789 = arith.constant 0 : index
    %swap3A_790 = tpu.vector_load %arg11[%swap3A_789] {strides = array<i32>} : memref<16xf32, #tpu.memory_space<vmem>>, vector<16xf32>,
    %swap3A_791 = vector.shape_cast %swap3A_790 : vector<16xf32> to vector<16xf32>
    %swap3A_792 = vector.shape_cast %scan3A_787 : vector<16xf32> to vector<16xf32>
    tpu.vector_store %arg11[%swap3A_789], %swap3A_792 {strides = array<i32>} : memref<16xf32, #tpu.memory_space<vmem>>, vector<16xf32>,
    "tpu.region"() ({
      %run_scoped3A = tpu.sem_alloc : memref<!tpu.dma_semaphore, #tpu.memory_space<semaphore_mem>>
      %dma_start3A = arith.constant 0 : i32
      %dma_start3A_793 = tpu.memref_slice %arg6[%add3A_391, %dma_start3A] : memref<64x16xf32, #tpu.memory_space<hbm>> -> memref<1x16xf32, #tpu.memory_space<hbm>>
      %dma_start3A_794 = tpu.memref_squeeze %dma_start3A_793 : memref<1x16xf32, #tpu.memory_space<hbm>> -> memref<16xf32, #tpu.memory_space<hbm>>
      %dma_start3A_795 = arith.constant 0 : i32
      %dma_start3A_796 = tpu.memref_slice %arg6[%add3A_391, %dma_start3A_795] : memref<64x16xf32, #tpu.memory_space<hbm>> -> memref<1x16xf32, #tpu.memory_space<hbm>>
      %dma_start3A_797 = tpu.memref_squeeze %dma_start3A_796 : memref<1x16xf32, #tpu.memory_space<hbm>> -> memref<16xf32, #tpu.memory_space<hbm>>
      tpu.enqueue_dma source(%arg11 : memref<16xf32, #tpu.memory_space<vmem>>) target(%dma_start3A_797 : memref<16xf32, #tpu.memory_space<hbm>>) target_semaphore(%run_scoped3A : memref<!tpu.dma_semaphore, #tpu.memory_space<semaphore_mem>>)
      %dma_wait3A = arith.constant 0 : i32
      %dma_wait3A_798 = tpu.memref_slice %arg6[%add3A_391, %dma_wait3A] : memref<64x16xf32, #tpu.memory_space<hbm>> -> memref<1x16xf32, #tpu.memory_space<hbm>>
      %dma_wait3A_799 = tpu.memref_squeeze %dma_wait3A_798 : memref<1x16xf32, #tpu.memory_space<hbm>> -> memref<16xf32, #tpu.memory_space<hbm>>
      %dma_wait3A_800 = arith.constant 0 : i32
      %dma_wait3A_801 = tpu.memref_slice %arg6[%add3A_391, %dma_wait3A_800] : memref<64x16xf32, #tpu.memory_space<hbm>> -> memref<1x16xf32, #tpu.memory_space<hbm>>
      %dma_wait3A_802 = tpu.memref_squeeze %dma_wait3A_801 : memref<1x16xf32, #tpu.memory_space<hbm>> -> memref<16xf32, #tpu.memory_space<hbm>>
      tpu.wait_dma2 semaphore(%run_scoped3A : memref<!tpu.dma_semaphore, #tpu.memory_space<semaphore_mem>>) src(%arg11 : memref<16xf32, #tpu.memory_space<vmem>>) dst(%dma_wait3A_802 : memref<16xf32, #tpu.memory_space<hbm>>)
      tpu.yield
    }) : () -> ()
    return
  }
}

module attributes {stable_mosaic.version = 14 : i64} {
  func.func @_tc_body(%arg0: i32, %arg1: memref<1x512x1024xf32, #tpu.memory_space<vmem>>, %arg2: memref<1x512x1024xf32, #tpu.memory_space<vmem>>, %arg3: memref<1x512x1024xf32, #tpu.memory_space<vmem>>, %arg4: memref<1x512x1024xf32, #tpu.memory_space<vmem>>, %arg5: memref<1x2048x1xf32, #tpu.memory_space<vmem>>, %arg6: memref<1x1x1024xf32, #tpu.memory_space<vmem>>, %arg7: memref<1x3072xf32, #tpu.memory_space<vmem>>, %arg8: memref<1x1x1xf32, #tpu.memory_space<vmem>>) attributes {dimension_semantics = [#tpu.dimension_semantics<arbitrary>], iteration_bounds = array<i64: 4>, scalar_prefetch = 0 : i64, scratch_operands = 0 : i64, tpu.core_type = #tpu.core_type<tc>, window_params = [{transform_indices = @transform_0, window_bounds = array<i64: 1, 512, 1024>}, {transform_indices = @transform_1, window_bounds = array<i64: 1, 512, 1024>}, {transform_indices = @transform_2, window_bounds = array<i64: 1, 512, 1024>}, {transform_indices = @transform_3, window_bounds = array<i64: 1, 512, 1024>}, {transform_indices = @transform_4, window_bounds = array<i64: 1, 2048, 1>}, {transform_indices = @transform_5, window_bounds = array<i64: 1, 1, 1024>}, {pipeline_mode = #tpu.pipeline_mode<synchronous>, transform_indices = @transform_6, window_bounds = array<i64: 1, 3072>}, {transform_indices = @transform_7, window_bounds = array<i64: 1, 1, 1>}]} {
    %get3A = arith.constant 0 : index
    %get3A_0 = arith.constant 0 : index
    %get3A_1 = arith.constant 0 : index
    %get3A_2 = vector.load %arg5[%get3A, %get3A_0, %get3A_1] : memref<1x2048x1xf32, #tpu.memory_space<vmem>>, vector<1x2048x1xf32>
    %get3A_3 = vector.shape_cast %get3A_2 : vector<1x2048x1xf32> to vector<2048x1xf32>
    %reduce_sum3A = vector.shape_cast %get3A_3 : vector<2048x1xf32> to vector<1x2048x1xf32>
    %reduce_sum3A_4 = arith.constant dense<0.000000e+00> : vector<1xf32>
    %reduce_sum3A_5 = vector.multi_reduction <add>, %reduce_sum3A, %reduce_sum3A_4 [1, 2] : vector<1x2048x1xf32> to vector<1xf32>
    %reduce_sum3A_6 = vector.shape_cast %reduce_sum3A_5 : vector<1xf32> to vector<1x1x1xf32>
    %reduce_sum3A_7 = vector.extract %reduce_sum3A_6[0, 0, 0] : f32 from vector<1x1x1xf32>
    %get3A_8 = arith.constant 0 : index
    %get3A_9 = arith.constant 0 : index
    %get3A_10 = arith.constant 0 : index
    %get3A_11 = vector.load %arg1[%get3A_8, %get3A_9, %get3A_10] : memref<1x512x1024xf32, #tpu.memory_space<vmem>>, vector<1x512x1024xf32>
    %get3A_12 = vector.shape_cast %get3A_11 : vector<1x512x1024xf32> to vector<512x1024xf32>
    %slice3A = vector.extract_strided_slice %get3A_3 {offsets = [0, 0], sizes = [512, 1], strides = [1, 1]} : vector<2048x1xf32> to vector<512x1xf32>
    %mul3A = vector.broadcast %slice3A : vector<512x1xf32> to vector<512x1024xf32>
    %mul3A_13 = arith.mulf %get3A_12, %mul3A : vector<512x1024xf32>
    %reduce_max3A = arith.constant dense<0xFF800000> : vector<1024xf32>
    %reduce_max3A_14 = vector.multi_reduction <maximumf>, %mul3A_13, %reduce_max3A [0] : vector<512x1024xf32> to vector<1024xf32>
    %broadcast_in_dim3A = vector.shape_cast %reduce_max3A_14 : vector<1024xf32> to vector<1x1024xf32>
    %reduce_sum3A_15 = arith.constant dense<0.000000e+00> : vector<1024xf32>
    %reduce_sum3A_16 = vector.multi_reduction <add>, %mul3A_13, %reduce_sum3A_15 [0] : vector<512x1024xf32> to vector<1024xf32>
    %broadcast_in_dim3A_17 = vector.shape_cast %reduce_sum3A_16 : vector<1024xf32> to vector<1x1024xf32>
    %get3A_18 = arith.constant 0 : index
    %get3A_19 = arith.constant 0 : index
    %get3A_20 = arith.constant 0 : index
    %get3A_21 = vector.load %arg2[%get3A_18, %get3A_19, %get3A_20] : memref<1x512x1024xf32, #tpu.memory_space<vmem>>, vector<1x512x1024xf32>
    %get3A_22 = vector.shape_cast %get3A_21 : vector<1x512x1024xf32> to vector<512x1024xf32>
    %slice3A_23 = vector.extract_strided_slice %get3A_3 {offsets = [512, 0], sizes = [512, 1], strides = [1, 1]} : vector<2048x1xf32> to vector<512x1xf32>
    %mul3A_24 = vector.broadcast %slice3A_23 : vector<512x1xf32> to vector<512x1024xf32>
    %mul3A_25 = arith.mulf %get3A_22, %mul3A_24 : vector<512x1024xf32>
    %reduce_max3A_26 = arith.constant dense<0xFF800000> : vector<1024xf32>
    %reduce_max3A_27 = vector.multi_reduction <maximumf>, %mul3A_25, %reduce_max3A_26 [0] : vector<512x1024xf32> to vector<1024xf32>
    %broadcast_in_dim3A_28 = vector.shape_cast %reduce_max3A_27 : vector<1024xf32> to vector<1x1024xf32>
    %reduce_sum3A_29 = arith.constant dense<0.000000e+00> : vector<1024xf32>
    %reduce_sum3A_30 = vector.multi_reduction <add>, %mul3A_25, %reduce_sum3A_29 [0] : vector<512x1024xf32> to vector<1024xf32>
    %broadcast_in_dim3A_31 = vector.shape_cast %reduce_sum3A_30 : vector<1024xf32> to vector<1x1024xf32>
    %get3A_32 = arith.constant 0 : index
    %get3A_33 = arith.constant 0 : index
    %get3A_34 = arith.constant 0 : index
    %get3A_35 = vector.load %arg3[%get3A_32, %get3A_33, %get3A_34] : memref<1x512x1024xf32, #tpu.memory_space<vmem>>, vector<1x512x1024xf32>
    %get3A_36 = vector.shape_cast %get3A_35 : vector<1x512x1024xf32> to vector<512x1024xf32>
    %slice3A_37 = vector.extract_strided_slice %get3A_3 {offsets = [1024, 0], sizes = [512, 1], strides = [1, 1]} : vector<2048x1xf32> to vector<512x1xf32>
    %mul3A_38 = vector.broadcast %slice3A_37 : vector<512x1xf32> to vector<512x1024xf32>
    %mul3A_39 = arith.mulf %get3A_36, %mul3A_38 : vector<512x1024xf32>
    %reduce_max3A_40 = arith.constant dense<0xFF800000> : vector<1024xf32>
    %reduce_max3A_41 = vector.multi_reduction <maximumf>, %mul3A_39, %reduce_max3A_40 [0] : vector<512x1024xf32> to vector<1024xf32>
    %broadcast_in_dim3A_42 = vector.shape_cast %reduce_max3A_41 : vector<1024xf32> to vector<1x1024xf32>
    %reduce_sum3A_43 = arith.constant dense<0.000000e+00> : vector<1024xf32>
    %reduce_sum3A_44 = vector.multi_reduction <add>, %mul3A_39, %reduce_sum3A_43 [0] : vector<512x1024xf32> to vector<1024xf32>
    %broadcast_in_dim3A_45 = vector.shape_cast %reduce_sum3A_44 : vector<1024xf32> to vector<1x1024xf32>
    %get3A_46 = arith.constant 0 : index
    %get3A_47 = arith.constant 0 : index
    %get3A_48 = arith.constant 0 : index
    %get3A_49 = vector.load %arg4[%get3A_46, %get3A_47, %get3A_48] : memref<1x512x1024xf32, #tpu.memory_space<vmem>>, vector<1x512x1024xf32>
    %get3A_50 = vector.shape_cast %get3A_49 : vector<1x512x1024xf32> to vector<512x1024xf32>
    %slice3A_51 = vector.extract_strided_slice %get3A_3 {offsets = [1536, 0], sizes = [512, 1], strides = [1, 1]} : vector<2048x1xf32> to vector<512x1xf32>
    %mul3A_52 = vector.broadcast %slice3A_51 : vector<512x1xf32> to vector<512x1024xf32>
    %mul3A_53 = arith.mulf %get3A_50, %mul3A_52 : vector<512x1024xf32>
    %reduce_max3A_54 = arith.constant dense<0xFF800000> : vector<1024xf32>
    %reduce_max3A_55 = vector.multi_reduction <maximumf>, %mul3A_53, %reduce_max3A_54 [0] : vector<512x1024xf32> to vector<1024xf32>
    %broadcast_in_dim3A_56 = vector.shape_cast %reduce_max3A_55 : vector<1024xf32> to vector<1x1024xf32>
    %reduce_sum3A_57 = arith.constant dense<0.000000e+00> : vector<1024xf32>
    %reduce_sum3A_58 = vector.multi_reduction <add>, %mul3A_53, %reduce_sum3A_57 [0] : vector<512x1024xf32> to vector<1024xf32>
    %broadcast_in_dim3A_59 = vector.shape_cast %reduce_sum3A_58 : vector<1024xf32> to vector<1x1024xf32>
    %max3A = arith.maximumf %broadcast_in_dim3A, %broadcast_in_dim3A_28 : vector<1x1024xf32>
    %max3A_60 = arith.maximumf %max3A, %broadcast_in_dim3A_42 : vector<1x1024xf32>
    %max3A_61 = arith.maximumf %max3A_60, %broadcast_in_dim3A_56 : vector<1x1024xf32>
    %add3A = arith.addf %broadcast_in_dim3A_17, %broadcast_in_dim3A_31 : vector<1x1024xf32>
    %add3A_62 = arith.addf %add3A, %broadcast_in_dim3A_45 : vector<1x1024xf32>
    %add3A_63 = arith.addf %add3A_62, %broadcast_in_dim3A_59 : vector<1x1024xf32>
    %div3A = vector.broadcast %reduce_sum3A_7 : f32 to vector<1x1024xf32>
    %div3A_64 = arith.divf %add3A_63, %div3A : vector<1x1024xf32>
    %get3A_65 = arith.constant 0 : index
    %get3A_66 = arith.constant 0 : index
    %get3A_67 = vector.load %arg7[%get3A_65, %get3A_66] : memref<1x3072xf32, #tpu.memory_space<vmem>>, vector<1x1024xf32>
    %get3A_68 = arith.constant 0 : index
    %get3A_69 = arith.constant 1024 : index
    %get3A_70 = vector.load %arg7[%get3A_68, %get3A_69] : memref<1x3072xf32, #tpu.memory_space<vmem>>, vector<1x1024xf32>
    %get3A_71 = arith.constant 0 : index
    %get3A_72 = arith.constant 2048 : index
    %get3A_73 = vector.load %arg7[%get3A_71, %get3A_72] : memref<1x3072xf32, #tpu.memory_space<vmem>>, vector<1x1024xf32>
    %get3A_74 = arith.constant 0 : index
    %get3A_75 = arith.constant 0 : index
    %get3A_76 = arith.constant 0 : index
    %get3A_77 = vector.load %arg6[%get3A_74, %get3A_75, %get3A_76] : memref<1x1x1024xf32, #tpu.memory_space<vmem>>, vector<1x1x1024xf32>
    %get3A_78 = vector.shape_cast %get3A_77 : vector<1x1x1024xf32> to vector<1x1024xf32>
    %convert_element_type3A = arith.truncf %get3A_78 : vector<1x1024xf32> to vector<1x1024xbf16>
    %convert_element_type3A_79 = arith.extf %convert_element_type3A : vector<1x1024xbf16> to vector<1x1024xf32>
    %convert_element_type3A_80 = arith.truncf %get3A_67 : vector<1x1024xf32> to vector<1x1024xbf16>
    %convert_element_type3A_81 = arith.extf %convert_element_type3A_80 : vector<1x1024xbf16> to vector<1x1024xf32>
    %mul3A_82 = arith.mulf %convert_element_type3A_79, %convert_element_type3A_81 : vector<1x1024xf32>
    %reduce_sum3A_83 = arith.constant dense<0.000000e+00> : vector<1xf32>
    %reduce_sum3A_84 = vector.multi_reduction <add>, %mul3A_82, %reduce_sum3A_83 [1] : vector<1x1024xf32> to vector<1xf32>
    %broadcast_in_dim3A_85 = vector.shape_cast %reduce_sum3A_84 : vector<1xf32> to vector<1x1xf32>
    %convert_element_type3A_86 = arith.truncf %max3A_61 : vector<1x1024xf32> to vector<1x1024xbf16>
    %convert_element_type3A_87 = arith.extf %convert_element_type3A_86 : vector<1x1024xbf16> to vector<1x1024xf32>
    %convert_element_type3A_88 = arith.truncf %get3A_70 : vector<1x1024xf32> to vector<1x1024xbf16>
    %convert_element_type3A_89 = arith.extf %convert_element_type3A_88 : vector<1x1024xbf16> to vector<1x1024xf32>
    %mul3A_90 = arith.mulf %convert_element_type3A_87, %convert_element_type3A_89 : vector<1x1024xf32>
    %reduce_sum3A_91 = arith.constant dense<0.000000e+00> : vector<1xf32>
    %reduce_sum3A_92 = vector.multi_reduction <add>, %mul3A_90, %reduce_sum3A_91 [1] : vector<1x1024xf32> to vector<1xf32>
    %broadcast_in_dim3A_93 = vector.shape_cast %reduce_sum3A_92 : vector<1xf32> to vector<1x1xf32>
    %add3A_94 = arith.addf %broadcast_in_dim3A_85, %broadcast_in_dim3A_93 : vector<1x1xf32>
    %convert_element_type3A_95 = arith.truncf %div3A_64 : vector<1x1024xf32> to vector<1x1024xbf16>
    %convert_element_type3A_96 = arith.extf %convert_element_type3A_95 : vector<1x1024xbf16> to vector<1x1024xf32>
    %convert_element_type3A_97 = arith.truncf %get3A_73 : vector<1x1024xf32> to vector<1x1024xbf16>
    %convert_element_type3A_98 = arith.extf %convert_element_type3A_97 : vector<1x1024xbf16> to vector<1x1024xf32>
    %mul3A_99 = arith.mulf %convert_element_type3A_96, %convert_element_type3A_98 : vector<1x1024xf32>
    %reduce_sum3A_100 = arith.constant dense<0.000000e+00> : vector<1xf32>
    %reduce_sum3A_101 = vector.multi_reduction <add>, %mul3A_99, %reduce_sum3A_100 [1] : vector<1x1024xf32> to vector<1xf32>
    %broadcast_in_dim3A_102 = vector.shape_cast %reduce_sum3A_101 : vector<1xf32> to vector<1x1xf32>
    %add3A_103 = arith.addf %add3A_94, %broadcast_in_dim3A_102 : vector<1x1xf32>
    %swap3A = arith.constant 0 : index
    %swap3A_104 = arith.constant 0 : index
    %swap3A_105 = arith.constant 0 : index
    %swap3A_106 = vector.load %arg8[%swap3A, %swap3A_104, %swap3A_105] : memref<1x1x1xf32, #tpu.memory_space<vmem>>, vector<1x1x1xf32>
    %swap3A_107 = vector.shape_cast %swap3A_106 : vector<1x1x1xf32> to vector<1x1xf32>
    %swap3A_108 = vector.shape_cast %add3A_103 : vector<1x1xf32> to vector<1x1x1xf32>
    tpu.vector_store %arg8[%swap3A, %swap3A_104, %swap3A_105], %swap3A_108 {strides = array<i32>} : memref<1x1x1xf32, #tpu.memory_space<vmem>>, vector<1x1x1xf32>,
    return
  }
  func.func @transform_0(%arg0: i32) -> (i32, i32, i32) {
    %c0_i32 = arith.constant 0 : i32
    %c0_i32_0 = arith.constant 0 : i32
    %c0_i32_1 = arith.constant 0 : i32
    return %arg0, %c0_i32, %c0_i32_0 : i32, i32, i32
  }
  func.func @transform_1(%arg0: i32) -> (i32, i32, i32) {
    %c1_i32 = arith.constant 1 : i32
    %c0_i32 = arith.constant 0 : i32
    %c0_i32_0 = arith.constant 0 : i32
    return %arg0, %c1_i32, %c0_i32 : i32, i32, i32
  }
  func.func @transform_2(%arg0: i32) -> (i32, i32, i32) {
    %c2_i32 = arith.constant 2 : i32
    %c0_i32 = arith.constant 0 : i32
    %c0_i32_0 = arith.constant 0 : i32
    return %arg0, %c2_i32, %c0_i32 : i32, i32, i32
  }
  func.func @transform_3(%arg0: i32) -> (i32, i32, i32) {
    %c3_i32 = arith.constant 3 : i32
    %c0_i32 = arith.constant 0 : i32
    %c0_i32_0 = arith.constant 0 : i32
    return %arg0, %c3_i32, %c0_i32 : i32, i32, i32
  }
  func.func @transform_4(%arg0: i32) -> (i32, i32, i32) {
    %c0_i32 = arith.constant 0 : i32
    %c0_i32_0 = arith.constant 0 : i32
    %c0_i32_1 = arith.constant 0 : i32
    return %arg0, %c0_i32, %c0_i32_0 : i32, i32, i32
  }
  func.func @transform_5(%arg0: i32) -> (i32, i32, i32) {
    %c0_i32 = arith.constant 0 : i32
    %c0_i32_0 = arith.constant 0 : i32
    %c0_i32_1 = arith.constant 0 : i32
    return %arg0, %c0_i32, %c0_i32_0 : i32, i32, i32
  }
  func.func @transform_6(%arg0: i32) -> (i32, i32) {
    %c0_i32 = arith.constant 0 : i32
    %c0_i32_0 = arith.constant 0 : i32
    %c0_i32_1 = arith.constant 0 : i32
    return %c0_i32, %c0_i32_0 : i32, i32
  }
  func.func @transform_7(%arg0: i32) -> (i32, i32, i32) {
    %c0_i32 = arith.constant 0 : i32
    %c0_i32_0 = arith.constant 0 : i32
    %c0_i32_1 = arith.constant 0 : i32
    return %arg0, %c0_i32, %c0_i32_0 : i32, i32, i32
  }
}

</mosaic_0001>

<sc_bundles>
// kernel: kernel.4.cloned.1.call-start
scs
__scs_entry_jumppad:
0x0: {  	(pc) =	sbr.rel $0x88, $3  }
0x1: {  	(tag) =	ssettag $0x0;
	lr =	simm.s32 $0x1  }
0x2: {  	[smem:$0x3F98] =	sst lr;
	_ =	strace $0xD0000000  }
0x3: {  	_ = 	snop  }
0x4: {  	_ = 	snop  }
0x5: {  	_ = 	snop  }
0x6: {  	_ = 	snop  }
0x7: {  	_ = 	snop  }
__scs_overlays_trampoline_lowered:
0x8: {  	[smem:$0x3FA7] =	sst s0  }
0x9: {  	[smem:$0x3FA8] =	sst s1  }
0xa: {  	[smem:$0x3FA9] =	sst s2  }
0xb: {  	[smem:$0x3FAA] =	sst s3  }
0xc: {  	[smem:$0x3FAB] =	sst s4  }
0xd: {  	[smem:$0x3FAC] =	sst s5  }
0xe: {  	[smem:$0x3FAD] =	sst s6  }
0xf: {  	[smem:$0x3FAE] =	sst s7  }
0x10: {  	[smem:$0x3FAF] =	sst s8  }
0x11: {  	[smem:$0x3FB0] =	sst s9;
	s0 =	simm.s32 @!p0 $0x0  }
0x12: {  	s1 =	sld [smem:$0x3F96];
	s0 =	simm.s32 @p0 $0x1  }
0x13: {  	[smem:$0x3FB1] =	sst s0;
	s0 =	simm.s32 @!p1 $0x0  }
0x14: {  	s2 =	sld [smem:$0x3F95];
	s0 =	simm.s32 @p1 $0x1  }
0x15: {  	[smem:$0x3FB2] =	sst s0;
	s0 =	simm.s32 @!p2 $0x0  }
0x16: {  	s3 =	sld [smem:$0x3FDB];
	s0 =	simm.s32 @p2 $0x1  }
0x17: {  	s4 =	simm.s32 $0x1BF5;
	[smem:$0x3FB4] =	sst s0  }
0x18: {  	s0 =	sld [smem:$0x3F97];
	_ =	swait.ge [sflag:s4], $0x0  }
0x19: {  	s7 =	sld [smem:$0x3F98]  }
0x1a: {  	s8 =	sadd.s32 $0xFFFFE003, lr  }
0x1b: {  	s9 =	sadd.s32 $0xFFFFFEF7, lr;
	s5 =	simm.s32 $0xFFFFFFFF;
	p2 =	slt.u32 s8, $0xFFFFF086  }
0x1c: {  	p1 =	slt.u32 s9, $0xF7A;
	s5 =	simm.s32 @!p2 $0x0  }
0x1d: {  	s5 =	simm.s32 @p1 $0x1;
	p0 =	seq.s32 s7, s2  }
0x1e: {  	s7 =	smul.u32 @!p0 $0xF7A, s2;
	p2 =	seq.s32 @!p0 s5, $0x0  }
0x1f: {  	s9 =	smul.u32 $0xF7A, s1;
	s8 =	simm.s32 @!p0 $0x1BF5;
	p2 =	por !p2, p0  }
0x20: {  	[sflag:s8] =	ssyncset.s32 @!p0 $0xFFFFF086;
	s6 =	sadd.s32 @!p0 s3, s7;
	s7 =	simm.s32 @!p0 $0x108  }
0x21: {  	s3 =	sadd.s32 s3, s9;
	s6 =	sadd.s32 @!p0 $0x88, s6;
	s7 =	simm.s32 @p2 $0x1082  }
0x22: {  	[simem:s7], [sflag:s8] =	dma.local @!p0 [hbm:s6], $0xF7A  }
0x23: {  	s9 =	sor.u32 $0xD0000000, s2;
	s6 =	simm.s32 $0x108;
	_ =	swait.ge @!p0 [sflag:s8], $0x0  }
0x24: {  	s3 =	sadd.s32 $0x88, s3;
	s6 =	simm.s32 @!p1 $0x1082;
	[sflag:s4] =	ssyncset.s32 $0xFFFFF086  }
0x25: {  	[simem:s6], [sflag:s4] =	dma.local [hbm:s3], $0xF7A  }
0x26: {  	[smem:$0x3F98] =	sst s1;
	(tag) =	ssettag s2;
	_ =	strace s9  }
0x27: {  	s1 =	sld [smem:$0x3FA8]  }
0x28: {  	s2 =	sld [smem:$0x3FA9]  }
0x29: {  	s4 =	sld [smem:$0x3FAB]  }
0x2a: {  	p0 =	seq.s32 s5, $0x0;
	s5 =	sld [smem:$0x3FAC]  }
0x2b: {  	s6 =	sld [smem:$0x3FAD]  }
0x2c: {  	s7 =	sld [smem:$0x3FAE]  }
0x2d: {  	s3 =	simm.s32 $0x108;
	s8 =	sld [smem:$0x3FAF]  }
0x2e: {  	s3 =	simm.s32 @!p0 $0x1082;
	s9 =	sld [smem:$0x3FB0]  }
0x2f: {  	lr =	sadd.s32 s0, s3;
	s0 =	sld [smem:$0x3FA7]  }
0x30: {  	s3 =	sld [smem:$0x3FAA]  }
0x31: {  	[smem:$0x3FB3] =	sst s10  }
0x32: {  	s10 =	sld [smem:$0x3FB1];
	_ =	sdelay $0x3  }
0x33: {  	p0 =	seq.s32 s10, $0x1;
	s10 =	sld [smem:$0x3FB3];
	_ =	sdelay $0x3  }
0x34: {  	[smem:$0x3FB3] =	sst s10  }
0x35: {  	s10 =	sld [smem:$0x3FB2];
	_ =	sdelay $0x3  }
0x36: {  	p1 =	seq.s32 s10, $0x1;
	s10 =	sld [smem:$0x3FB3];
	_ =	sdelay $0x3  }
0x37: {  	[smem:$0x3FB3] =	sst s10  }
0x38: {  	s10 =	sld [smem:$0x3FB4]  }
0x39: {  	_ = 	snop;
	(pc) =	sbr.ind lr, $3  }
0x3a: {  	_ = 	snop  }
0x3b: {  	_ = 	snop  }
0x3c: {  	p2 =	seq.s32 s10, $0x1;
	s10 =	sld [smem:$0x3FB3]  }
0x3d: {  	_ =	shalt  }
0x3e: {  	_ =	shalt  }
0x3f: {  	_ =	shalt  }
0x40: {  	_ =	shalt  }
0x41: {  	_ =	shalt  }
0x42: {  	_ =	shalt  }
0x43: {  	_ =	shalt  }
0x44: {  	_ =	shalt  }
0x45: {  	_ =	shalt  }
0x46: {  	_ =	shalt  }
0x47: {  	_ =	shalt  }
0x48: {  	_ =	shalt  }
0x49: {  	_ =	shalt  }
0x4a: {  	_ =	shalt  }
0x4b: {  	_ =	shalt  }
0x4c: {  	_ =	shalt  }
0x4d: {  	_ =	shalt  }
0x4e: {  	_ =	shalt  }
0x4f: {  	_ =	shalt  }
0x50: {  	_ =	shalt  }
0x51: {  	_ =	shalt  }
0x52: {  	_ =	shalt  }
0x53: {  	_ =	shalt  }
0x54: {  	_ =	shalt  }
0x55: {  	_ =	shalt  }
0x56: {  	_ =	shalt  }
0x57: {  	_ =	shalt  }
0x58: {  	_ =	shalt  }
0x59: {  	_ =	shalt  }
0x5a: {  	_ =	shalt  }
0x5b: {  	_ =	shalt  }
0x5c: {  	_ =	shalt  }
0x5d: {  	_ =	shalt  }
0x5e: {  	_ =	shalt  }
0x5f: {  	_ =	shalt  }
0x60: {  	_ =	shalt  }
0x61: {  	_ =	shalt  }
0x62: {  	_ =	shalt  }
0x63: {  	_ =	shalt  }
0x64: {  	_ =	shalt  }
0x65: {  	_ =	shalt  }
0x66: {  	_ =	shalt  }
0x67: {  	_ =	shalt  }
0x68: {  	_ =	shalt  }
0x69: {  	_ =	shalt  }
0x6a: {  	_ =	shalt  }
0x6b: {  	_ =	shalt  }
0x6c: {  	_ =	shalt  }
0x6d: {  	_ =	shalt  }
0x6e: {  	_ =	shalt  }
0x6f: {  	_ =	shalt  }
0x70: {  	_ =	shalt  }
0x71: {  	_ =	shalt  }
0x72: {  	_ =	shalt  }
0x73: {  	_ =	shalt  }
0x74: {  	_ =	shalt  }
0x75: {  	_ =	shalt  }
0x76: {  	_ =	shalt  }
0x77: {  	_ =	shalt  }
0x78: {  	_ =	shalt  }
0x79: {  	_ =	shalt  }
0x7a: {  	_ =	shalt  }
0x7b: {  	_ =	shalt  }
0x7c: {  	_ =	shalt  }
0x7d: {  	_ =	shalt  }
0x7e: {  	_ =	shalt  }
0x7f: {  	_ =	shalt  }
0x80: {  	_ =	shalt  }
0x81: {  	_ =	shalt  }
0x82: {  	_ =	shalt  }
0x83: {  	_ =	shalt  }
0x84: {  	_ =	shalt  }
0x85: {  	_ =	shalt  }
0x86: {  	_ =	shalt  }
0x87: {  	_ =	shalt  }
.Lfunc_end0:
.L_simem_size_0:
called_computation_lowered:
.L_overlay_start_0:
0x88: {  	s2 =	sld [smem:$0x3FD9]  }
0x89: {  	s3 =	sld [smem:$0x3FFE];
	_ =	sdelay $0x1  }
0x8a: {  	s1 =	srdreg.scid  }
0x8b: {  	s0 =	sand.u32 $0x1, s1  }
0x8c: {  	s17 =	sshll.u32 s0, $0xA;
	s2 =	sadd.s32 s3, s2  }
0x8d: {  	s2 =	sadd.s32 s2, s17  }
0x8e: {  	[smem:$0x3FBF] =	sst s2  }
0x8f: {  	_ = 	snop  }
0x90: {  	s2 =	sld [smem:$0x3FC9]  }
0x91: {  	s18 =	sld [smem:$0x3FC4]  }
0x92: {  	s4 =	sld [smem:$0x3FD0];
	(tm) =	ssettm $0x1  }
0x93: {  	s5 =	sld [smem:$0x3FFB];
	_ =	sdelay $0x3  }
0x94: {  	_ =	strace s5  }
0x95: {  	s5 =	sld [smem:$0x3FFC];
	_ =	sdelay $0x3  }
0x96: {  	_ =	strace s5  }
0x97: {  	s5 =	sld [smem:$0x3FFD];
	_ =	sdelay $0x3  }
0x98: {  	_ =	strace s5  }
0x99: {  	_ =	strace $0x8FFFFFFF  }
0x9a: {  	s19 =	sld [smem:$0x3FDB];
	_ =	sdelay $0x1  }
0x9b: {  	s6 =	simm.s32 $_scs_section_size  }
0x9c: {  	s7 =	simm.s32 $_size__tile_overlayer_lowered;
	s8 =	simm.s32 $_tile_overlayer_lowered  }
0x9d: {  	s22 =	simm.s32 $0x1BFF;
	s21 =	sshll.u32 s8, $0x1;
	s5 =	sadd.s32 s6, s19  }
0x9e: {  	s9 =	simm.s32 $0x0;
	s20 =	sshll.u32 s7, $0x1;
	s7 =	sadd.s32 s21, s5  }
0x9f: {  	[timem:s9], [sflag:s22] =	dma.local [hbm:s7], s20  }
0xa0: {  	_ =	swait.ge [sflag:s22], s20  }
0xa1: {  	s6 =	ssub.s32 $0x0, s20;
	[sflag:s22] =	ssyncset.done $0x0  }
0xa2: {  	[sflag:s22] =	ssyncadd.s32 s6;
	_ =	sdelay $0x1  }
0xa3: {  	s23 =	simm.s32 $0x1B8B  }
0xa4: {  	_ =	swait.ge [sflag:s23], $0x1  }
0xa5: {  	[sflag:s23] =	ssyncset.done $0x0  }
0xa6: {  	s25 =	simm.s32 $0x1B8E;
	s24 =	sld [smem:$0x3FFE];
	[sflag:s23] =	ssyncadd.s32 $0xFFFFFFFF  }
0xa7: {  	s26 =	simm.s32 $execute0_lowered;
	[smem:$0x3FD2] =	sst s25  }
0xa8: {  	s7 =	sshll.u32 s26, $0x1;
	_ =	strace $0x80000046;
	[dreg:$0x1] =	wrdreg $0xFFFFFFFF  }
0xa9: {  	s28 =	simm.s32 $_size_execute0_lowered;
	s5 =	sadd.s32 s5, s7;
	[dreg:$0x0] =	wrdreg $0x0  }
0xaa: {  	s7 =	sshll.u32 s28, $0x1;
	[dreg:$0x2] =	wrdreg s5  }
0xab: {  	[dreg:$0x3] =	wrdreg s7  }
0xac: {  	[dreg:$0x4] =	wrdreg $0xC0  }
0xad: {  	_ =	task [dreg:s9], $0x5FFFF  }
0xae: {  	[dreg:$0x1] =	wrdreg $0xFFFFFFFF  }
0xaf: {  	[dreg:$0x0] =	wrdreg $0x60  }
0xb0: {  	[dreg:$0x2] =	wrdreg s2  }
0xb1: {  	[dreg:$0x3] =	wrdreg s24  }
0xb2: {  	[dreg:$0x4] =	wrdreg s4  }
0xb3: {  	[dreg:$0x5] =	wrdreg s18  }
0xb4: {  	[dreg:$0x6] =	wrdreg $0x9  }
0xb5: {  	_ =	task.clear_ibuf [dreg:s9], $0x7FFFF;
	_ =	strace $0x90000046  }
0xb6: {  	s29 =	simm.s32 $0x9;
	_ =	strace $0x80000048  }
0xb7: {  	_ =	swait.ge [sflag:s29], $0x1  }
0xb8: {  	[sflag:s29] =	ssyncadd.s32 $0xFFFFFFFF  }
0xb9: {  	_ =	strace $0x90000048  }
0xba: {  	_ =	sfence  }
0xbb: {  	s30 =	sld [smem:$0x0];
	_ =	sdelay $0x2  }
0xbc: {  	s31 =	sshll.u32 s1, $0xD;
	s1 =	sshrl.u32 s1, $0x2  }
0xbd: {  	s3 =	sand.u32 $0x4000, s31;
	s1 =	sadd.s32 s1, s30  }
0xbe: {  	s0 =	sor.u32 s3, s0;
	s1 =	sshll.u32 s1, $0x11  }
0xbf: {  	s0 =	sor.u32 s1, s0  }
0xc0: {  	s0 =	sadd.s32 $0x8F2B, s0  }
0xc1: {  	[sflag:s0] =	ssyncadd.remote.s32 $0x1  }
0xc2: {  	_ =	sfence.sel $0xFFFF  }
0xc3: {  	[dreg:$0x0] =	wrdreg $0xFFFFFFFF;
	(pc) =	sbr.abs _section_cstart, $3  }
0xc4: {  	[dreg:$0x1] =	wrdreg $0xFFFFFFFF  }
0xc5: {  	_ =	task.clear_ibuf [dreg:s9], $0x2FFFF;
	_ =	strace $0x9FFFFFFF  }
0xc6: {  	(tm) =	ssettm $0x7FFFFFFF  }
0xc7: {  	_ =	shalt  }
tec
execute0_lowered:
.L_overlay_start_1:
0x0: {  	(tag) =	ssettag $0x1  }
0x1: {  	s0 =	rddreg [dreg:$0x1];
	s5 =	simm.s32 $0x0;
	s1 =	srdreg.scid  }
0x2: {  	s4 =	stileid.u32;
	[smem:$0x7FF] =	sst s5;
	s1 =	sand.u32 $0x1, s1  }
0x3: {  	s2 =	sshll.u32 s4, $0x2;
	s6 =	sadd.s32 $0x600, s0;
	s4 =	sshrl.u32 s4, $0x2  }
0x4: {  	_ =	strace $0x80000047;
	s3 =	sshll.u32 s1, $0x1;
	[smem:$0x7F7] =	sst s6  }
0x5: {  	s1 =	ssub.s32 $0x2, s1;
	s28 =	sshll.u32 s4, $0x15;
	s29 =	sshll.u32 s4, $0xB  }
0x6: {  	s2 =	sor.u32 s3, s2;
	s26 =	sshrl.u32 s1, $0x1;
	[smem:$0x7F9] =	sst s28  }
0x7: {  	[smem:$0x7F8] =	sst s2;
	s2 =	sshll.u32 s2, $0x4;
	s1 =	ssub.s32 s1, s26  }
0x8: {  	[smem:$0x7FA] =	sst s29;
	s0 =	sadd.s32 s2, s0;
	s31 =	smax.u32 s1, $0x1  }
0x9: {  	s30 =	sadd.s32 $0xA00, s0;
	[smem:$0x7FD] =	sst s31  }
0xa: {  	s0 =	sadd.s32 $0xA10, s0;
	[smem:$0x7FB] =	sst s30  }
0xb: {  	s4 =	simm.s32 $0x1;
	s1 =	simm.s32 $0x0;
	[smem:$0x7FC] =	sst s0  }
.LBB2_1:
0xc: {  	[smem:$0x7DC] =	sst s1  }
0xd: {  	s18 =	simm.s32 $0xA100;
	s0 =	rddreg [dreg:$0x3]  }
0xe: {  	[tilespmem:s18], [sflag:$0x1] =	stream.linear.gather [hbm4b:s0+s5], $0xC00, $0x38;
	[tilespmem:$0xAD80] =	vst v63  }
0xf: {  	_ =	swait.ge [sflag:s4], $0xC00  }
0x10: {  	[sflag:s4] =	ssyncset.done $0x0  }
0x11: {  	[sflag:s4] =	ssyncadd.s32 $0xFFFFF400  }
0x12: {  	s12 =	rddreg [dreg:$0x2]  }
0x13: {  	[tilespmem:s5], [sflag:$0x1] =	stream.linear.gather [hbm4b:s12+s5], $0x40, $0x38;
	[tilespmem:$0xAD80] =	vst v63  }
0x14: {  	_ =	swait.ge [sflag:s4], $0x40  }
0x15: {  	s13 =	sld [smem:$0x7F8]  }
0x16: {  	[sflag:s4] =	ssyncset.done $0x0  }
0x17: {  	[sflag:s4] =	ssyncadd.s32 $0xFFFFFFC0  }
0x18: {  	v0 =	vld [tilespmem:s13+$0x0];
	_ =	sdelay $0x4  }
0x19: {  	(v2sf) =	vpush v0, $0x0;
	_ =	sdelay $0xe  }
0x1a: {  	s2 =	spop (v2sf)  }
0x1b: {  	s19 =	sadd.s32 $0xFFFFFFF1, s2  }
0x1c: {  	p0 =	sgt.s32 s19, $0x0;
	s0 =	smov.u32 s19  }
0x1d: {  	s0 =	simm.s32 @!p0 $0x0  }
0x1e: {  	s20 =	smin.u32 s0, $0x7E1  }
0x1f: {  	s0 =	sand.u32 $0x7, s20  }
0x20: {  	p6 =	slt.s32 s19, $0x1;
	p1 =	sne.s32 s0, $0x0  }
0x21: {  	p0 =	por !p6, !p1  }
0x22: {  	s0 =	simm.s32 $0xFFFFFFFF;
	p0 =	por !p0, !p0  }
0x23: {  	s0 =	simm.s32 @!p0 $0x0  }
0x24: {  	s0 =	sshll.u32 s0, $0x3  }
0x25: {  	s0 =	sadd.s32 s20, s0  }
0x26: {  	s3 =	sand.u32 $0xFFFFFFF8, s0  }
0x27: {  	s15 =	sld [smem:$0x7F9];
	p0 =	slt.s32 s3, $0x7D8  }
0x28: {  	s3 =	simm.s32 @!p0 $0x7D8  }
0x29: {  	s14 =	sshll.u32 s3, $0xA  }
0x2a: {  	s0 =	sadd.s32 s15, s14  }
0x2b: {  	s16 =	rddreg [dreg:$0x0];
	s0 =	sshrl.u32 s0, $0x3  }
0x2c: {  	s17 =	simm.s32 $0x80;
	s0 =	sadd.s32 s16, s0  }
0x2d: {  	[tilespmem:s17], [sflag:$0x1] =	stream.linear.gather [hbm4b:s0+s5], $0xA000, $0x38;
	[tilespmem:$0xAD80] =	vst v63  }
0x2e: {  	_ =	swait.ge [sflag:s4], $0xA000  }
0x2f: {  	s21 =	sld [smem:$0x7FA];
	_ =	sdelay $0x1  }
0x30: {  	s22 =	sld [smem:$0x7F7]  }
0x31: {  	s0 =	sadd.s32 s21, s3  }
0x32: {  	[sflag:s4] =	ssyncset.done $0x0;
	s0 =	sshrl.u32 s0, $0x3  }
0x33: {  	s23 =	simm.s32 $0xA080;
	[sflag:s4] =	ssyncadd.s32 $0xFFFF6000;
	s0 =	sadd.s32 s22, s0  }
0x34: {  	[tilespmem:s23], [sflag:$0x1] =	stream.linear.gather [hbm4b:s0+s5], $0x28, $0x38;
	[tilespmem:$0xAD80] =	vst v63  }
0x35: {  	_ =	swait.ge [sflag:s4], $0x28  }
0x36: {  	[sflag:s4] =	ssyncset.done $0x0  }
0x37: {  	s14 =	ssub.s32 s20, s3;
	[sflag:s4] =	ssyncadd.s32 $0xFFFFFFD8  }
0x38: {  	v0 =	vld [tilespmem:s14+$0xA080];
	_ =	sdelay $0x4  }
0x39: {  	(v2sf) =	vpush v0, $0x0  }
0x3a: {  	(v2sf) =	vpush v0, $0x1;
	_ =	sdelay $0x1  }
0x3b: {  	(v2sf) =	vpush v0, $0x2;
	_ =	sdelay $0x1  }
0x3c: {  	(v2sf) =	vpush v0, $0x3;
	_ =	sdelay $0x1  }
0x3d: {  	s24 =	sadd.s32 $0x1, s20;
	(v2sf) =	vpush v0, $0x4  }
0x3e: {  	s26 =	sadd.s32 $0x2, s20;
	s28 =	sadd.s32 $0x3, s20;
	s7 =	sadd.s32 $0x6, s20  }
0x3f: {  	s8 =	sadd.s32 $0x7, s20;
	s9 =	sadd.s32 $0x8, s20;
	s10 =	sadd.s32 $0x9, s20;
	(v2sf) =	vpush v0, $0x5  }
0x40: {  	s11 =	sadd.s32 $0xA, s20;
	s13 =	sadd.s32 $0xB, s20;
	s3 =	ssub.s32 s2, s3  }
0x41: {  	p3 =	sge.s32 s13, s19;
	p1 =	slt.s32 s19, $0x7E2;
	s3 =	sshll.u32 s3, $0xA;
	(v2sf) =	vpush v0, $0x6  }
0x42: {  	s15 =	sadd.s32 $0xC, s20;
	s3 =	sand.u32 $0xFFFFE000, s3;
	s0 =	sadd.s32 $0x4, s20  }
0x43: {  	s5 =	sadd.s32 $0x5, s20;
	s4 =	sadd.s32 $0xF, s2;
	s2 =	sshll.u32 s2, $0x7  }
0x44: {  	p0 =	sle.s32 s20, s4;
	p5 =	sle.s32 s13, s4;
	s2 =	sand.u32 $0x380, s2  }
0x45: {  	p6 =	sle.s32 s15, s4;
	s3 =	sor.u32 s2, s3;
	s22 =	spop (v2sf);
	(v2sf) =	vpush v0, $0x7  }
0x46: {  	s22 =	simm.s32 @!p0 $0x0;
	p0 =	sge.s32 s24, s19;
	s31 =	spop (v2sf)  }
0x47: {  	(v2sf) =	vpush v0, $0x8;
	s22 =	simm.s32 @!p1 $0x0;
	p1 =	slt.s32 s20, s4;
	s31 =	simm.s32 @!p0 $0x0  }
0x48: {  	p0 =	sle.s32 s26, s4;
	s30 =	spop (v2sf);
	s25 =	sadd.f32 $0.0e+00, s22  }
0x49: {  	s31 =	simm.s32 @!p1 $0x0;
	p1 =	sge.s32 s26, s19;
	s30 =	simm.s32 @!p0 $0x0  }
0x4a: {  	p0 =	sle.s32 s28, s4;
	s29 =	spop (v2sf);
	s30 =	simm.s32 @!p1 $0x0  }
0x4b: {  	(v2sf) =	vpush v0, $0x9;
	p1 =	sge.s32 s28, s19;
	s29 =	simm.s32 @!p0 $0x0;
	s1 =	sadd.f32 s25, s31  }
0x4c: {  	s28 =	spop (v2sf);
	p0 =	sle.s32 s0, s4;
	s29 =	simm.s32 @!p1 $0x0  }
0x4d: {  	(v2sf) =	vpush v0, $0xA;
	p1 =	sge.s32 s0, s19;
	s28 =	simm.s32 @!p0 $0x0;
	s1 =	sadd.f32 s1, s30  }
0x4e: {  	p0 =	sle.s32 s5, s4;
	s26 =	spop (v2sf);
	s28 =	simm.s32 @!p1 $0x0  }
0x4f: {  	p1 =	sge.s32 s5, s19;
	s26 =	simm.s32 @!p0 $0x0;
	s6 =	sadd.f32 s1, s29  }
0x50: {  	p0 =	sle.s32 s7, s4;
	s25 =	spop (v2sf);
	s26 =	simm.s32 @!p1 $0x0  }
0x51: {  	p1 =	sge.s32 s7, s19;
	s25 =	simm.s32 @!p0 $0x0;
	s6 =	sadd.f32 s6, s28  }
0x52: {  	p0 =	sle.s32 s8, s4;
	s7 =	sshll.u32 s20, $0x7;
	s25 =	simm.s32 @!p1 $0x0  }
0x53: {  	p1 =	sge.s32 s8, s19;
	s8 =	sshll.u32 s14, $0xA;
	s6 =	sadd.f32 s6, s26  }
0x54: {  	s7 =	sand.u32 $0x380, s7;
	s16 =	sand.u32 $0xFFFFE000, s8;
	s24 =	spop (v2sf)  }
0x55: {  	s6 =	sadd.f32 s6, s25;
	s24 =	simm.s32 @!p0 $0x0;
	p0 =	sle.s32 s9, s4  }
0x56: {  	s0 =	spop (v2sf);
	s24 =	simm.s32 @!p1 $0x0;
	p1 =	sge.s32 s9, s19  }
0x57: {  	s0 =	simm.s32 @!p0 $0x0;
	p0 =	sle.s32 s10, s4;
	s9 =	sadd.s32 $0x1, s14  }
0x58: {  	s0 =	simm.s32 @!p1 $0x0;
	p1 =	sge.s32 s10, s19;
	s10 =	sshll.u32 s9, $0xA  }
0x59: {  	s9 =	sshll.u32 s9, $0x7;
	s6 =	sadd.f32 s6, s24;
	s12 =	smov.u32 s0  }
0x5a: {  	[smem:$0x7F2] =	sst s0;
	s0 =	spop (v2sf);
	s17 =	sand.u32 $0xFFFFE000, s10  }
0x5b: {  	s9 =	sand.u32 $0x380, s9;
	s10 =	sadd.s32 $0x2, s14;
	s0 =	simm.s32 @!p0 $0x0  }
0x5c: {  	p0 =	sle.s32 s11, s4;
	s23 =	spop (v2sf);
	s1 =	sor.u32 s9, s17  }
0x5d: {  	s13 =	sshll.u32 s10, $0xA;
	s5 =	sshll.u32 s10, $0x7;
	s17 =	sadd.s32 $0x4, s14  }
0x5e: {  	s6 =	sadd.f32 s6, s12;
	s0 =	simm.s32 @!p1 $0x0;
	p1 =	sge.s32 s11, s19  }
0x5f: {  	s23 =	simm.s32 @!p0 $0x0;
	s11 =	sor.u32 s7, s16;
	s1 =	sadd.s32 $0x80, s1  }
0x60: {  	s5 =	sand.u32 $0x380, s5;
	s10 =	sshll.u32 s17, $0x7;
	[smem:$0x7F3] =	sst s0  }
0x61: {  	s23 =	simm.s32 @!p1 $0x0;
	p1 =	sge.s32 s15, s19;
	s21 =	sadd.s32 $0x80, s11  }
0x62: {  	[dreg:$0x6] =	wrdreg s1;
	s1 =	sand.u32 $0xFFFFE000, s13;
	s15 =	sadd.s32 $0x3, s14  }
0x63: {  	s10 =	sand.u32 $0x380, s10;
	s6 =	sadd.f32 s6, s0;
	s0 =	sadd.s32 $0x1D, s14  }
0x64: {  	[dreg:$0x5] =	wrdreg s21;
	s1 =	sor.u32 s5, s1;
	s16 =	sshll.u32 s15, $0xA  }
0x65: {  	s9 =	sshll.u32 s15, $0x7;
	s21 =	sshll.u32 s17, $0xA;
	s15 =	sadd.s32 $0x5, s14  }
0x66: {  	s17 =	sadd.s32 $0x6, s14;
	s5 =	sand.u32 $0xFFFFE000, s16;
	s9 =	sand.u32 $0x380, s9  }
0x67: {  	s1 =	sadd.s32 $0x80, s1;
	s16 =	sshll.u32 s15, $0xA;
	s6 =	sadd.f32 s6, s23  }
0x68: {  	s5 =	sor.u32 s9, s5;
	s9 =	sand.u32 $0xFFFFE000, s21;
	[dreg:$0x7] =	wrdreg s1  }
0x69: {  	s1 =	sand.u32 $0xFFFFE000, s16;
	s21 =	sshll.u32 s17, $0xA;
	s16 =	sadd.s32 $0x9, s14  }
0x6a: {  	(v2sf) =	vpush v0, $0xB;
	s5 =	sadd.s32 $0x80, s5;
	s10 =	sor.u32 s10, s9;
	s9 =	sshll.u32 s17, $0x7  }
0x6b: {  	s17 =	sshll.u32 s16, $0xA;
	[dreg:$0x8] =	wrdreg s5;
	s13 =	sadd.s32 $0x80, s10  }
0x6c: {  	s5 =	sshll.u32 s15, $0x7;
	s10 =	sadd.s32 $0xD, s20;
	s9 =	sand.u32 $0x380, s9  }
0x6d: {  	[dreg:$0x9] =	wrdreg s13;
	s5 =	sand.u32 $0x380, s5;
	p2 =	sge.s32 s10, s19  }
0x6e: {  	s1 =	sor.u32 s5, s1;
	s5 =	sand.u32 $0xFFFFE000, s21;
	s21 =	sadd.s32 $0x2080, s11  }
0x6f: {  	s13 =	sadd.s32 $0x7, s14;
	s11 =	sadd.s32 $0x6080, s11;
	[dreg:$0xd] =	wrdreg s21  }
0x70: {  	p0 =	sle.s32 s10, s4;
	s1 =	sadd.s32 $0x80, s1;
	[dreg:$0x1d] =	wrdreg s11  }
0x71: {  	s15 =	sshll.u32 s13, $0xA;
	s5 =	sor.u32 s9, s5;
	[dreg:$0xa] =	wrdreg s1  }
0x72: {  	s9 =	sadd.s32 $0x80, s5;
	s5 =	sshll.u32 s13, $0x7;
	s1 =	sand.u32 $0xFFFFE000, s15  }
0x73: {  	s15 =	sadd.s32 $0xA, s14;
	[dreg:$0xb] =	wrdreg s9;
	s5 =	sand.u32 $0x380, s5  }
0x74: {  	s9 =	sshll.u32 s16, $0x7;
	s16 =	sshll.u32 s15, $0xA;
	s1 =	sor.u32 s5, s1  }
0x75: {  	s5 =	sand.u32 $0xFFFFE000, s17;
	s9 =	sand.u32 $0x380, s9;
	s17 =	sadd.s32 $0xB, s14  }
0x76: {  	s1 =	sadd.s32 $0x80, s1;
	s5 =	sor.u32 s9, s5;
	s21 =	sshll.u32 s17, $0xA  }
0x77: {  	s9 =	sshll.u32 s17, $0x7;
	s17 =	sadd.s32 $0xD, s14;
	[dreg:$0xc] =	wrdreg s1  }
0x78: {  	s13 =	sadd.s32 $0x80, s5;
	s1 =	sand.u32 $0xFFFFE000, s16;
	s5 =	sshll.u32 s15, $0x7  }
0x79: {  	s10 =	sand.u32 $0xFFFFE000, s21;
	s9 =	sand.u32 $0x380, s9;
	s21 =	spop (v2sf)  }
0x7a: {  	(v2sf) =	vpush v0, $0xC;
	s16 =	sadd.s32 $0xE, s20;
	[dreg:$0xe] =	wrdreg s13;
	s5 =	sand.u32 $0x380, s5  }
0x7b: {  	s9 =	sor.u32 s9, s10;
	s13 =	sadd.s32 $0xC, s14;
	p4 =	sge.s32 s16, s19  }
0x7c: {  	s21 =	simm.s32 @!p5 $0x0;
	s5 =	sor.u32 s5, s1;
	s10 =	sadd.s32 $0x80, s9  }
0x7d: {  	s15 =	sshll.u32 s13, $0xA;
	s9 =	sshll.u32 s13, $0x7;
	s1 =	simm.s32 @!p4 $0x0  }
0x7e: {  	(v2sf) =	vpush v0, $0xD;
	s21 =	simm.s32 @!p3 $0x0;
	s5 =	sadd.s32 $0x80, s5;
	[dreg:$0x10] =	wrdreg s10  }
0x7f: {  	s9 =	sand.u32 $0x380, s9;
	s1 =	simm.s32 @p4 $0x1;
	s6 =	sadd.f32 s6, s21  }
0x80: {  	p4 =	sle.s32 s16, s4;
	[dreg:$0xf] =	wrdreg s5;
	s5 =	sand.u32 $0xFFFFE000, s15  }
0x81: {  	[smem:$0x7DE] =	sst s1;
	s1 =	sshll.u32 s17, $0xA;
	s15 =	sadd.s32 $0xF, s14  }
0x82: {  	s5 =	sor.u32 s9, s5;
	s9 =	sshll.u32 s17, $0x7;
	s10 =	sand.u32 $0xFFFFE000, s1  }
0x83: {  	s16 =	sshll.u32 s15, $0xA;
	s17 =	sadd.s32 $0xF, s20;
	s9 =	sand.u32 $0x380, s9  }
0x84: {  	s5 =	sadd.s32 $0x80, s5;
	p3 =	sge.s32 s17, s19;
	p5 =	sle.s32 s17, s4  }
0x85: {  	s9 =	sor.u32 s9, s10;
	[dreg:$0x11] =	wrdreg s5;
	s10 =	sadd.s32 $0xE, s14  }
0x86: {  	s1 =	simm.s32 @!p3 $0x0;
	s9 =	sadd.s32 $0x80, s9;
	s13 =	sshll.u32 s10, $0xA  }
0x87: {  	s1 =	simm.s32 @p3 $0x1;
	[dreg:$0x12] =	wrdreg s9;
	s9 =	sshll.u32 s10, $0x7  }
0x88: {  	s5 =	sand.u32 $0xFFFFE000, s13;
	s10 =	sshll.u32 s15, $0x7;
	[smem:$0x7DF] =	sst s1  }
0x89: {  	s15 =	spop (v2sf);
	s13 =	sadd.s32 $0x4000, s8;
	s9 =	sand.u32 $0x380, s9  }
0x8a: {  	s10 =	sand.u32 $0x380, s10;
	s15 =	simm.s32 @!p6 $0x0;
	s5 =	sor.u32 s9, s5  }
0x8b: {  	s9 =	sand.u32 $0xFFFFE000, s16;
	s15 =	simm.s32 @!p1 $0x0;
	s16 =	sadd.s32 $0x11, s14  }
0x8c: {  	s9 =	sor.u32 s10, s9;
	s5 =	sadd.s32 $0x80, s5;
	s17 =	sshll.u32 s16, $0xA  }
0x8d: {  	s8 =	sshll.u32 s16, $0x7;
	s16 =	spop (v2sf);
	s6 =	sadd.f32 s6, s15  }
0x8e: {  	[dreg:$0x13] =	wrdreg s5;
	s10 =	sadd.s32 $0x80, s9;
	s5 =	sand.u32 $0xFFFFE000, s13  }
0x8f: {  	s1 =	sand.u32 $0xFFFFE000, s17;
	s8 =	sand.u32 $0x380, s8;
	s9 =	sadd.s32 $0x12, s14  }
0x90: {  	s13 =	sadd.s32 $0x10, s20;
	s17 =	sadd.s32 $0x13, s14;
	s16 =	simm.s32 @!p0 $0x0  }
0x91: {  	[dreg:$0x14] =	wrdreg s10;
	s5 =	sor.u32 s7, s5;
	s7 =	sor.u32 s8, s1  }
0x92: {  	v21 =	vmov s21;
	s10 =	sshll.u32 s9, $0xA;
	s16 =	simm.s32 @!p2 $0x0;
	s21 =	rddreg [dreg:$0x13]  }
0x93: {  	p1 =	sge.s32 s13, s19;
	s5 =	sadd.s32 $0x80, s5;
	s6 =	sadd.f32 s6, s16  }
0x94: {  	(v2sf) =	vpush v0, $0xE;
	p3 =	sle.s32 s13, s4;
	s8 =	sadd.s32 $0x80, s7;
	[dreg:$0x15] =	wrdreg s5  }
0x95: {  	s7 =	sshll.u32 s9, $0x7;
	s1 =	simm.s32 @!p1 $0x0;
	[dreg:$0x16] =	wrdreg s8  }
0x96: {  	s5 =	sand.u32 $0xFFFFE000, s10;
	s7 =	sand.u32 $0x380, s7;
	s1 =	simm.s32 @p1 $0x1  }
0x97: {  	s10 =	sadd.s32 $0x14, s14;
	[smem:$0x7E1] =	sst s1;
	s5 =	sor.u32 s7, s5  }
0x98: {  	s1 =	sshll.u32 s17, $0xA;
	s7 =	sshll.u32 s17, $0x7;
	s13 =	sshll.u32 s10, $0xA  }
0x99: {  	s17 =	sadd.s32 $0x15, s14;
	s8 =	sand.u32 $0xFFFFE000, s1;
	s7 =	sand.u32 $0x380, s7  }
0x9a: {  	s5 =	sadd.s32 $0x80, s5;
	s1 =	sshll.u32 s17, $0xA;
	s7 =	sor.u32 s7, s8  }
0x9b: {  	[dreg:$0x17] =	wrdreg s5;
	s5 =	sand.u32 $0xFFFFE000, s13;
	s8 =	sshll.u32 s17, $0x7  }
0x9c: {  	s17 =	sadd.s32 $0x19, s14;
	s9 =	sadd.s32 $0x80, s7;
	s7 =	sshll.u32 s10, $0x7  }
0x9d: {  	s8 =	sand.u32 $0x380, s8;
	s10 =	sadd.s32 $0x17, s14;
	s7 =	sand.u32 $0x380, s7  }
0x9e: {  	[dreg:$0x18] =	wrdreg s9;
	s5 =	sor.u32 s7, s5;
	s7 =	sand.u32 $0xFFFFE000, s1  }
0x9f: {  	s12 =	sshll.u32 s10, $0xA;
	s5 =	sadd.s32 $0x80, s5;
	s7 =	sor.u32 s8, s7  }
0xa0: {  	s8 =	sadd.s32 $0x16, s14;
	[dreg:$0x19] =	wrdreg s5;
	s7 =	sadd.s32 $0x80, s7  }
0xa1: {  	s1 =	sshll.u32 s17, $0xA;
	s9 =	sshll.u32 s8, $0xA;
	[dreg:$0x1a] =	wrdreg s7  }
0xa2: {  	s7 =	sshll.u32 s8, $0x7;
	s5 =	sand.u32 $0xFFFFE000, s9;
	s8 =	sshll.u32 s10, $0x7  }
0xa3: {  	s9 =	sand.u32 $0xFFFFE000, s1;
	s10 =	spop (v2sf);
	s1 =	sadd.s32 $0x1B, s14  }
0xa4: {  	s7 =	sand.u32 $0x380, s7;
	s8 =	sand.u32 $0x380, s8;
	s10 =	simm.s32 @!p4 $0x0  }
0xa5: {  	s5 =	sor.u32 s7, s5;
	s7 =	sand.u32 $0xFFFFE000, s12;
	s12 =	sadd.s32 $0x1A, s14  }
0xa6: {  	(v2sf) =	vpush v0, $0xF;
	s5 =	sadd.s32 $0x80, s5;
	s13 =	sor.u32 s8, s7;
	s7 =	sshll.u32 s17, $0x7  }
0xa7: {  	v0 =	vld [tilespmem:s14+$0xA090];
	s17 =	sadd.s32 $0x11, s20;
	[dreg:$0x1b] =	wrdreg s5;
	s5 =	sadd.s32 $0x80, s13  }
0xa8: {  	s7 =	sand.u32 $0x380, s7;
	s13 =	sshll.u32 s12, $0xA;
	p0 =	sge.s32 s17, s19  }
0xa9: {  	p2 =	sle.s32 s17, s4;
	s17 =	sadd.s32 $0x12, s20;
	[dreg:$0x1c] =	wrdreg s5  }
0xaa: {  	s5 =	sor.u32 s7, s9;
	s7 =	sshll.u32 s12, $0x7;
	s9 =	sshll.u32 s1, $0xA  }
0xab: {  	s12 =	sadd.s32 $0x1C, s14;
	p1 =	sge.s32 s17, s19;
	p4 =	sle.s32 s17, s4  }
0xac: {  	(v2sf) =	vpush v0, $0x0;
	s14 =	sadd.s32 $0x1E, s14;
	s5 =	sadd.s32 $0x80, s5;
	s7 =	sand.u32 $0x380, s7  }
0xad: {  	s8 =	sand.u32 $0xFFFFE000, s9;
	s9 =	sld [smem:$0x7DE];
	s17 =	sshll.u32 s14, $0xA  }
0xae: {  	(v2sf) =	vpush v0, $0x1;
	[dreg:$0x1e] =	wrdreg s5;
	s5 =	sand.u32 $0xFFFFE000, s13;
	s13 =	sshll.u32 s12, $0xA  }
0xaf: {  	s5 =	sor.u32 s7, s5;
	s7 =	sshll.u32 s1, $0x7;
	s1 =	sshll.u32 s0, $0xA  }
0xb0: {  	(v2sf) =	vpush v0, $0x2;
	s7 =	sand.u32 $0x380, s7;
	s5 =	sadd.s32 $0x80, s5;
	p6 =	seq.s32 s9, $0x1  }
0xb1: {  	s7 =	sor.u32 s7, s8;
	[dreg:$0x1f] =	wrdreg s5;
	s5 =	sand.u32 $0xFFFFE000, s13  }
0xb2: {  	s8 =	sand.u32 $0xFFFFE000, s1;
	s10 =	simm.s32 @!p6 $0x0;
	s13 =	sadd.s32 $0x13, s20  }
0xb3: {  	s11 =	sadd.s32 $0x80, s7;
	s7 =	sshll.u32 s12, $0x7;
	s12 =	sld [smem:$0x7DF]  }
0xb4: {  	s1 =	sadd.s32 $0x14, s20;
	[smem:$0x7DD] =	sst s11;
	s7 =	sand.u32 $0x380, s7  }
0xb5: {  	s11 =	spop (v2sf);
	s5 =	sor.u32 s7, s5;
	s7 =	sshll.u32 s0, $0x7  }
0xb6: {  	s11 =	simm.s32 @!p5 $0x0;
	s7 =	sand.u32 $0x380, s7;
	p5 =	seq.s32 s12, $0x1  }
0xb7: {  	s5 =	sadd.s32 $0x80, s5;
	s11 =	simm.s32 @!p5 $0x0;
	p5 =	sge.s32 s13, s19  }
0xb8: {  	s7 =	sor.u32 s7, s8;
	[smem:$0x7E0] =	sst s5;
	s0 =	simm.s32 @!p5 $0x0  }
0xb9: {  	s8 =	sld [smem:$0x7E1];
	s7 =	sadd.s32 $0x80, s7;
	s0 =	simm.s32 @p5 $0x1  }
0xba: {  	[smem:$0x7F6] =	sst s7;
	s7 =	sshll.u32 s14, $0x7;
	p5 =	sle.s32 s13, s4  }
0xbb: {  	s14 =	spop (v2sf);
	s13 =	sadd.s32 $0x80, s3;
	[smem:$0x7E3] =	sst s0  }
0xbc: {  	s0 =	simm.s32 @!p5 $0x0;
	s7 =	sand.u32 $0x380, s7;
	s14 =	simm.s32 @!p3 $0x0  }
0xbd: {  	p3 =	seq.s32 s8, $0x1;
	s12 =	spop (v2sf);
	[smem:$0x7F4] =	sst s13  }
0xbe: {  	s0 =	simm.s32 @p5 $0x1;
	s14 =	simm.s32 @!p3 $0x0;
	p3 =	sge.s32 s1, s19  }
0xbf: {  	s12 =	simm.s32 @!p2 $0x0;
	s2 =	spop (v2sf);
	[smem:$0x7E2] =	sst s0  }
0xc0: {  	s0 =	sand.u32 $0xFFFFE000, s17;
	s12 =	simm.s32 @!p0 $0x0;
	s2 =	simm.s32 @!p4 $0x0  }
0xc1: {  	s17 =	sadd.s32 $0x16, s20;
	s5 =	sor.u32 s7, s0;
	s0 =	simm.s32 @!p3 $0x0  }
0xc2: {  	s2 =	simm.s32 @!p1 $0x0;
	s0 =	simm.s32 @p3 $0x1;
	p3 =	sle.s32 s1, s4  }
0xc3: {  	p1 =	sge.s32 s17, s19;
	[smem:$0x7E5] =	sst s0;
	s0 =	simm.s32 @!p3 $0x0  }
0xc4: {  	(v2sf) =	vpush v0, $0x3;
	p0 =	sle.s32 s17, s4;
	s1 =	sadd.s32 $0x18, s20;
	s0 =	simm.s32 @p3 $0x1  }
0xc5: {  	p6 =	sge.s32 s1, s19;
	[smem:$0x7E4] =	sst s0;
	s0 =	sadd.s32 $0x17, s20  }
0xc6: {  	p4 =	sge.s32 s0, s19;
	p3 =	sle.s32 s0, s4;
	s0 =	simm.s32 @!p6 $0x0  }
0xc7: {  	s13 =	sld [smem:$0x7E2];
	s0 =	simm.s32 @p6 $0x1;
	p6 =	sle.s32 s1, s4  }
0xc8: {  	(v2sf) =	vpush v0, $0x4;
	s7 =	sadd.s32 $0x19, s20;
	[smem:$0x7E7] =	sst s0;
	s0 =	simm.s32 @!p6 $0x0  }
0xc9: {  	s17 =	sadd.f32 s6, s10;
	s0 =	simm.s32 @p6 $0x1;
	p6 =	sge.s32 s7, s19  }
0xca: {  	(v2sf) =	vpush v0, $0x5;
	s5 =	sadd.s32 $0x80, s5;
	[smem:$0x7E6] =	sst s0;
	s0 =	simm.s32 @!p6 $0x0  }
0xcb: {  	(v2sf) =	vpush v0, $0x6;
	[smem:$0x7F5] =	sst s5;
	s0 =	simm.s32 @p6 $0x1;
	p6 =	sle.s32 s7, s4  }
0xcc: {  	s8 =	sadd.s32 $0x1A, s20;
	[smem:$0x7E9] =	sst s0;
	s0 =	simm.s32 @!p6 $0x0  }
0xcd: {  	v30 =	vmov s22;
	s0 =	simm.s32 @p6 $0x1;
	p6 =	sge.s32 s8, s19;
	s22 =	sld [smem:$0x7E9]  }
0xce: {  	[smem:$0x7E8] =	sst s0;
	s0 =	simm.s32 @!p6 $0x0  }
0xcf: {  	s0 =	simm.s32 @p6 $0x1;
	p6 =	sle.s32 s8, s4;
	s8 =	sld [smem:$0x7E3]  }
0xd0: {  	s9 =	sadd.s32 $0x15, s20;
	[smem:$0x7EB] =	sst s0;
	s0 =	simm.s32 @!p6 $0x0  }
0xd1: {  	s0 =	simm.s32 @p6 $0x1;
	p6 =	seq.s32 s13, $0x1;
	s13 =	sadd.f32 s17, s11  }
0xd2: {  	p5 =	sge.s32 s9, s19;
	p2 =	sle.s32 s9, s4;
	s17 =	sld [smem:$0x7E5]  }
0xd3: {  	s9 =	sadd.s32 $0x1B, s20;
	s3 =	spop (v2sf);
	[smem:$0x7EA] =	sst s0  }
0xd4: {  	s3 =	simm.s32 @!p6 $0x0;
	p6 =	sge.s32 s9, s19;
	s5 =	sadd.f32 s13, s14  }
0xd5: {  	v32 =	vmov s31;
	s1 =	sadd.s32 $0x1C, s20;
	s0 =	simm.s32 @!p6 $0x0;
	s31 =	sld [smem:$0x7EA]  }
0xd6: {  	s0 =	simm.s32 @p6 $0x1;
	p6 =	sle.s32 s9, s4;
	s9 =	sld [smem:$0x7E4]  }
0xd7: {  	(v2sf) =	vpush v0, $0x7;
	s6 =	spop (v2sf);
	[smem:$0x7ED] =	sst s0;
	s0 =	simm.s32 @!p6 $0x0  }
0xd8: {  	s5 =	sadd.f32 s5, s12;
	s0 =	simm.s32 @p6 $0x1;
	p6 =	seq.s32 s8, $0x1  }
0xd9: {  	s8 =	spop (v2sf);
	[smem:$0x7EC] =	sst s0;
	s3 =	simm.s32 @!p6 $0x0  }
0xda: {  	p6 =	seq.s32 s9, $0x1;
	s8 =	simm.s32 @!p2 $0x0;
	s9 =	spop (v2sf)  }
0xdb: {  	(v2sf) =	vpush v0, $0x8;
	s13 =	sadd.f32 s5, s2;
	s6 =	simm.s32 @!p6 $0x0;
	p6 =	sge.s32 s1, s19  }
0xdc: {  	(v2sf) =	vpush v0, $0x9;
	s5 =	rddreg [dreg:$0x6];
	s9 =	simm.s32 @!p0 $0x0;
	s0 =	simm.s32 @!p6 $0x0  }
0xdd: {  	s9 =	simm.s32 @!p1 $0x0;
	s13 =	sadd.f32 s13, s3;
	s0 =	simm.s32 @p6 $0x1  }
0xde: {  	p6 =	sle.s32 s1, s4;
	s1 =	sadd.s32 $0x1D, s20;
	s20 =	sadd.s32 $0x1E, s20  }
0xdf: {  	[smem:$0x7EF] =	sst s0;
	s0 =	simm.s32 @!p6 $0x0;
	p2 =	sge.s32 s1, s19  }
0xe0: {  	p0 =	sge.s32 s20, s19;
	p1 =	sle.s32 s20, s4;
	s20 =	simm.s32 $0x0  }
0xe1: {  	s0 =	simm.s32 @p6 $0x1;
	p6 =	seq.s32 s17, $0x1;
	s17 =	rddreg [dreg:$0x5]  }
0xe2: {  	(v2sf) =	vpush v0, $0xA;
	s19 =	sand.u32 $0x1C00, s20;
	[smem:$0x7EE] =	sst s0;
	s0 =	simm.s32 @!p2 $0x0  }
0xe3: {  	s20 =	sand.u32 $0x70, s20;
	s6 =	simm.s32 @!p6 $0x0;
	s0 =	simm.s32 @p2 $0x1  }
0xe4: {  	p2 =	sle.s32 s1, s4;
	s1 =	sadd.s32 s19, s17;
	s13 =	sadd.f32 s13, s6  }
0xe5: {  	[smem:$0x7F1] =	sst s0;
	s17 =	sadd.s32 s20, s1  }
0xe6: {  	s7 =	spop (v2sf);
	v1 =	vld [tilespmem:s17+$0x0];
	s17 =	sld [smem:$0x7E6]  }
0xe7: {  	s8 =	simm.s32 @!p5 $0x0;
	s7 =	simm.s32 @!p3 $0x0;
	s1 =	sld [smem:$0x7E8]  }
0xe8: {  	(v2sf) =	vpush v0, $0xB;
	s5 =	sadd.s32 s19, s5;
	s0 =	simm.s32 @!p2 $0x0;
	s13 =	sadd.f32 s13, s8  }
0xe9: {  	s0 =	simm.s32 @p2 $0x1;
	p2 =	seq.s32 s17, $0x1;
	s17 =	sld [smem:$0x7E7]  }
0xea: {  	s4 =	spop (v2sf);
	s5 =	sadd.s32 s20, s5;
	[smem:$0x7F0] =	sst s0  }
0xeb: {  	s7 =	simm.s32 @!p4 $0x0;
	v2 =	vld [tilespmem:s5+$0x0];
	s5 =	spop (v2sf);
	s0 =	rddreg [dreg:$0x7]  }
0xec: {  	s13 =	sadd.f32 s13, s9;
	s4 =	simm.s32 @!p2 $0x0;
	p2 =	seq.s32 s17, $0x1  }
0xed: {  	s0 =	sadd.s32 s19, s0;
	s4 =	simm.s32 @!p2 $0x0;
	p2 =	seq.s32 s1, $0x1  }
0xee: {  	(v2sf) =	vpush v0, $0xC;
	s13 =	sadd.f32 s13, s7;
	s5 =	simm.s32 @!p2 $0x0;
	p2 =	seq.s32 s22, $0x1  }
0xef: {  	s5 =	simm.s32 @!p2 $0x0;
	p2 =	seq.s32 s31, $0x1;
	s31 =	sld [smem:$0x7EB]  }
0xf0: {  	(v2sf) =	vpush v0, $0xD;
	s0 =	sadd.s32 s20, s0;
	s17 =	rddreg [dreg:$0x8]  }
0xf1: {  	(v2sf) =	vpush v0, $0xE;
	v0 =	vld [tilespmem:s0+$0x0];
	s0 =	spop (v2sf);
	s1 =	rddreg [dreg:$0x9];
	s22 =	sadd.s32 s19, s17  }
0xf2: {  	s0 =	simm.s32 @!p2 $0x0;
	p2 =	seq.s32 s31, $0x1;
	s31 =	sld [smem:$0x7EC]  }
0xf3: {  	s1 =	sadd.s32 s19, s1;
	s17 =	sadd.s32 s20, s22;
	s22 =	rddreg [dreg:$0xa]  }
0xf4: {  	v7 =	vmul.f32 v1, v30;
	s1 =	sadd.s32 s20, s1;
	v1 =	vld [tilespmem:s17+$0x0];
	s17 =	rddreg [dreg:$0xb]  }
0xf5: {  	s0 =	simm.s32 @!p2 $0x0;
	p2 =	seq.s32 s31, $0x1;
	s31 =	sld [smem:$0x7ED]  }
0xf6: {  	v3 =	vld [tilespmem:s1+$0x0];
	s1 =	sadd.f32 s13, s4  }
0xf7: {  	v31 =	vmov s30;
	s30 =	spop (v2sf);
	s13 =	sadd.s32 s19, s22;
	s22 =	rddreg [dreg:$0xc]  }
0xf8: {  	s30 =	simm.s32 @!p2 $0x0;
	p2 =	seq.s32 s31, $0x1;
	s31 =	sld [smem:$0x7EE]  }
0xf9: {  	v29 =	vmov s29;
	s29 =	sadd.s32 s19, s17;
	s17 =	rddreg [dreg:$0xd]  }
0xfa: {  	v48 =	vmul.f32 v2, v32;
	v2 =	vadd.f32 $0.0e+00, v7;
	s1 =	sadd.f32 s1, s5  }
0xfb: {  	s30 =	simm.s32 @!p2 $0x0;
	p2 =	seq.s32 s31, $0x1;
	s31 =	sld [smem:$0x7EF]  }
0xfc: {  	v28 =	vmov s28;
	v49 =	vmul.f32 v0, v31;
	v0 =	vadd.f32 v48, v2;
	s13 =	sadd.s32 s20, s13;
	s28 =	sadd.s32 s19, s22;
	s22 =	rddreg [dreg:$0xe]  }
0xfd: {  	v2 =	vld [tilespmem:s13+$0x0];
	s13 =	sadd.s32 s20, s29;
	s29 =	spop (v2sf);
	s1 =	sadd.f32 s1, s0  }
0xfe: {  	v26 =	vmov s25;
	v0 =	vadd.f32 v49, v0;
	s25 =	sadd.s32 s19, s22;
	v34 =	vmul.f32 v1, v29;
	p3 =	seq.s32 s31, $0x1;
	s31 =	sld [smem:$0x7F0]  }
0xff: {  	s22 =	rddreg [dreg:$0x10];
	v1 =	vld [tilespmem:s13+$0x0];
	s13 =	sadd.s32 s20, s28;
	s28 =	sadd.s32 s19, s17  }
0x100: {  	v27 =	vmov s26;
	s26 =	spop (v2sf);
	v36 =	vmul.f32 v3, v28;
	v3 =	vld [tilespmem:s13+$0x0];
	s13 =	sadd.s32 s20, s28;
	v0 =	vadd.f32 v34, v0;
	s1 =	sadd.f32 s1, s30  }
0x101: {  	s29 =	simm.s32 @!p2 $0x0;
	p2 =	seq.s32 s31, $0x1;
	s31 =	sld [smem:$0x7F1]  }
0x102: {  	s28 =	rddreg [dreg:$0xf];
	v37 =	vmul.f32 v2, v27;
	v2 =	vld [tilespmem:s13+$0x0];
	s13 =	sadd.s32 s20, s25;
	v0 =	vadd.f32 v36, v0;
	s29 =	simm.s32 @!p3 $0x0  }
0x103: {  	s25 =	spop (v2sf);
	s28 =	sadd.s32 s19, s28;
	s1 =	sadd.f32 s1, s29  }
0x104: {  	v54 =	vld [tilespmem:s18+$0x0];
	v38 =	vmul.f32 v1, v26;
	v0 =	vadd.f32 v37, v0;
	s26 =	simm.s32 @!p2 $0x0;
	p2 =	seq.s32 s31, $0x1;
	s31 =	sld [smem:$0x7F2]  }
0x105: {  	v25 =	vmov s24;
	v1 =	vld [tilespmem:s13+$0x0];
	s13 =	sadd.s32 s20, s28;
	s28 =	sld [smem:$0x7F3];
	s26 =	simm.s32 @!p2 $0x0  }
0x106: {  	s25 =	simm.s32 @!p1 $0x0;
	v39 =	vmul.f32 v3, v25;
	v0 =	vadd.f32 v38, v0;
	s1 =	sadd.f32 s1, s26  }
0x107: {  	s24 =	sadd.s32 s19, s22;
	s17 =	rddreg [dreg:$0x11];
	s25 =	simm.s32 @!p0 $0x0;
	v3 =	vld [tilespmem:s13+$0x0];
	v24 =	vmov s31  }
0x108: {  	v22 =	vmov s23;
	s23 =	simm.s32 $0x0;
	v0 =	vadd.f32 v39, v0;
	s13 =	sadd.f32 s1, s25;
	v40 =	vmul.f32 v2, v24;
	s1 =	sadd.s32 s20, s24  }
0x109: {  	v19 =	vmov s16;
	s16 =	rddreg [dreg:$0x16];
	v16 =	vmov s11;
	s11 =	sand.u32 $0x3F0, s23;
	s17 =	sadd.s32 s19, s17;
	v23 =	vmov s28;
	v2 =	vld [tilespmem:s1+$0x0]  }
0x10a: {  	v55 =	vshrl.u32 v54, $0x10;
	v47 =	vld [tilespmem:s11+$0xA900];
	s17 =	sadd.s32 s20, s17;
	v41 =	vmul.f32 v1, v23;
	s31 =	rddreg [dreg:$0x12];
	v0 =	vadd.f32 v40, v0  }
0x10b: {  	v59 =	vand.u32 $0x1, v55;
	v20 =	vmov s15;
	s15 =	sld [smem:$0x7F4];
	v1 =	vld [tilespmem:s17+$0x0];
	s22 =	sadd.s32 s19, s31  }
0x10c: {  	v17 =	vmov s10;
	s10 =	sld [smem:$0x7F5];
	v52 =	vld [tilespmem:s11+$0xA500];
	v42 =	vmul.f32 v3, v22;
	s1 =	sadd.s32 s20, s22;
	v0 =	vadd.f32 v41, v0  }
0x10d: {  	v54 =	vadd.s32 v59, v54;
	v15 =	vmov s14;
	v14 =	vmov s12;
	s23 =	rddreg [dreg:$0x17];
	s28 =	sadd.s32 s19, s21;
	v18 =	vld [tilespmem:s1+$0x0]  }
0x10e: {  	v13 =	vmov s2;
	s2 =	sadd.s32 s20, s28;
	s24 =	rddreg [dreg:$0x14];
	v43 =	vmul.f32 v2, v21;
	v0 =	vadd.f32 v42, v0  }
0x10f: {  	s11 =	rddreg [dreg:$0x15];
	v53 =	vshrl.u32 v47, $0x10;
	v12 =	vmov s3;
	v5 =	vmov s4;
	v33 =	vld [tilespmem:s2+$0x0];
	s14 =	sadd.s32 s19, s24  }
0x110: {  	s3 =	rddreg [dreg:$0x1b];
	v35 =	vmul.f32 v1, v20;
	s4 =	sadd.s32 s20, s14;
	v2 =	vmov s13;
	v0 =	vadd.f32 v43, v0  }
0x111: {  	v56 =	vshrl.u32 v52, $0x10;
	v9 =	vmov s9;
	s17 =	sadd.s32 s19, s11;
	s31 =	sld [smem:$0x7F6];
	v46 =	vld [tilespmem:s4+$0x0];
	(erf) = vrcp.f32 v2  }
0x112: {  	s9 =	rddreg [dreg:$0x5];
	v4 =	vmov s0;
	s21 =	simm.s32 $0x10;
	s0 =	sadd.s32 s20, s17;
	v44 =	vmul.f32 v18, v19;
	v45 =	vadd.f32 v35, v0  }
0x113: {  	v53 =	vand.u32 $0x1, v53;
	v56 =	vand.u32 $0x1, v56;
	v6 =	vmov s5;
	s28 =	sadd.s32 s19, s23;
	s2 =	rddreg [dreg:$0x1d];
	v51 =	vld [tilespmem:s0+$0x0];
	s24 =	sadd.s32 s19, s16  }
0x114: {  	v3 =	vmov s30;
	s30 =	sadd.s32 s19, s10;
	s5 =	sadd.s32 s20, s24;
	s1 =	sadd.s32 s19, s31;
	v50 =	vadd.f32 v44, v45;
	v45 =	vmul.f32 v33, v17  }
0x115: {  	v8 =	vmov s7;
	v7 =	vmax.f32 v7, $0.0e+00;
	v1 =	vmov s26;
	s26 =	sadd.s32 s19, s15;
	s22 =	rddreg [dreg:$0x1c];
	v58 =	vld [tilespmem:s5+$0x0];
	s1 =	sadd.s32 s20, s1  }
0x116: {  	v63 =	vmax.f32 v7, v48;
	s0 =	simm.s32 $0x80;
	s7 =	sadd.s32 s20, s26;
	s4 =	rddreg [dreg:$0x1a];
	v48 =	vld [tilespmem:s1+$0x0];
	v46 =	vmul.f32 v46, v16;
	v57 =	vadd.f32 v45, v50  }
0x117: {  	v53 =	vadd.s32 v53, v47;
	v11 =	vmov s6;
	s5 =	sadd.s32 s20, s28;
	s1 =	simm.s32 $0x20;
	v0 =	vmov s25;
	s25 =	rddreg [dreg:$0x18];
	v33 =	vld [tilespmem:s7+$0x0]  }
0x118: {  	v47 =	vmul.f32 v51, v15;
	v2 =	vmov s29;
	s29 =	rddreg [dreg:$0x19];
	s6 =	sadd.s32 s19, s25;
	s7 =	sadd.s32 s20, s30;
	v50 =	vld [tilespmem:s5+$0x0];
	v60 =	vadd.f32 v46, v57  }
0x119: {  	v10 =	vmov s8;
	v56 =	vadd.s32 v56, v52;
	v18 =	vimm.f32 $0.0e+00;
	s31 =	sadd.s32 s19, s29;
	s6 =	sadd.s32 s20, s6;
	v55 =	vld [tilespmem:s7+$0x0];
	s7 =	rddreg [dreg:$0x6]  }
0x11a: {  	s10 =	sadd.s32 s20, s31;
	v51 =	vld [tilespmem:s6+$0x0];
	s6 =	sadd.s32 s19, s22;
	s5 =	rddreg [dreg:$0x7];
	v7 =	vpop (erf);
	v57 =	vmax.f32 v63, v49;
	v49 =	vmul.f32 v58, v14;
	v52 =	vadd.f32 v47, v60  }
.LBB2_2:
0x11b: {  	v34 =	vmax.f32 v57, v34;
	v63 =	vld [tilespmem:s10+$0x0];
	s8 =	sadd.s32 s19, s4;
	s6 =	sadd.s32 s20, s6;
	v56 =	vadd.s32 $0x7FFF, v56  }
0x11c: {  	v53 =	vadd.s32 $0x7FFF, v53;
	s4 =	sand.u32 $0x1C00, s0;
	s31 =	sadd.s32 s19, s3;
	v34 =	vmax.f32 v34, v36;
	v60 =	vadd.f32 v49, v52;
	s8 =	sadd.s32 s20, s8;
	v52 =	vld [tilespmem:s6+$0x0]  }
0x11d: {  	s3 =	sand.u32 $0x70, s21;
	v54 =	vadd.s32 $0x7FFF, v54;
	s11 =	sadd.s32 s4, s9;
	s12 =	sadd.s32 s20, s31;
	v34 =	vmax.f32 v34, v37;
	v61 =	vld [tilespmem:s8+$0x0];
	v58 =	vmul.f32 v50, v13  }
0x11e: {  	s7 =	sadd.s32 s4, s7;
	v54 =	vand.u32 $0xFFFF0000, v54;
	s6 =	sadd.s32 s3, s11;
	v62 =	vld [tilespmem:s12+$0x0];
	v34 =	vmax.f32 v34, v38;
	v50 =	vand.u32 $0xFFFF0000, v53  }
0x11f: {  	s14 =	sadd.s32 s3, s7;
	v59 =	vld [tilespmem:s6+$0x0];
	v38 =	vmul.f32 v51, v12;
	v34 =	vmax.f32 v34, v39;
	v36 =	vadd.f32 v58, v60  }
0x120: {  	s13 =	rddreg [dreg:$0x1e];
	s5 =	sadd.s32 s4, s5;
	v53 =	vand.u32 $0xFFFF0000, v56;
	v39 =	vld [tilespmem:s14+$0x0];
	v55 =	vmul.f32 v55, v0;
	v56 =	vshrl.u32 v33, $0x10  }
0x121: {  	s15 =	rddreg [dreg:$0x8];
	s2 =	sadd.s32 s19, s2;
	s5 =	sadd.s32 s3, s5;
	v34 =	vmax.f32 v34, v40;
	v40 =	vmul.f32 v63, v11;
	v36 =	vadd.f32 v38, v36  }
0x122: {  	s16 =	rddreg [dreg:$0x1f];
	s2 =	sadd.s32 s20, s2;
	v57 =	vld [tilespmem:s5+$0x0];
	v56 =	vand.u32 $0x1, v56;
	v34 =	vmax.f32 v34, v41;
	v60 =	vmul.f32 v48, v1  }
0x123: {  	s17 =	rddreg [dreg:$0x9];
	s23 =	sadd.s32 s4, s15;
	v41 =	vld [tilespmem:s2+$0x0];
	v34 =	vmax.f32 v34, v42;
	v42 =	vmul.f32 v61, v10;
	v36 =	vadd.f32 v40, v36  }
0x124: {  	s24 =	sld [smem:$0x7DD];
	s22 =	sadd.s32 s19, s13;
	s5 =	sadd.s32 s3, s23;
	v34 =	vmax.f32 v34, v43;
	v43 =	vmul.f32 v62, v9;
	v48 =	vmul.f32 v59, v30  }
0x125: {  	s25 =	rddreg [dreg:$0xa];
	s28 =	sadd.s32 s4, s17;
	s2 =	sadd.s32 s20, s22;
	v59 =	vld [tilespmem:s5+$0x0];
	v34 =	vmax.f32 v34, v35;
	v51 =	vmul.f32 v39, v32;
	v35 =	vadd.f32 v42, v36  }
0x126: {  	s29 =	sld [smem:$0x7E0];
	s26 =	sadd.s32 s19, s16;
	v37 =	vld [tilespmem:s2+$0x0];
	s5 =	sadd.s32 s3, s28;
	v39 =	vmul.f32 v52, v8;
	v34 =	vmax.f32 v34, v44;
	v36 =	vadd.f32 $0.0e+00, v48  }
0x127: {  	s30 =	rddreg [dreg:$0xb];
	s7 =	sadd.s32 s4, s25;
	s2 =	sadd.s32 s20, s26;
	v61 =	vld [tilespmem:s5+$0x0];
	v52 =	vmul.f32 v57, v31;
	v34 =	vmax.f32 v34, v45;
	v35 =	vadd.f32 v43, v35  }
0x128: {  	s10 =	rddreg [dreg:$0xc];
	s31 =	sadd.s32 s19, s24;
	s5 =	sadd.s32 s3, s7;
	v44 =	vld [tilespmem:s2+$0x0];
	v41 =	vmul.f32 v41, v5;
	v34 =	vmax.f32 v34, v46;
	v36 =	vadd.f32 v51, v36  }
0x129: {  	s8 =	rddreg [dreg:$0x11];
	s12 =	sadd.s32 s4, s30;
	s2 =	sadd.s32 s20, s31;
	v46 =	vld [tilespmem:s5+$0x0];
	v48 =	vmax.f32 v48, $0.0e+00;
	v47 =	vmax.f32 v34, v47;
	v35 =	vadd.f32 v39, v35  }
0x12a: {  	s11 =	sadd.s32 s19, s29;
	s19 =	smov.u32 s4;
	s13 =	sadd.s32 s3, s12;
	v45 =	vld [tilespmem:s2+$0x0];
	v34 =	vmul.f32 v59, v29;
	v47 =	vmax.f32 v47, v49;
	v63 =	vadd.f32 v52, v36  }
0x12b: {  	s16 =	sadd.s32 s19, s10;
	s2 =	sadd.s32 s20, s11;
	s20 =	smov.u32 s3;
	v59 =	vld [tilespmem:s13+$0x0];
	v49 =	vmul.f32 v37, v6;
	v47 =	vmax.f32 v47, v58;
	v35 =	vadd.f32 v41, v35  }
0x12c: {  	s14 =	rddreg [dreg:$0xd];
	s15 =	sadd.s32 s19, s8;
	v57 =	vld [tilespmem:s2+$0x0];
	s2 =	sadd.s32 s20, s16;
	v36 =	vmul.f32 v61, v28;
	v38 =	vmax.f32 v47, v38;
	v47 =	vadd.f32 v34, v63  }
0x12d: {  	s17 =	sadd.s32 s3, s15;
	s23 =	sadd.s32 s19, s14;
	v44 =	vmul.f32 v44, v4;
	v61 =	vld [tilespmem:s2+$0x0];
	v38 =	vmax.f32 v38, v40;
	v35 =	vadd.f32 v49, v35  }
0x12e: {  	s22 =	rddreg [dreg:$0xe];
	v58 =	vld [tilespmem:s17+$0x0];
	s2 =	sadd.s32 s20, s23;
	v37 =	vmul.f32 v46, v27;
	v38 =	vmax.f32 v38, v42;
	v62 =	vadd.f32 v36, v47  }
0x12f: {  	s24 =	rddreg [dreg:$0xf];
	s25 =	sadd.s32 s19, s22;
	v42 =	vmul.f32 v45, v3;
	v45 =	vld [tilespmem:s2+$0x0];
	v43 =	vmax.f32 v38, v43;
	v35 =	vadd.f32 v44, v35  }
0x130: {  	s28 =	sadd.s32 s19, s24;
	s2 =	sadd.s32 s20, s25;
	v38 =	vmul.f32 v59, v26;
	v39 =	vmax.f32 v43, v39;
	v40 =	vadd.f32 v37, v62  }
0x131: {  	v46 =	vld [tilespmem:s2+$0x0];
	s2 =	sadd.s32 s20, s28;
	v43 =	vmul.f32 v57, v2;
	v41 =	vmax.f32 v39, v41;
	v63 =	vadd.f32 v42, v35  }
0x132: {  	s26 =	rddreg [dreg:$0x10];
	v39 =	vmul.f32 v61, v25;
	v41 =	vmax.f32 v41, v49;
	v62 =	vld [tilespmem:s2+$0x0];
	v61 =	vadd.f32 v38, v40  }
0x133: {  	s29 =	sadd.s32 s19, s26;
	v41 =	vmax.f32 v41, v44;
	v35 =	vmul.f32 v58, v20;
	v63 =	vadd.f32 v43, v63  }
0x134: {  	s2 =	sadd.s32 s20, s29;
	v40 =	vmul.f32 v45, v24;
	v41 =	vmax.f32 v41, v42;
	v58 =	vadd.f32 v39, v61  }
0x135: {  	s30 =	rddreg [dreg:$0x12];
	v48 =	vmax.f32 v48, v51;
	v59 =	vld [tilespmem:s2+$0x0];
	v43 =	vmax.f32 v41, v43;
	v44 =	vadd.f32 v60, v63  }
0x136: {  	s6 =	sld [smem:$0x7F5];
	v41 =	vmul.f32 v46, v23;
	v43 =	vmax.f32 v43, v60;
	v45 =	vadd.f32 v40, v58  }
0x137: {  	s4 =	rddreg [dreg:$0x1a];
	s2 =	sadd.s32 s19, s30;
	v42 =	vmul.f32 v62, v22;
	v43 =	vmax.f32 v43, v55;
	v44 =	vadd.f32 v55, v44  }
0x138: {  	s5 =	rddreg [dreg:$0x13];
	s2 =	sadd.s32 s20, s2;
	v60 =	vadd.s32 v56, v33;
	v61 =	vmax.f32 v43, $0.0e+00;
	v45 =	vadd.f32 v41, v45  }
0x139: {  	s10 =	sand.u32 $0x3F0, s21;
	s14 =	rddreg [dreg:$0x15];
	s12 =	sadd.s32 s19, s5;
	v47 =	vld [tilespmem:s2+$0x0];
	v33 =	vadd.s32 $0x7FFF, v60;
	v62 =	vshrl.u32 v61, $0x10;
	v44 =	vmul.f32 v44, v7  }
0x13a: {  	p0 =	sne.s32 s1, $0x3F0;
	s11 =	rddreg [dreg:$0x14];
	s2 =	sadd.s32 s20, s12;
	v56 =	vld [tilespmem:s10+$0xA500];
	v43 =	vmul.f32 v59, v21;
	v55 =	vand.u32 $0x1, v62;
	v45 =	vadd.f32 v42, v45  }
0x13b: {  	s18 =	sadd.s32 $0x10, s18;
	s22 =	rddreg [dreg:$0x17];
	s15 =	sadd.s32 s19, s11;
	v57 =	vld [tilespmem:s2+$0x0];
	v33 =	vand.u32 $0xFFFF0000, v33;
	v46 =	vadd.s32 v55, v61;
	v63 =	vshrl.u32 v44, $0x10  }
0x13c: {  	s0 =	sadd.s32 $0x80, s0;
	s31 =	sld [smem:$0x7F4];
	s7 =	sadd.s32 s20, s15;
	v49 =	vld [tilespmem:s10+$0xA900];
	v46 =	vadd.s32 $0x7FFF, v46;
	v45 =	vadd.f32 v43, v45;
	v60 =	vand.u32 $0x1, v63  }
0x13d: {  	s21 =	smov.u32 s1;
	s3 =	sadd.s32 s19, s14;
	s16 =	rddreg [dreg:$0x16];
	v33 =	vmul.f32 v54, v33;
	v54 =	vld [tilespmem:s7+$0x0];
	v46 =	vand.u32 $0xFFFF0000, v46;
	v44 =	vadd.s32 v60, v44  }
0x13e: {  	s3 =	sadd.s32 s20, s3;
	s13 =	sld [smem:$0x7F6];
	s9 =	sadd.s32 s19, s16;
	v58 =	vld [tilespmem:s18+$0x0];
	v45 =	vadd.f32 v35, v45;
	v62 =	vadd.s32 $0x7FFF, v44;
	v44 =	vmul.f32 v47, v19  }
0x13f: {  	s1 =	sadd.s32 $0x10, s1;
	s9 =	sadd.s32 s20, s9;
	s23 =	rddreg [dreg:$0x18];
	v18 =	vadd.f32 v33, v18;
	v55 =	vshrl.u32 v56, $0x10;
	v61 =	vmul.f32 v46, v53;
	v47 =	vld [tilespmem:s3+$0x0]  }
0x140: {  	s11 =	sadd.s32 s19, s31;
	s5 =	rddreg [dreg:$0x7];
	s26 =	sadd.s32 s19, s23;
	v59 =	vld [tilespmem:s9+$0x0];
	v46 =	vand.u32 $0xFFFF0000, v62;
	v60 =	vadd.f32 v44, v45;
	v45 =	vmul.f32 v57, v17  }
0x141: {  	s24 =	sadd.s32 s20, s11;
	s17 =	rddreg [dreg:$0x1c];
	s29 =	sadd.s32 s20, s26;
	v18 =	vadd.f32 v61, v18;
	v61 =	vshrl.u32 v49, $0x10;
	v63 =	vmul.f32 v50, v46  }
.Ltmp0:
0x142: {  	s25 =	rddreg [dreg:$0x19];
	v51 =	vld [tilespmem:s29+$0x0];
	s7 =	sadd.s32 s19, s22;
	v46 =	vmul.f32 v54, v16;
	v54 =	vand.u32 $0x1, v61;
	v57 =	vadd.f32 v45, v60;
	(pc) =	sbr.rel @p0 .LBB2_2-.Ltmp0, $4  }
0x143: {  	s12 =	sadd.s32 s19, s6;
	s2 =	rddreg [dreg:$0x1d];
	s7 =	sadd.s32 s20, s7;
	v33 =	vld [tilespmem:s24+$0x0];
	v62 =	vshrl.u32 v58, $0x10;
	v61 =	vand.u32 $0x1, v55;
	v53 =	vadd.s32 v54, v49  }
0x144: {  	s6 =	sadd.s32 s19, s13;
	s28 =	sadd.s32 s20, s12;
	s9 =	rddreg [dreg:$0x5];
	v50 =	vld [tilespmem:s7+$0x0];
	v18 =	vadd.f32 v18, v63;
	v47 =	vmul.f32 v47, v15;
	v63 =	vadd.f32 v46, v57  }
0x145: {  	s30 =	sadd.s32 s19, s25;
	s31 =	sadd.s32 s20, s6;
	s3 =	rddreg [dreg:$0x1b];
	v55 =	vld [tilespmem:s28+$0x0];
	v56 =	vadd.s32 v61, v56;
	v49 =	vmul.f32 v59, v14;
	v60 =	vand.u32 $0x1, v62  }
0x146: {  	s6 =	sadd.s32 s19, s17;
	s10 =	sadd.s32 s20, s30;
	s7 =	rddreg [dreg:$0x6];
	v54 =	vadd.s32 v60, v58;
	v57 =	vmax.f32 v48, v52;
	v48 =	vld [tilespmem:s31+$0x0];
	v52 =	vadd.f32 v47, v63  }
0x147: {  	s1 =	sand.u32 $0x1C00, s0  }
0x148: {  	s0 =	sand.u32 $0x70, s21;
	s8 =	sadd.s32 s1, s9  }
0x149: {  	s8 =	sadd.s32 s0, s8  }
0x14a: {  	s7 =	sadd.s32 s1, s7;
	v58 =	vld [tilespmem:s8+$0x0]  }
0x14b: {  	s7 =	sadd.s32 s0, s7  }
0x14c: {  	s5 =	sadd.s32 s1, s5;
	v59 =	vld [tilespmem:s7+$0x0]  }
0x14d: {  	s31 =	rddreg [dreg:$0x8];
	s5 =	sadd.s32 s0, s5  }
0x14e: {  	v57 =	vmax.f32 v57, v34;
	s11 =	sadd.s32 s1, s31;
	v60 =	vld [tilespmem:s5+$0x0]  }
0x14f: {  	v56 =	vadd.s32 $0x7FFF, v56;
	s9 =	rddreg [dreg:$0x9];
	v36 =	vmax.f32 v57, v36;
	s5 =	sadd.s32 s0, s11;
	v34 =	vmul.f32 v58, v30  }
0x150: {  	v62 =	vadd.s32 $0x7FFF, v54;
	v51 =	vmul.f32 v51, v12;
	s13 =	sadd.s32 s1, s9;
	v36 =	vmax.f32 v36, v37;
	v61 =	vld [tilespmem:s5+$0x0]  }
0x151: {  	s12 =	rddreg [dreg:$0xa];
	v38 =	vmax.f32 v36, v38;
	s5 =	sadd.s32 s0, s13;
	v32 =	vmul.f32 v59, v32;
	v58 =	vadd.f32 $0.0e+00, v34  }
0x152: {  	s16 =	rddreg [dreg:$0xc];
	v52 =	vadd.f32 v49, v52;
	s15 =	sadd.s32 s1, s12;
	v50 =	vmul.f32 v50, v13;
	v38 =	vmax.f32 v38, v39;
	v54 =	vld [tilespmem:s5+$0x0]  }
0x153: {  	s14 =	rddreg [dreg:$0xb];
	v57 =	vld [tilespmem:s10+$0x0];
	s24 =	sadd.s32 s1, s16;
	s5 =	sadd.s32 s0, s15;
	v38 =	vmax.f32 v38, v40;
	v36 =	vmul.f32 v60, v31;
	v58 =	vadd.f32 v32, v58  }
0x154: {  	s17 =	sadd.s32 s1, s14;
	s25 =	sadd.s32 s0, s24;
	v52 =	vadd.f32 v50, v52;
	v63 =	vld [tilespmem:s5+$0x0];
	v41 =	vmax.f32 v38, v41;
	v38 =	vmul.f32 v55, v0  }
0x155: {  	s3 =	sadd.s32 s19, s3;
	s22 =	sadd.s32 s0, s17;
	v55 =	vld [tilespmem:s25+$0x0];
	v41 =	vmax.f32 v41, v42;
	v37 =	vmul.f32 v61, v29;
	v60 =	vadd.f32 v36, v58  }
0x156: {  	s4 =	sadd.s32 s19, s4;
	s3 =	sadd.s32 s20, s3;
	v30 =	vadd.s32 $0x7FFF, v53;
	v31 =	vand.u32 $0xFFFF0000, v62;
	v61 =	vadd.f32 v51, v52;
	v52 =	vld [tilespmem:s22+$0x0]  }
0x157: {  	s23 =	rddreg [dreg:$0xd];
	s4 =	sadd.s32 s20, s4;
	v62 =	vld [tilespmem:s3+$0x0];
	v41 =	vmax.f32 v41, v43;
	v28 =	vmul.f32 v54, v28;
	v53 =	vadd.f32 v37, v60  }
0x158: {  	s6 =	sadd.s32 s20, s6;
	s29 =	sadd.s32 s1, s23;
	v57 =	vmul.f32 v57, v11;
	v59 =	vld [tilespmem:s4+$0x0];
	v29 =	vand.u32 $0xFFFF0000, v56;
	v35 =	vmax.f32 v41, v35  }
0x159: {  	s26 =	rddreg [dreg:$0xe];
	s2 =	sadd.s32 s19, s2;
	s3 =	sadd.s32 s0, s29;
	v54 =	vshrl.u32 v33, $0x10;
	v27 =	vmul.f32 v63, v27;
	v58 =	vld [tilespmem:s6+$0x0];
	v63 =	vadd.f32 v28, v53  }
0x15a: {  	s28 =	rddreg [dreg:$0x1e];
	s2 =	sadd.s32 s20, s2;
	s8 =	sadd.s32 s1, s26;
	v35 =	vmax.f32 v35, v44;
	v34 =	vmax.f32 v34, $0.0e+00;
	v40 =	vadd.f32 v57, v61;
	v60 =	vld [tilespmem:s3+$0x0]  }
0x15b: {  	s30 =	rddreg [dreg:$0xf];
	s9 =	sadd.s32 s19, s28;
	v61 =	vld [tilespmem:s2+$0x0];
	v35 =	vmax.f32 v35, v45;
	v26 =	vmul.f32 v52, v26;
	s3 =	sadd.s32 s0, s8;
	v39 =	vadd.f32 v27, v63  }
0x15c: {  	s31 =	rddreg [dreg:$0x1f];
	s12 =	sadd.s32 s1, s30;
	s2 =	sadd.s32 s20, s9;
	v25 =	vmul.f32 v55, v25;
	v35 =	vmax.f32 v35, v46;
	v41 =	vmul.f32 v62, v9;
	v62 =	vld [tilespmem:s3+$0x0]  }
0x15d: {  	s10 =	rddreg [dreg:$0x10];
	v32 =	vmax.f32 v34, v32;
	v42 =	vmul.f32 v59, v10;
	s3 =	sadd.s32 s0, s12;
	v63 =	vld [tilespmem:s2+$0x0];
	v39 =	vadd.f32 v26, v39  }
0x15e: {  	s16 =	sadd.s32 s1, s10;
	s11 =	sld [smem:$0x7DD];
	v35 =	vmax.f32 v35, v47;
	v47 =	vand.u32 $0x1, v54;
	v45 =	vmul.f32 v58, v8;
	v58 =	vld [tilespmem:s3+$0x0]  }
0x15f: {  	s14 =	rddreg [dreg:$0x11];
	s13 =	sadd.s32 s19, s31;
	v35 =	vmax.f32 v35, v49;
	s3 =	sadd.s32 s0, s16;
	v24 =	vmul.f32 v60, v24;
	v39 =	vadd.f32 v25, v39  }
0x160: {  	s15 =	sld [smem:$0x7E0];
	s5 =	sadd.s32 s1, s14;
	v32 =	vmax.f32 v32, v36;
	v40 =	vadd.f32 v42, v40;
	v35 =	vmax.f32 v35, v50;
	s2 =	sadd.s32 s20, s13;
	v60 =	vld [tilespmem:s3+$0x0]  }
0x161: {  	s17 =	sadd.s32 s19, s11;
	s24 =	sadd.s32 s0, s5;
	s22 =	rddreg [dreg:$0x12];
	v43 =	vmul.f32 v61, v5;
	v59 =	vld [tilespmem:s2+$0x0];
	v23 =	vmul.f32 v62, v23;
	v39 =	vadd.f32 v24, v39  }
0x162: {  	s26 =	sadd.s32 s1, s22;
	v35 =	vmax.f32 v35, v51;
	v40 =	vadd.f32 v41, v40;
	s2 =	sadd.s32 s20, s17;
	v62 =	vmul.f32 v63, v6;
	v63 =	vld [tilespmem:s24+$0x0]  }
0x163: {  	s25 =	rddreg [dreg:$0x13];
	s23 =	sadd.s32 s19, s15;
	s28 =	sadd.s32 s0, s26;
	v35 =	vmax.f32 v35, v57;
	v61 =	vld [tilespmem:s2+$0x0];
	v22 =	vmul.f32 v58, v22;
	v39 =	vadd.f32 v23, v39  }
0x164: {  	s30 =	sadd.s32 s1, s25;
	v32 =	vmax.f32 v32, v37;
	v35 =	vmax.f32 v35, v42;
	v40 =	vadd.f32 v45, v40;
	s2 =	sadd.s32 s20, s23;
	v58 =	vld [tilespmem:s28+$0x0]  }
0x165: {  	s29 =	rddreg [dreg:$0x14];
	v35 =	vmax.f32 v35, v41;
	v56 =	vld [tilespmem:s2+$0x0];
	s2 =	sadd.s32 s0, s30;
	v21 =	vmul.f32 v60, v21;
	v39 =	vadd.f32 v22, v39  }
0x166: {  	v28 =	vmax.f32 v32, v28;
	v35 =	vmax.f32 v35, v45;
	s3 =	sadd.s32 s1, s29;
	v40 =	vadd.f32 v43, v40;
	v60 =	vld [tilespmem:s2+$0x0]  }
0x167: {  	s31 =	rddreg [dreg:$0x15];
	v35 =	vmax.f32 v35, v43;
	s2 =	sadd.s32 s0, s3;
	v20 =	vmul.f32 v63, v20;
	v39 =	vadd.f32 v21, v39  }
0x168: {  	s6 =	sadd.s32 s1, s31;
	v27 =	vmax.f32 v28, v27;
	v40 =	vadd.f32 v62, v40;
	v35 =	vmax.f32 v35, v62;
	v62 =	vld [tilespmem:s2+$0x0]  }
0x169: {  	s5 =	rddreg [dreg:$0x16];
	v26 =	vmax.f32 v27, v26;
	s2 =	sadd.s32 s0, s6;
	v19 =	vmul.f32 v58, v19;
	v39 =	vadd.f32 v20, v39  }
0x16a: {  	v49 =	vadd.s32 v47, v33;
	s8 =	sadd.s32 s1, s5;
	v25 =	vmax.f32 v26, v25;
	v57 =	vmul.f32 v59, v4;
	v46 =	vld [tilespmem:s2+$0x0]  }
0x16b: {  	s7 =	rddreg [dreg:$0x17];
	v59 =	vmul.f32 v61, v3;
	s2 =	sadd.s32 s0, s8;
	v17 =	vmul.f32 v60, v17;
	v39 =	vadd.f32 v19, v39  }
0x16c: {  	s10 =	sadd.s32 s1, s7;
	v61 =	vmul.f32 v56, v2;
	v40 =	vadd.f32 v57, v40;
	v63 =	vmul.f32 v48, v1;
	v48 =	vld [tilespmem:s2+$0x0]  }
0x16d: {  	s9 =	rddreg [dreg:$0x18];
	v35 =	vmax.f32 v35, v57;
	s2 =	sadd.s32 s0, s10;
	v16 =	vmul.f32 v62, v16;
	v39 =	vadd.f32 v17, v39  }
0x16e: {  	s12 =	sadd.s32 s1, s9;
	v24 =	vmax.f32 v25, v24;
	v35 =	vmax.f32 v35, v59;
	v40 =	vadd.f32 v59, v40;
	v50 =	vld [tilespmem:s2+$0x0]  }
0x16f: {  	s11 =	rddreg [dreg:$0x19];
	v35 =	vmax.f32 v35, v61;
	s2 =	sadd.s32 s0, s12;
	v15 =	vmul.f32 v46, v15;
	v39 =	vadd.f32 v16, v39  }
0x170: {  	s14 =	sadd.s32 s1, s11;
	s15 =	rddreg [dreg:$0x1b];
	v23 =	vmax.f32 v24, v23;
	v35 =	vmax.f32 v35, v63;
	v52 =	vld [tilespmem:s2+$0x0];
	v40 =	vadd.f32 v61, v40  }
0x171: {  	s4 =	sadd.s32 s1, s15;
	s13 =	rddreg [dreg:$0x1a];
	s2 =	sadd.s32 s0, s14;
	v35 =	vmax.f32 v35, v38;
	v14 =	vmul.f32 v48, v14;
	v53 =	vadd.f32 v15, v39  }
0x172: {  	s4 =	sadd.s32 s0, s4;
	s16 =	sadd.s32 s1, s13;
	v22 =	vmax.f32 v23, v22;
	v55 =	vld [tilespmem:s2+$0x0];
	v35 =	vmax.f32 v35, $0.0e+00;
	v40 =	vadd.f32 v63, v40  }
0x173: {  	v58 =	vld [tilespmem:s4+$0x0];
	s2 =	sadd.s32 s0, s16;
	v51 =	vshrl.u32 v35, $0x10;
	v13 =	vmul.f32 v50, v13;
	v56 =	vadd.f32 v14, v53  }
0x174: {  	v33 =	vadd.s32 $0x7FFF, v49;
	v21 =	vmax.f32 v22, v21;
	v28 =	vld [tilespmem:s2+$0x0];
	v54 =	vand.u32 $0x1, v51  }
0x175: {  	s17 =	rddreg [dreg:$0x1c];
	v38 =	vadd.f32 v38, v40;
	v12 =	vmul.f32 v52, v12;
	v27 =	vadd.f32 v13, v56  }
0x176: {  	v33 =	vand.u32 $0xFFFF0000, v33;
	s3 =	sadd.s32 s1, s17;
	v20 =	vmax.f32 v21, v20;
	v35 =	vadd.s32 v54, v35  }
0x177: {  	s19 =	rddreg [dreg:$0x1d];
	s3 =	sadd.s32 s0, s3;
	v11 =	vmul.f32 v55, v11;
	v38 =	vmul.f32 v38, v7;
	v25 =	vadd.f32 v12, v27  }
0x178: {  	v59 =	vld [tilespmem:s3+$0x0];
	s2 =	sadd.s32 s1, s19;
	v9 =	vmul.f32 v58, v9;
	v19 =	vmax.f32 v20, v19;
	v26 =	vadd.s32 $0x7FFF, v35  }
0x179: {  	s20 =	rddreg [dreg:$0x1e];
	s2 =	sadd.s32 s0, s2;
	v10 =	vmul.f32 v28, v10;
	v57 =	vshrl.u32 v38, $0x10;
	v23 =	vadd.f32 v11, v25  }
0x17a: {  	s25 =	sld [smem:$0x7DD];
	s24 =	sadd.s32 s1, s20;
	v17 =	vmax.f32 v19, v17;
	v24 =	vand.u32 $0xFFFF0000, v26;
	v26 =	vld [tilespmem:s2+$0x0];
	v27 =	vand.u32 $0x1, v57  }
0x17b: {  	s22 =	rddreg [dreg:$0x1f];
	s2 =	sadd.s32 s0, s24;
	v16 =	vmax.f32 v17, v16;
	v25 =	vadd.s32 v27, v38;
	v21 =	vadd.f32 v10, v23  }
0x17c: {  	v31 =	vmul.f32 v31, v33;
	s23 =	sand.u32 $0x3F0, s21;
	s28 =	sadd.s32 s1, s22;
	v15 =	vmax.f32 v16, v15;
	v23 =	vadd.s32 $0x7FFF, v25;
	v25 =	vld [tilespmem:s2+$0x0]  }
0x17d: {  	s29 =	sld [smem:$0x7E0];
	v22 =	vld [tilespmem:s23+$0xA900];
	v8 =	vmul.f32 v59, v8;
	v14 =	vmax.f32 v15, v14;
	s2 =	sadd.s32 s0, s28;
	v19 =	vadd.f32 v9, v21  }
0x17e: {  	v18 =	vadd.f32 v31, v18;
	s30 =	sadd.s32 s1, s25;
	s6 =	sld [smem:$0x7F5];
	v13 =	vmax.f32 v14, v13;
	v21 =	vmul.f32 v24, v29;
	v24 =	vld [tilespmem:s2+$0x0]  }
0x17f: {  	s31 =	sld [smem:$0x7F6];
	v17 =	vld [tilespmem:s23+$0xA500];
	v5 =	vmul.f32 v26, v5;
	v12 =	vmax.f32 v13, v12;
	s2 =	sadd.s32 s0, s30;
	v16 =	vadd.f32 v8, v19  }
0x180: {  	v30 =	vand.u32 $0xFFFF0000, v30;
	s26 =	sadd.s32 $0x10, s18;
	s5 =	sadd.s32 s1, s29;
	v11 =	vmax.f32 v12, v11;
	v18 =	vadd.f32 v21, v18;
	v21 =	vld [tilespmem:s2+$0x0]  }
0x181: {  	s3 =	sadd.s32 s1, s6;
	v20 =	vld [tilespmem:s26+$0x0];
	v23 =	vand.u32 $0xFFFF0000, v23;
	s2 =	sadd.s32 s0, s5;
	v6 =	vmul.f32 v25, v6;
	v14 =	vadd.f32 v5, v16  }
0x182: {  	s4 =	sadd.s32 s1, s31;
	s3 =	sadd.s32 s0, s3;
	v15 =	vshrl.u32 v22, $0x10;
	v10 =	vmax.f32 v11, v10;
	v19 =	vmul.f32 v30, v23;
	v23 =	vld [tilespmem:s2+$0x0]  }
0x183: {  	s7 =	sld [smem:$0x7F4];
	s4 =	sadd.s32 s0, s4;
	v11 =	vand.u32 $0x1, v15;
	v15 =	vld [tilespmem:s3+$0x0];
	v4 =	vmul.f32 v24, v4;
	v12 =	vadd.f32 v6, v14  }
0x184: {  	v13 =	vshrl.u32 v17, $0x10;
	v14 =	vadd.f32 v18, v19;
	v18 =	vld [tilespmem:s4+$0x0]  }
0x185: {  	v9 =	vmax.f32 v10, v9;
	v3 =	vmul.f32 v21, v3;
	v10 =	vadd.f32 v4, v12  }
0x186: {  	s1 =	sadd.s32 s1, s7;
	v11 =	vadd.s32 v11, v22;
	v8 =	vmax.f32 v9, v8;
	v16 =	vshrl.u32 v20, $0x10  }
0x187: {  	s0 =	sadd.s32 s0, s1;
	v5 =	vmax.f32 v8, v5;
	v2 =	vmul.f32 v23, v2;
	v8 =	vadd.f32 v3, v10  }
0x188: {  	v9 =	vld [tilespmem:s0+$0x0];
	v0 =	vmul.f32 v15, v0;
	v5 =	vmax.f32 v5, v6;
	v12 =	vand.u32 $0x1, v16  }
0x189: {  	v4 =	vmax.f32 v5, v4;
	v1 =	vmul.f32 v18, v1;
	v5 =	vadd.f32 v2, v8  }
0x18a: {  	v6 =	vadd.s32 v12, v20;
	v10 =	vand.u32 $0x1, v13;
	v3 =	vmax.f32 v4, v3  }
0x18b: {  	v8 =	vadd.s32 v10, v17;
	v2 =	vmax.f32 v3, v2;
	v3 =	vadd.f32 v1, v5  }
0x18c: {  	v4 =	vadd.s32 $0x7FFF, v8;
	v5 =	vadd.s32 $0x7FFF, v11;
	v1 =	vmax.f32 v2, v1  }
0x18d: {  	v2 =	vshrl.u32 v9, $0x10;
	v1 =	vmax.f32 v1, v0;
	v0 =	vadd.f32 v0, v3  }
0x18e: {  	v2 =	vand.u32 $0x1, v2;
	v3 =	vadd.s32 $0x7FFF, v6;
	v1 =	vmax.f32 v1, $0.0e+00  }
0x18f: {  	v2 =	vadd.s32 v2, v9;
	v6 =	vshrl.u32 v1, $0x10;
	v0 =	vmul.f32 v0, v7  }
0x190: {  	v3 =	vand.u32 $0xFFFF0000, v3;
	v2 =	vadd.s32 $0x7FFF, v2;
	v6 =	vand.u32 $0x1, v6  }
0x191: {  	v2 =	vand.u32 $0xFFFF0000, v2;
	v1 =	vadd.s32 v6, v1;
	v6 =	vshrl.u32 v0, $0x10  }
0x192: {  	v2 =	vmul.f32 v3, v2;
	v1 =	vadd.s32 $0x7FFF, v1;
	v3 =	vand.u32 $0x1, v6  }
0x193: {  	v4 =	vand.u32 $0xFFFF0000, v4;
	v1 =	vand.u32 $0xFFFF0000, v1;
	v0 =	vadd.s32 v3, v0  }
0x194: {  	v2 =	vadd.f32 v2, v14;
	v1 =	vmul.f32 v1, v4;
	v0 =	vadd.s32 $0x7FFF, v0  }
0x195: {  	v3 =	vand.u32 $0xFFFF0000, v5;
	v0 =	vand.u32 $0xFFFF0000, v0  }
0x196: {  	v1 =	vadd.f32 v1, v2;
	v0 =	vmul.f32 v3, v0;
	_ =	sdelay $0x1  }
0x197: {  	s9 =	sld [smem:$0x7FB];
	v0 =	vadd.f32 v1, v0;
	_ =	sdelay $0x1  }
0x198: {  	s11 =	simm.s32 $0x1;
	s8 =	simm.s32 $0x0;
	s10 =	simm.s32 $0xAD00;
	[tilespmem:$0xAD00] =	vst v0  }
0x199: {  	[hbm4b:s9+s8] =	stream.linear.scatter [tilespmem:s10], [sflag:$0x1], $0x80, $0x38;
	[tilespmem:$0xAD80] =	vst v63  }
0x19a: {  	_ =	swait.ge [sflag:s11], $0x80  }
0x19b: {  	s12 =	sld [smem:$0x7F8]  }
0x19c: {  	[sflag:s11] =	ssyncset.done $0x0  }
0x19d: {  	[sflag:s11] =	ssyncadd.s32 $0xFFFFFF80  }
0x19e: {  	v0 =	vld [tilespmem:s12+$0x1];
	_ =	sdelay $0x4  }
0x19f: {  	(v2sf) =	vpush v0, $0x0;
	_ =	sdelay $0xe  }
0x1a0: {  	s2 =	spop (v2sf)  }
0x1a1: {  	s18 =	sadd.s32 $0xFFFFFFF1, s2  }
0x1a2: {  	p0 =	sgt.s32 s18, $0x0;
	s0 =	smov.u32 s18  }
0x1a3: {  	s0 =	simm.s32 @!p0 $0x0  }
0x1a4: {  	s20 =	smin.u32 s0, $0x7E1  }
0x1a5: {  	s0 =	sand.u32 $0x7, s20  }
0x1a6: {  	p6 =	slt.s32 s18, $0x1;
	p1 =	sne.s32 s0, $0x0  }
0x1a7: {  	p0 =	por !p6, !p1  }
0x1a8: {  	s0 =	simm.s32 $0xFFFFFFFF;
	p0 =	por !p0, !p0  }
0x1a9: {  	s0 =	simm.s32 @!p0 $0x0  }
0x1aa: {  	s0 =	sshll.u32 s0, $0x3  }
0x1ab: {  	s0 =	sadd.s32 s20, s0  }
0x1ac: {  	s3 =	sand.u32 $0xFFFFFFF8, s0  }
0x1ad: {  	s14 =	sld [smem:$0x7F9];
	p0 =	slt.s32 s3, $0x7D8  }
0x1ae: {  	s3 =	simm.s32 @!p0 $0x7D8  }
0x1af: {  	s13 =	sshll.u32 s3, $0xA  }
0x1b0: {  	s0 =	sadd.s32 s14, s13  }
0x1b1: {  	s15 =	rddreg [dreg:$0x0];
	s0 =	sshrl.u32 s0, $0x3  }
0x1b2: {  	s16 =	simm.s32 $0x80;
	s0 =	sadd.s32 s15, s0  }
0x1b3: {  	[tilespmem:s16], [sflag:$0x1] =	stream.linear.gather [hbm4b:s0+s8], $0xA000, $0x38;
	[tilespmem:$0xAD80] =	vst v63  }
0x1b4: {  	_ =	swait.ge [sflag:s11], $0xA000  }
0x1b5: {  	s17 =	sld [smem:$0x7FA];
	_ =	sdelay $0x1  }
0x1b6: {  	s19 =	sld [smem:$0x7F7]  }
0x1b7: {  	s0 =	sadd.s32 s17, s3  }
0x1b8: {  	[sflag:s11] =	ssyncset.done $0x0;
	s0 =	sshrl.u32 s0, $0x3  }
0x1b9: {  	s21 =	simm.s32 $0xA080;
	[sflag:s11] =	ssyncadd.s32 $0xFFFF6000;
	s0 =	sadd.s32 s19, s0  }
0x1ba: {  	[tilespmem:s21], [sflag:$0x1] =	stream.linear.gather [hbm4b:s0+s8], $0x28, $0x38;
	[tilespmem:$0xAD80] =	vst v63  }
0x1bb: {  	_ =	swait.ge [sflag:s11], $0x28  }
0x1bc: {  	[sflag:s11] =	ssyncset.done $0x0  }
0x1bd: {  	s14 =	ssub.s32 s20, s3;
	[sflag:s11] =	ssyncadd.s32 $0xFFFFFFD8  }
0x1be: {  	v0 =	vld [tilespmem:s14+$0xA080];
	_ =	sdelay $0x4  }
0x1bf: {  	(v2sf) =	vpush v0, $0x0;
	_ =	sdelay $0x1  }
0x1c0: {  	(v2sf) =	vpush v0, $0x1  }
0x1c1: {  	(v2sf) =	vpush v0, $0x2;
	_ =	sdelay $0x1  }
0x1c2: {  	(v2sf) =	vpush v0, $0x3  }
0x1c3: {  	s4 =	sadd.s32 $0xF, s2  }
0x1c4: {  	s22 =	sadd.s32 $0x1, s20;
	s24 =	sadd.s32 $0x2, s20;
	s25 =	sadd.s32 $0x3, s20;
	(v2sf) =	vpush v0, $0x4  }
0x1c5: {  	s26 =	sadd.s32 $0x4, s20;
	s5 =	sadd.s32 $0x6, s20;
	s7 =	sadd.s32 $0x7, s20  }
0x1c6: {  	s9 =	sadd.s32 $0x9, s20;
	s10 =	sadd.s32 $0xA, s20;
	s12 =	sadd.s32 $0xC, s20  }
0x1c7: {  	p1 =	slt.s32 s18, $0x7E2;
	p6 =	sle.s32 s12, s4;
	p0 =	sle.s32 s20, s4;
	(v2sf) =	vpush v0, $0x5  }
0x1c8: {  	s15 =	sshll.u32 s20, $0x7;
	s16 =	sadd.s32 $0x1, s14;
	s3 =	ssub.s32 s2, s3  }
0x1c9: {  	s17 =	sshll.u32 s16, $0xA;
	s2 =	sshll.u32 s2, $0x7;
	s3 =	sshll.u32 s3, $0xA;
	(v2sf) =	vpush v0, $0x6  }
0x1ca: {  	s2 =	sand.u32 $0x380, s2;
	s19 =	sand.u32 $0xFFFFE000, s17;
	s17 =	sadd.s32 $0x4, s14  }
0x1cb: {  	s3 =	sand.u32 $0xFFFFE000, s3;
	s0 =	sadd.s32 $0x5, s20;
	s8 =	sadd.s32 $0x8, s20  }
0x1cc: {  	s3 =	sor.u32 s2, s3;
	s11 =	sadd.s32 $0xB, s20;
	s21 =	spop (v2sf);
	(v2sf) =	vpush v0, $0x7  }
0x1cd: {  	p3 =	sge.s32 s11, s18;
	p5 =	sle.s32 s11, s4;
	s21 =	simm.s32 @!p0 $0x0  }
0x1ce: {  	p0 =	sge.s32 s22, s18;
	s31 =	spop (v2sf);
	(v2sf) =	vpush v0, $0x8;
	s21 =	simm.s32 @!p1 $0x0  }
0x1cf: {  	p1 =	slt.s32 s20, s4;
	s31 =	simm.s32 @!p0 $0x0;
	s30 =	spop (v2sf);
	(v2sf) =	vpush v0, $0x9  }
0x1d0: {  	p0 =	sle.s32 s24, s4;
	s23 =	sadd.f32 $0.0e+00, s21;
	s31 =	simm.s32 @!p1 $0x0  }
0x1d1: {  	p1 =	sge.s32 s24, s18;
	s30 =	simm.s32 @!p0 $0x0;
	s29 =	spop (v2sf);
	(v2sf) =	vpush v0, $0xA  }
0x1d2: {  	p0 =	sle.s32 s25, s4;
	s30 =	simm.s32 @!p1 $0x0;
	s1 =	sadd.f32 s23, s31  }
0x1d3: {  	p1 =	sge.s32 s25, s18;
	s29 =	simm.s32 @!p0 $0x0;
	s28 =	spop (v2sf)  }
0x1d4: {  	p0 =	sle.s32 s26, s4;
	s29 =	simm.s32 @!p1 $0x0;
	s1 =	sadd.f32 s1, s30  }
0x1d5: {  	p1 =	sge.s32 s26, s18;
	s28 =	simm.s32 @!p0 $0x0;
	p0 =	sle.s32 s0, s4  }
0x1d6: {  	s26 =	spop (v2sf);
	s28 =	simm.s32 @!p1 $0x0;
	s6 =	sadd.f32 s1, s29  }
0x1d7: {  	p1 =	sge.s32 s0, s18;
	s26 =	simm.s32 @!p0 $0x0;
	p0 =	sle.s32 s5, s4  }
0x1d8: {  	s25 =	spop (v2sf);
	s26 =	simm.s32 @!p1 $0x0;
	s6 =	sadd.f32 s6, s28  }
0x1d9: {  	p1 =	sge.s32 s5, s18;
	s25 =	simm.s32 @!p0 $0x0;
	p0 =	sle.s32 s7, s4  }
0x1da: {  	s25 =	simm.s32 @!p1 $0x0;
	p1 =	sge.s32 s7, s18;
	s6 =	sadd.f32 s6, s26  }
0x1db: {  	s7 =	sand.u32 $0x380, s15;
	s15 =	sadd.s32 $0x3, s14;
	s24 =	spop (v2sf)  }
0x1dc: {  	s6 =	sadd.f32 s6, s25;
	s24 =	simm.s32 @!p0 $0x0;
	p0 =	sle.s32 s8, s4  }
0x1dd: {  	s0 =	spop (v2sf);
	s24 =	simm.s32 @!p1 $0x0;
	p1 =	sge.s32 s8, s18  }
0x1de: {  	s0 =	simm.s32 @!p0 $0x0;
	p0 =	sle.s32 s9, s4;
	s22 =	spop (v2sf)  }
0x1df: {  	s8 =	sshll.u32 s14, $0xA;
	s0 =	simm.s32 @!p1 $0x0;
	p1 =	sge.s32 s9, s18  }
0x1e0: {  	s22 =	simm.s32 @!p0 $0x0;
	p0 =	sle.s32 s10, s4;
	s23 =	spop (v2sf)  }
0x1e1: {  	s13 =	sand.u32 $0xFFFFE000, s8;
	s9 =	sshll.u32 s16, $0x7;
	s6 =	sadd.f32 s6, s24  }
0x1e2: {  	s16 =	sshll.u32 s15, $0xA;
	[smem:$0x7C9] =	sst s0;
	s22 =	simm.s32 @!p1 $0x0  }
0x1e3: {  	p1 =	sge.s32 s10, s18;
	s23 =	simm.s32 @!p0 $0x0;
	s11 =	sor.u32 s7, s13  }
0x1e4: {  	s9 =	sand.u32 $0x380, s9;
	s23 =	simm.s32 @!p1 $0x0;
	p1 =	sge.s32 s12, s18  }
0x1e5: {  	s10 =	sadd.s32 $0x80, s11;
	s1 =	sor.u32 s9, s19;
	s12 =	sadd.s32 $0x2, s14  }
0x1e6: {  	s9 =	sshll.u32 s15, $0x7;
	s19 =	sshll.u32 s17, $0xA;
	s6 =	sadd.f32 s6, s0  }
0x1e7: {  	s15 =	sadd.s32 $0x5, s14;
	s0 =	sadd.s32 $0x19, s14;
	[smem:$0x7DB] =	sst s10  }
0x1e8: {  	s1 =	sadd.s32 $0x80, s1;
	s13 =	sshll.u32 s12, $0xA;
	s5 =	sshll.u32 s12, $0x7  }
0x1e9: {  	s9 =	sand.u32 $0x380, s9;
	s10 =	sshll.u32 s17, $0x7;
	s17 =	sadd.s32 $0x6, s14  }
0x1ea: {  	[smem:$0x7DA] =	sst s1;
	s1 =	sand.u32 $0xFFFFE000, s13;
	s5 =	sand.u32 $0x380, s5  }
0x1eb: {  	s6 =	sadd.f32 s6, s22;
	s1 =	sor.u32 s5, s1;
	s5 =	sand.u32 $0xFFFFE000, s16  }
0x1ec: {  	s10 =	sand.u32 $0x380, s10;
	s16 =	sshll.u32 s15, $0xA;
	s5 =	sor.u32 s9, s5  }
0x1ed: {  	s1 =	sadd.s32 $0x80, s1;
	s9 =	sand.u32 $0xFFFFE000, s19;
	s6 =	sadd.f32 s6, s23  }
0x1ee: {  	s19 =	sshll.u32 s17, $0xA;
	[smem:$0x7D9] =	sst s1;
	s5 =	sadd.s32 $0x80, s5  }
0x1ef: {  	(v2sf) =	vpush v0, $0xB;
	s12 =	sor.u32 s10, s9;
	s1 =	sand.u32 $0xFFFFE000, s16;
	s9 =	sshll.u32 s17, $0x7  }
0x1f0: {  	s10 =	sadd.s32 $0xD, s20;
	s16 =	sadd.s32 $0x2080, s11;
	[smem:$0x7B5] =	sst s5  }
0x1f1: {  	s13 =	sadd.s32 $0x80, s12;
	s5 =	sshll.u32 s15, $0x7;
	s9 =	sand.u32 $0x380, s9  }
0x1f2: {  	p2 =	sge.s32 s10, s18;
	[smem:$0x7C0] =	sst s16;
	p0 =	sle.s32 s10, s4  }
0x1f3: {  	s10 =	sadd.s32 $0xB, s14;
	[smem:$0x7B7] =	sst s13;
	s5 =	sand.u32 $0x380, s5  }
0x1f4: {  	s13 =	sadd.s32 $0x9, s14;
	s1 =	sor.u32 s5, s1;
	s5 =	sand.u32 $0xFFFFE000, s19  }
0x1f5: {  	s15 =	sshll.u32 s13, $0xA;
	s1 =	sadd.s32 $0x80, s1;
	s5 =	sor.u32 s9, s5  }
0x1f6: {  	s9 =	sadd.s32 $0x7, s14;
	[smem:$0x7B9] =	sst s1;
	s5 =	sadd.s32 $0x80, s5  }
0x1f7: {  	s19 =	sadd.s32 $0xA, s14;
	s12 =	sshll.u32 s9, $0xA;
	[smem:$0x7BC] =	sst s5  }
0x1f8: {  	s5 =	sshll.u32 s9, $0x7;
	s1 =	sand.u32 $0xFFFFE000, s12;
	s9 =	sshll.u32 s13, $0x7  }
0x1f9: {  	s12 =	sshll.u32 s10, $0xA;
	s5 =	sand.u32 $0x380, s5;
	s9 =	sand.u32 $0x380, s9  }
0x1fa: {  	s1 =	sor.u32 s5, s1;
	s5 =	sand.u32 $0xFFFFE000, s15;
	s15 =	sadd.s32 $0xC, s14  }
0x1fb: {  	s1 =	sadd.s32 $0x80, s1;
	s5 =	sor.u32 s9, s5;
	s9 =	sshll.u32 s19, $0xA  }
0x1fc: {  	s16 =	sshll.u32 s15, $0xA;
	[smem:$0x7BE] =	sst s1;
	s17 =	sadd.s32 $0x80, s5  }
0x1fd: {  	s1 =	sand.u32 $0xFFFFE000, s9;
	s5 =	sshll.u32 s19, $0x7;
	s9 =	sshll.u32 s10, $0x7  }
0x1fe: {  	(v2sf) =	vpush v0, $0xC;
	s10 =	sand.u32 $0xFFFFE000, s12;
	s19 =	spop (v2sf);
	[smem:$0x7C3] =	sst s17  }
0x1ff: {  	s5 =	sand.u32 $0x380, s5;
	s9 =	sand.u32 $0x380, s9;
	s17 =	sadd.s32 $0xE, s20  }
0x200: {  	s19 =	simm.s32 @!p5 $0x0;
	s5 =	sor.u32 s5, s1;
	s9 =	sor.u32 s9, s10  }
0x201: {  	p4 =	sge.s32 s17, s18;
	s19 =	simm.s32 @!p3 $0x0;
	s5 =	sadd.s32 $0x80, s5  }
0x202: {  	s13 =	sadd.s32 $0x80, s9;
	s9 =	sshll.u32 s15, $0x7;
	s6 =	sadd.f32 s6, s19  }
0x203: {  	s1 =	simm.s32 @!p4 $0x0;
	s15 =	sadd.s32 $0xE, s14;
	[smem:$0x7C5] =	sst s5  }
0x204: {  	[smem:$0x7C7] =	sst s13;
	s5 =	sand.u32 $0xFFFFE000, s16;
	s9 =	sand.u32 $0x380, s9  }
0x205: {  	(v2sf) =	vpush v0, $0xD;
	s1 =	simm.s32 @p4 $0x1;
	p4 =	sle.s32 s17, s4;
	s16 =	sshll.u32 s15, $0xA  }
0x206: {  	s17 =	sadd.s32 $0xF, s14;
	[smem:$0x7AB] =	sst s1;
	s1 =	sadd.s32 $0xD, s14  }
0x207: {  	s5 =	sor.u32 s9, s5;
	s12 =	sshll.u32 s1, $0xA;
	s9 =	sshll.u32 s1, $0x7  }
0x208: {  	s5 =	sadd.s32 $0x80, s5;
	s1 =	sshll.u32 s17, $0xA;
	s10 =	sand.u32 $0xFFFFE000, s12  }
0x209: {  	s9 =	sand.u32 $0x380, s9;
	[smem:$0x7C8] =	sst s5;
	s5 =	sand.u32 $0xFFFFE000, s16  }
0x20a: {  	s12 =	sadd.s32 $0xF, s20;
	s16 =	sadd.s32 $0x4000, s8;
	s9 =	sor.u32 s9, s10  }
0x20b: {  	s10 =	sshll.u32 s17, $0x7;
	p3 =	sge.s32 s12, s18;
	p5 =	sle.s32 s12, s4  }
0x20c: {  	s17 =	sadd.s32 $0x11, s14;
	s13 =	sadd.s32 $0x80, s9;
	s9 =	sshll.u32 s15, $0x7  }
0x20d: {  	s12 =	sadd.s32 $0x12, s14;
	s15 =	spop (v2sf);
	s9 =	sand.u32 $0x380, s9  }
0x20e: {  	[smem:$0x7CA] =	sst s13;
	s15 =	simm.s32 @!p6 $0x0;
	s5 =	sor.u32 s9, s5  }
0x20f: {  	s9 =	sand.u32 $0xFFFFE000, s1;
	s1 =	simm.s32 @!p3 $0x0;
	s15 =	simm.s32 @!p1 $0x0  }
0x210: {  	s10 =	sand.u32 $0x380, s10;
	s1 =	simm.s32 @p3 $0x1;
	s6 =	sadd.f32 s6, s15  }
0x211: {  	s8 =	sshll.u32 s17, $0x7;
	s5 =	sadd.s32 $0x80, s5;
	[smem:$0x7AC] =	sst s1  }
0x212: {  	s8 =	sand.u32 $0x380, s8;
	s9 =	sor.u32 s10, s9;
	[smem:$0x7CC] =	sst s5  }
0x213: {  	s13 =	sadd.s32 $0x80, s9;
	s5 =	sand.u32 $0xFFFFE000, s16;
	s1 =	sshll.u32 s17, $0xA  }
0x214: {  	s16 =	spop (v2sf);
	s17 =	sadd.s32 $0x10, s20;
	[smem:$0x7CE] =	sst s13  }
0x215: {  	s5 =	sor.u32 s7, s5;
	s9 =	sand.u32 $0xFFFFE000, s1;
	s13 =	sshll.u32 s12, $0xA  }
0x216: {  	p1 =	sge.s32 s17, s18;
	p3 =	sle.s32 s17, s4;
	s16 =	simm.s32 @!p0 $0x0  }
0x217: {  	(v2sf) =	vpush v0, $0xE;
	s17 =	sadd.s32 $0x15, s14;
	s5 =	sadd.s32 $0x80, s5;
	s7 =	sor.u32 s8, s9  }
0x218: {  	s1 =	simm.s32 @!p1 $0x0;
	s16 =	simm.s32 @!p2 $0x0;
	[smem:$0x7D0] =	sst s5  }
0x219: {  	s10 =	sadd.s32 $0x80, s7;
	s7 =	sshll.u32 s12, $0x7;
	s6 =	sadd.f32 s6, s16  }
0x21a: {  	s5 =	sand.u32 $0xFFFFE000, s13;
	s1 =	simm.s32 @p1 $0x1;
	[smem:$0x7D2] =	sst s10  }
0x21b: {  	s12 =	sadd.s32 $0x14, s14;
	s7 =	sand.u32 $0x380, s7;
	[smem:$0x7AE] =	sst s1  }
0x21c: {  	s1 =	sadd.s32 $0x13, s14;
	s13 =	sshll.u32 s12, $0xA;
	s5 =	sor.u32 s7, s5  }
0x21d: {  	s9 =	sshll.u32 s1, $0xA;
	s7 =	sshll.u32 s1, $0x7;
	s1 =	sshll.u32 s17, $0xA  }
0x21e: {  	s8 =	sand.u32 $0xFFFFE000, s9;
	s7 =	sand.u32 $0x380, s7;
	s5 =	sadd.s32 $0x80, s5  }
0x21f: {  	s9 =	sadd.s32 $0x16, s14;
	s7 =	sor.u32 s7, s8;
	[smem:$0x7D4] =	sst s5  }
0x220: {  	s5 =	sand.u32 $0xFFFFE000, s13;
	s8 =	sshll.u32 s17, $0x7;
	s10 =	sadd.s32 $0x80, s7  }
0x221: {  	s7 =	sshll.u32 s12, $0x7;
	s8 =	sand.u32 $0x380, s8;
	s12 =	sadd.s32 $0x17, s14  }
0x222: {  	[smem:$0x7D6] =	sst s10;
	s7 =	sand.u32 $0x380, s7;
	s10 =	sshll.u32 s9, $0xA  }
0x223: {  	s13 =	sshll.u32 s12, $0xA;
	s5 =	sor.u32 s7, s5;
	s7 =	sand.u32 $0xFFFFE000, s1  }
0x224: {  	s1 =	sshll.u32 s0, $0xA;
	s5 =	sadd.s32 $0x80, s5;
	s7 =	sor.u32 s8, s7  }
0x225: {  	[smem:$0x7D8] =	sst s5;
	s8 =	sadd.s32 $0x80, s7;
	s7 =	sshll.u32 s9, $0x7  }
0x226: {  	s5 =	sand.u32 $0xFFFFE000, s10;
	s9 =	sand.u32 $0xFFFFE000, s1;
	s10 =	spop (v2sf)  }
0x227: {  	s1 =	sadd.s32 $0x1B, s14;
	[smem:$0x7D7] =	sst s8;
	s7 =	sand.u32 $0x380, s7  }
0x228: {  	s8 =	sshll.u32 s12, $0x7;
	s12 =	sadd.s32 $0x6080, s11;
	s10 =	simm.s32 @!p4 $0x0  }
0x229: {  	s5 =	sor.u32 s7, s5;
	s7 =	sand.u32 $0xFFFFE000, s13;
	s8 =	sand.u32 $0x380, s8  }
0x22a: {  	[smem:$0x7D1] =	sst s12;
	s13 =	sadd.s32 $0x1A, s14;
	s12 =	sadd.s32 $0x1C, s14  }
0x22b: {  	(v2sf) =	vpush v0, $0xF;
	s5 =	sadd.s32 $0x80, s5;
	s17 =	sor.u32 s8, s7;
	s7 =	sshll.u32 s0, $0x7  }
0x22c: {  	v0 =	vld [tilespmem:s14+$0xA090];
	s0 =	sadd.s32 $0x11, s20;
	[smem:$0x7D5] =	sst s5;
	s5 =	sadd.s32 $0x80, s17  }
0x22d: {  	s7 =	sand.u32 $0x380, s7;
	s17 =	sshll.u32 s13, $0xA;
	p0 =	sge.s32 s0, s18  }
0x22e: {  	p2 =	sle.s32 s0, s4;
	s0 =	sadd.s32 $0x1D, s14;
	s14 =	sadd.s32 $0x1E, s14  }
0x22f: {  	[smem:$0x7D3] =	sst s5;
	s5 =	sor.u32 s7, s9;
	s7 =	sshll.u32 s13, $0x7  }
0x230: {  	s9 =	sshll.u32 s1, $0xA;
	s13 =	sshll.u32 s12, $0xA;
	s5 =	sadd.s32 $0x80, s5  }
0x231: {  	(v2sf) =	vpush v0, $0x0;
	s7 =	sand.u32 $0x380, s7;
	s8 =	sand.u32 $0xFFFFE000, s9;
	s9 =	sld [smem:$0x7AB]  }
0x232: {  	[smem:$0x7A8] =	sst s5;
	s5 =	sand.u32 $0xFFFFE000, s17;
	s17 =	sadd.s32 $0x12, s20  }
0x233: {  	(v2sf) =	vpush v0, $0x1;
	s5 =	sor.u32 s7, s5;
	s7 =	sshll.u32 s1, $0x7;
	p1 =	sge.s32 s17, s18  }
0x234: {  	p4 =	sle.s32 s17, s4;
	s1 =	sshll.u32 s0, $0xA;
	s17 =	sshll.u32 s14, $0xA  }
0x235: {  	(v2sf) =	vpush v0, $0x2;
	s7 =	sand.u32 $0x380, s7;
	s5 =	sadd.s32 $0x80, s5;
	p6 =	seq.s32 s9, $0x1  }
0x236: {  	s7 =	sor.u32 s7, s8;
	[smem:$0x7A9] =	sst s5;
	s5 =	sand.u32 $0xFFFFE000, s13  }
0x237: {  	s8 =	sand.u32 $0xFFFFE000, s1;
	s10 =	simm.s32 @!p6 $0x0;
	s13 =	sadd.s32 $0x13, s20  }
0x238: {  	s11 =	sadd.s32 $0x80, s7;
	s7 =	sshll.u32 s12, $0x7;
	s12 =	sld [smem:$0x7AC]  }
0x239: {  	s1 =	sadd.s32 $0x14, s20;
	[smem:$0x7AA] =	sst s11;
	s7 =	sand.u32 $0x380, s7  }
0x23a: {  	s11 =	spop (v2sf);
	s5 =	sor.u32 s7, s5;
	s7 =	sshll.u32 s0, $0x7  }
0x23b: {  	s11 =	simm.s32 @!p5 $0x0;
	s7 =	sand.u32 $0x380, s7;
	p5 =	seq.s32 s12, $0x1  }
0x23c: {  	s5 =	sadd.s32 $0x80, s5;
	s11 =	simm.s32 @!p5 $0x0;
	p5 =	sge.s32 s13, s18  }
0x23d: {  	s7 =	sor.u32 s7, s8;
	[smem:$0x7AD] =	sst s5;
	s0 =	simm.s32 @!p5 $0x0  }
0x23e: {  	s8 =	sld [smem:$0x7AE];
	s7 =	sadd.s32 $0x80, s7;
	s0 =	simm.s32 @p5 $0x1  }
0x23f: {  	[smem:$0x7CF] =	sst s7;
	s7 =	sshll.u32 s14, $0x7;
	p5 =	sle.s32 s13, s4  }
0x240: {  	s14 =	spop (v2sf);
	s13 =	sadd.s32 $0x80, s3;
	[smem:$0x7B0] =	sst s0  }
0x241: {  	s0 =	simm.s32 @!p5 $0x0;
	s7 =	sand.u32 $0x380, s7;
	s14 =	simm.s32 @!p3 $0x0  }
0x242: {  	p3 =	seq.s32 s8, $0x1;
	s12 =	spop (v2sf);
	[smem:$0x7CB] =	sst s13  }
0x243: {  	s0 =	simm.s32 @p5 $0x1;
	s14 =	simm.s32 @!p3 $0x0;
	p3 =	sge.s32 s1, s18  }
0x244: {  	s12 =	simm.s32 @!p2 $0x0;
	s2 =	spop (v2sf);
	[smem:$0x7AF] =	sst s0  }
0x245: {  	s0 =	sand.u32 $0xFFFFE000, s17;
	s12 =	simm.s32 @!p0 $0x0;
	s2 =	simm.s32 @!p4 $0x0  }
0x246: {  	s17 =	sadd.s32 $0x16, s20;
	s5 =	sor.u32 s7, s0;
	s0 =	simm.s32 @!p3 $0x0  }
0x247: {  	s2 =	simm.s32 @!p1 $0x0;
	s0 =	simm.s32 @p3 $0x1;
	p3 =	sle.s32 s1, s4  }
0x248: {  	p1 =	sge.s32 s17, s18;
	[smem:$0x7B2] =	sst s0;
	s0 =	simm.s32 @!p3 $0x0  }
0x249: {  	(v2sf) =	vpush v0, $0x3;
	p0 =	sle.s32 s17, s4;
	s1 =	sadd.s32 $0x18, s20;
	s0 =	simm.s32 @p3 $0x1  }
0x24a: {  	p6 =	sge.s32 s1, s18;
	[smem:$0x7B1] =	sst s0;
	s0 =	sadd.s32 $0x17, s20  }
0x24b: {  	p4 =	sge.s32 s0, s18;
	p3 =	sle.s32 s0, s4;
	s0 =	simm.s32 @!p6 $0x0  }
0x24c: {  	s13 =	sld [smem:$0x7AF];
	s0 =	simm.s32 @p6 $0x1;
	p6 =	sle.s32 s1, s4  }
0x24d: {  	(v2sf) =	vpush v0, $0x4;
	s7 =	sadd.s32 $0x19, s20;
	[smem:$0x7B4] =	sst s0;
	s0 =	simm.s32 @!p6 $0x0  }
0x24e: {  	s17 =	sadd.f32 s6, s10;
	s0 =	simm.s32 @p6 $0x1;
	p6 =	sge.s32 s7, s18  }
0x24f: {  	(v2sf) =	vpush v0, $0x5;
	s5 =	sadd.s32 $0x80, s5;
	[smem:$0x7B3] =	sst s0;
	s0 =	simm.s32 @!p6 $0x0  }
0x250: {  	[smem:$0x7CD] =	sst s5;
	s0 =	simm.s32 @p6 $0x1;
	p6 =	sle.s32 s7, s4  }
0x251: {  	(v2sf) =	vpush v0, $0x6;
	s8 =	sadd.s32 $0x1A, s20;
	[smem:$0x7B8] =	sst s0;
	s0 =	simm.s32 @!p6 $0x0  }
0x252: {  	v30 =	vmov s21;
	s0 =	simm.s32 @p6 $0x1;
	p6 =	sge.s32 s8, s18;
	s21 =	sld [smem:$0x7B8]  }
0x253: {  	[smem:$0x7B6] =	sst s0;
	s0 =	simm.s32 @!p6 $0x0  }
0x254: {  	s0 =	simm.s32 @p6 $0x1;
	p6 =	sle.s32 s8, s4;
	s8 =	sld [smem:$0x7B0]  }
0x255: {  	s9 =	sadd.s32 $0x15, s20;
	[smem:$0x7BB] =	sst s0;
	s0 =	simm.s32 @!p6 $0x0  }
0x256: {  	s0 =	simm.s32 @p6 $0x1;
	p6 =	seq.s32 s13, $0x1;
	s13 =	sadd.f32 s17, s11  }
0x257: {  	p5 =	sge.s32 s9, s18;
	p2 =	sle.s32 s9, s4;
	s17 =	sld [smem:$0x7B2]  }
0x258: {  	s9 =	sadd.s32 $0x1B, s20;
	s3 =	spop (v2sf);
	[smem:$0x7BA] =	sst s0  }
0x259: {  	s3 =	simm.s32 @!p6 $0x0;
	p6 =	sge.s32 s9, s18;
	s5 =	sadd.f32 s13, s14  }
0x25a: {  	v32 =	vmov s31;
	s0 =	simm.s32 @!p6 $0x0;
	s31 =	sld [smem:$0x7BA]  }
0x25b: {  	s0 =	simm.s32 @p6 $0x1;
	p6 =	sle.s32 s9, s4;
	s9 =	sld [smem:$0x7B1]  }
0x25c: {  	s1 =	sadd.s32 $0x1C, s20;
	s6 =	spop (v2sf);
	[smem:$0x7BF] =	sst s0  }
0x25d: {  	(v2sf) =	vpush v0, $0x7;
	s13 =	sadd.s32 $0x1E, s20;
	s0 =	simm.s32 @!p6 $0x0;
	s5 =	sadd.f32 s5, s12  }
0x25e: {  	s0 =	simm.s32 @p6 $0x1;
	p6 =	seq.s32 s8, $0x1;
	s8 =	spop (v2sf)  }
0x25f: {  	[smem:$0x7BD] =	sst s0;
	s3 =	simm.s32 @!p6 $0x0;
	p6 =	seq.s32 s9, $0x1  }
0x260: {  	s8 =	simm.s32 @!p2 $0x0;
	s9 =	spop (v2sf);
	s6 =	simm.s32 @!p6 $0x0  }
0x261: {  	(v2sf) =	vpush v0, $0x8;
	p6 =	sge.s32 s1, s18;
	s9 =	simm.s32 @!p0 $0x0;
	p0 =	sge.s32 s13, s18  }
0x262: {  	(v2sf) =	vpush v0, $0x9;
	s9 =	simm.s32 @!p1 $0x0;
	p1 =	sle.s32 s13, s4;
	s13 =	sadd.f32 s5, s2  }
0x263: {  	s8 =	simm.s32 @!p5 $0x0;
	s0 =	simm.s32 @!p6 $0x0;
	s5 =	sld [smem:$0x7DA]  }
0x264: {  	s0 =	simm.s32 @p6 $0x1;
	p6 =	sle.s32 s1, s4;
	s1 =	sadd.s32 $0x1D, s20  }
0x265: {  	s20 =	simm.s32 $0x0;
	[smem:$0x7C2] =	sst s0;
	s0 =	simm.s32 @!p6 $0x0  }
0x266: {  	p2 =	sge.s32 s1, s18;
	s18 =	sand.u32 $0x1C00, s20;
	s13 =	sadd.f32 s13, s3  }
0x267: {  	(v2sf) =	vpush v0, $0xA;
	s0 =	simm.s32 @p6 $0x1;
	p6 =	seq.s32 s17, $0x1;
	s17 =	sld [smem:$0x7DB]  }
0x268: {  	[smem:$0x7C1] =	sst s0;
	s6 =	simm.s32 @!p6 $0x0;
	s0 =	simm.s32 @!p2 $0x0  }
0x269: {  	s20 =	sand.u32 $0x70, s20;
	s0 =	simm.s32 @p2 $0x1;
	s13 =	sadd.f32 s13, s6  }
0x26a: {  	p2 =	sle.s32 s1, s4;
	[smem:$0x7C6] =	sst s0;
	s1 =	sadd.s32 s18, s17  }
0x26b: {  	s0 =	simm.s32 @!p2 $0x0;
	s17 =	sadd.s32 s20, s1;
	s13 =	sadd.f32 s13, s8  }
0x26c: {  	s7 =	spop (v2sf);
	s0 =	simm.s32 @p2 $0x1;
	v1 =	vld [tilespmem:s17+$0x0];
	s17 =	sld [smem:$0x7B3]  }
0x26d: {  	s7 =	simm.s32 @!p3 $0x0;
	[smem:$0x7C4] =	sst s0  }
0x26e: {  	(v2sf) =	vpush v0, $0xB;
	s7 =	simm.s32 @!p4 $0x0;
	s0 =	sld [smem:$0x7D9]  }
0x26f: {  	s5 =	sadd.s32 s18, s5;
	p2 =	seq.s32 s17, $0x1;
	s17 =	sld [smem:$0x7B4]  }
0x270: {  	s5 =	sadd.s32 s20, s5;
	s4 =	spop (v2sf);
	s1 =	sld [smem:$0x7B6]  }
0x271: {  	v2 =	vld [tilespmem:s5+$0x0];
	s5 =	spop (v2sf);
	s13 =	sadd.f32 s13, s9;
	s0 =	sadd.s32 s18, s0  }
0x272: {  	s4 =	simm.s32 @!p2 $0x0;
	s0 =	sadd.s32 s20, s0;
	p2 =	seq.s32 s17, $0x1  }
0x273: {  	s17 =	sld [smem:$0x7B5];
	s4 =	simm.s32 @!p2 $0x0;
	p2 =	seq.s32 s1, $0x1  }
0x274: {  	(v2sf) =	vpush v0, $0xC;
	s1 =	sld [smem:$0x7B7];
	s5 =	simm.s32 @!p2 $0x0;
	p2 =	seq.s32 s21, $0x1  }
0x275: {  	(v2sf) =	vpush v0, $0xD;
	s5 =	simm.s32 @!p2 $0x0;
	p2 =	seq.s32 s31, $0x1;
	s31 =	sld [smem:$0x7BB]  }
0x276: {  	(v2sf) =	vpush v0, $0xE;
	s13 =	sadd.f32 s13, s7;
	v0 =	vld [tilespmem:s0+$0x0];
	s0 =	spop (v2sf);
	s21 =	sadd.s32 s18, s17  }
0x277: {  	s17 =	sadd.s32 s20, s21;
	s21 =	sld [smem:$0x7B9];
	s0 =	simm.s32 @!p2 $0x0  }
0x278: {  	s1 =	sadd.s32 s18, s1;
	p2 =	seq.s32 s31, $0x1;
	s31 =	sld [smem:$0x7BD]  }
0x279: {  	v7 =	vmul.f32 v1, v30;
	v1 =	vld [tilespmem:s17+$0x0];
	s1 =	sadd.s32 s20, s1;
	s17 =	sld [smem:$0x7BC]  }
0x27a: {  	v3 =	vld [tilespmem:s1+$0x0];
	s1 =	sadd.f32 s13, s4  }
0x27b: {  	s0 =	simm.s32 @!p2 $0x0;
	p2 =	seq.s32 s31, $0x1;
	s31 =	sld [smem:$0x7BF]  }
0x27c: {  	s13 =	sadd.s32 s18, s21;
	s21 =	sld [smem:$0x7BE]  }
0x27d: {  	v31 =	vmov s30;
	s30 =	spop (v2sf);
	s1 =	sadd.f32 s1, s5  }
0x27e: {  	s30 =	simm.s32 @!p2 $0x0;
	p2 =	seq.s32 s31, $0x1;
	s31 =	sld [smem:$0x7C1]  }
0x27f: {  	v29 =	vmov s29;
	s29 =	sadd.s32 s18, s17;
	s17 =	sld [smem:$0x7C0]  }
0x280: {  	v48 =	vmul.f32 v2, v32;
	v2 =	vadd.f32 $0.0e+00, v7;
	s13 =	sadd.s32 s20, s13;
	s1 =	sadd.f32 s1, s0  }
0x281: {  	s30 =	simm.s32 @!p2 $0x0;
	p2 =	seq.s32 s31, $0x1;
	s31 =	sld [smem:$0x7C2]  }
0x282: {  	v28 =	vmov s28;
	v49 =	vmul.f32 v0, v31;
	v0 =	vadd.f32 v48, v2;
	v2 =	vld [tilespmem:s13+$0x0];
	s13 =	sadd.s32 s20, s29;
	s28 =	sadd.s32 s18, s21;
	s21 =	sld [smem:$0x7C3]  }
0x283: {  	v34 =	vmul.f32 v1, v29;
	v1 =	vld [tilespmem:s13+$0x0];
	s13 =	sadd.s32 s20, s28;
	s28 =	sadd.s32 s18, s17;
	s17 =	sld [smem:$0x7C8]  }
0x284: {  	v0 =	vadd.f32 v49, v0;
	p3 =	seq.s32 s31, $0x1;
	s31 =	sld [smem:$0x7C4]  }
0x285: {  	v22 =	vmov s23;
	s23 =	simm.s32 $0x0;
	v36 =	vmul.f32 v3, v28;
	v3 =	vld [tilespmem:s13+$0x0];
	s13 =	sadd.s32 s20, s28;
	s28 =	sld [smem:$0x7C5]  }
0x286: {  	v16 =	vmov s11;
	s11 =	sand.u32 $0x3F0, s23;
	s29 =	spop (v2sf);
	v0 =	vadd.f32 v34, v0;
	s1 =	sadd.f32 s1, s30  }
0x287: {  	v27 =	vmov s26;
	s29 =	simm.s32 @!p2 $0x0;
	p2 =	seq.s32 s31, $0x1;
	s31 =	sld [smem:$0x7C6]  }
0x288: {  	v26 =	vmov s25;
	s25 =	sadd.s32 s18, s21;
	s21 =	sld [smem:$0x7C7];
	v37 =	vmul.f32 v2, v27;
	v0 =	vadd.f32 v36, v0;
	s29 =	simm.s32 @!p3 $0x0  }
0x289: {  	s26 =	spop (v2sf);
	v2 =	vld [tilespmem:s13+$0x0];
	s13 =	sadd.s32 s20, s25;
	s1 =	sadd.f32 s1, s29  }
0x28a: {  	v38 =	vmul.f32 v1, v26;
	v0 =	vadd.f32 v37, v0;
	s26 =	simm.s32 @!p2 $0x0;
	p2 =	seq.s32 s31, $0x1;
	s31 =	sld [smem:$0x7C9]  }
0x28b: {  	v25 =	vmov s24;
	s25 =	spop (v2sf);
	v1 =	vld [tilespmem:s13+$0x0];
	s28 =	sadd.s32 s18, s28;
	s26 =	simm.s32 @!p2 $0x0  }
0x28c: {  	s25 =	simm.s32 @!p1 $0x0;
	s13 =	sadd.s32 s20, s28;
	v39 =	vmul.f32 v3, v25;
	v0 =	vadd.f32 v38, v0;
	s1 =	sadd.f32 s1, s26  }
0x28d: {  	s25 =	simm.s32 @!p0 $0x0;
	s28 =	sadd.s32 s18, s21;
	v3 =	vld [tilespmem:s13+$0x0];
	v24 =	vmov s31;
	s31 =	sld [smem:$0x7CA]  }
0x28e: {  	v47 =	vld [tilespmem:s11+$0xA900];
	s17 =	sadd.s32 s18, s17;
	v0 =	vadd.f32 v39, v0;
	s13 =	sadd.f32 s1, s25;
	v40 =	vmul.f32 v2, v24;
	s1 =	sadd.s32 s20, s28  }
0x28f: {  	v23 =	vmov s22;
	v21 =	vmov s19;
	s24 =	sld [smem:$0x7CE];
	s17 =	sadd.s32 s20, s17;
	v2 =	vld [tilespmem:s1+$0x0]  }
0x290: {  	v20 =	vmov s15;
	s19 =	sld [smem:$0x7CC];
	v41 =	vmul.f32 v1, v23;
	v1 =	vld [tilespmem:s17+$0x0];
	v0 =	vadd.f32 v40, v0  }
0x291: {  	v19 =	vmov s16;
	v17 =	vmov s10;
	v15 =	vmov s14;
	v52 =	vld [tilespmem:s11+$0xA500];
	s11 =	sld [smem:$0x7D0];
	s22 =	sadd.s32 s18, s31  }
0x292: {  	s15 =	sld [smem:$0x7CB];
	v14 =	vmov s12;
	s14 =	sadd.s32 s18, s24;
	v42 =	vmul.f32 v3, v22;
	s1 =	sadd.s32 s20, s22;
	v0 =	vadd.f32 v41, v0  }
0x293: {  	s16 =	sld [smem:$0x7D2];
	v13 =	vmov s2;
	v63 =	vshrl.u32 v47, $0x10;
	v5 =	vmov s4;
	s4 =	sadd.s32 s20, s14;
	s28 =	sadd.s32 s18, s19;
	v18 =	vld [tilespmem:s1+$0x0]  }
0x294: {  	s10 =	sld [smem:$0x7CD];
	v12 =	vmov s3;
	v46 =	vld [tilespmem:s4+$0x0];
	s17 =	sadd.s32 s18, s11;
	s2 =	sadd.s32 s20, s28;
	v43 =	vmul.f32 v2, v21;
	v0 =	vadd.f32 v42, v0  }
0x295: {  	s23 =	sld [smem:$0x7D4];
	v4 =	vmov s0;
	s0 =	sadd.s32 s20, s17;
	v35 =	vmul.f32 v1, v20;
	v1 =	vmov s26;
	s26 =	sadd.s32 s18, s15;
	v60 =	vld [tilespmem:s2+$0x0]  }
0x296: {  	v8 =	vmov s7;
	s3 =	sld [smem:$0x7D5];
	v51 =	vld [tilespmem:s0+$0x0];
	s7 =	sadd.s32 s20, s26;
	v2 =	vmov s13;
	v0 =	vadd.f32 v43, v0  }
0x297: {  	v9 =	vmov s9;
	s9 =	sld [smem:$0x7DB];
	v3 =	vmov s30;
	s30 =	sadd.s32 s18, s10;
	s19 =	simm.s32 $0xA100;
	v33 =	vld [tilespmem:s7+$0x0];
	(erf) = vrcp.f32 v2  }
0x298: {  	v53 =	vand.u32 $0x1, v63;
	s24 =	sadd.s32 s18, s16;
	s4 =	sld [smem:$0x7D7];
	s7 =	sadd.s32 s20, s30;
	v54 =	vld [tilespmem:s19+$0x0];
	v44 =	vmul.f32 v18, v19;
	v61 =	vadd.f32 v35, v0  }
0x299: {  	v10 =	vmov s8;
	v7 =	vmax.f32 v7, $0.0e+00;
	v6 =	vmov s5;
	s5 =	sadd.s32 s20, s24;
	v55 =	vld [tilespmem:s7+$0x0];
	s7 =	sld [smem:$0x7DA]  }
0x29a: {  	v58 =	vld [tilespmem:s5+$0x0];
	v45 =	vmul.f32 v60, v17;
	v0 =	vmov s25;
	s25 =	sld [smem:$0x7D6];
	v62 =	vadd.f32 v44, v61  }
0x29b: {  	v53 =	vadd.s32 v53, v47;
	v11 =	vmov s6;
	v63 =	vmax.f32 v7, v48;
	s28 =	sadd.s32 s18, s23;
	s31 =	sld [smem:$0x7CF]  }
0x29c: {  	v46 =	vmul.f32 v46, v16;
	s21 =	simm.s32 $0x10;
	s5 =	sadd.s32 s20, s28;
	v2 =	vmov s29;
	s29 =	sld [smem:$0x7D8];
	v62 =	vadd.f32 v45, v62  }
0x29d: {  	v57 =	vmax.f32 v63, v49;
	s0 =	simm.s32 $0x80;
	v47 =	vmul.f32 v51, v15;
	s22 =	sld [smem:$0x7D3];
	v50 =	vld [tilespmem:s5+$0x0];
	v60 =	vshrl.u32 v54, $0x10;
	s6 =	sadd.s32 s18, s25  }
0x29e: {  	s2 =	sld [smem:$0x7D1];
	s1 =	sadd.s32 s18, s31;
	v59 =	vand.u32 $0x1, v60;
	v61 =	vshrl.u32 v52, $0x10;
	s6 =	sadd.s32 s20, s6;
	v60 =	vadd.f32 v46, v62  }
0x29f: {  	v49 =	vmul.f32 v58, v14;
	s5 =	sld [smem:$0x7D9];
	s1 =	sadd.s32 s20, s1;
	v18 =	vimm.f32 $0.0e+00;
	s31 =	sadd.s32 s18, s29;
	v56 =	vand.u32 $0x1, v61;
	v51 =	vld [tilespmem:s6+$0x0]  }
0x2a0: {  	v48 =	vld [tilespmem:s1+$0x0];
	s1 =	simm.s32 $0x20;
	v54 =	vadd.s32 v59, v54;
	s10 =	sadd.s32 s20, s31;
	v56 =	vadd.s32 v56, v52;
	s6 =	sadd.s32 s18, s22;
	v7 =	vpop (erf);
	v52 =	vadd.f32 v47, v60  }
.LBB2_4:
0x2a1: {  	p0 =	sne.s32 s1, $0x3F0;
	v34 =	vmax.f32 v57, v34;
	v57 =	vld [tilespmem:s10+$0x0];
	s8 =	sadd.s32 s18, s4;
	s6 =	sadd.s32 s20, s6;
	v56 =	vadd.s32 $0x7FFF, v56;
	v53 =	vadd.s32 $0x7FFF, v53  }
0x2a2: {  	s4 =	sand.u32 $0x1C00, s0;
	s10 =	sadd.s32 s18, s3;
	v34 =	vmax.f32 v34, v36;
	v36 =	vadd.f32 v49, v52;
	v58 =	vmul.f32 v50, v13;
	s8 =	sadd.s32 s20, s8;
	v52 =	vld [tilespmem:s6+$0x0]  }
0x2a3: {  	s3 =	sand.u32 $0x70, s21;
	v54 =	vadd.s32 $0x7FFF, v54;
	s6 =	sadd.s32 s4, s9;
	v50 =	vand.u32 $0xFFFF0000, v53;
	v34 =	vmax.f32 v34, v37;
	v37 =	vld [tilespmem:s8+$0x0];
	s8 =	sadd.s32 s20, s10  }
0x2a4: {  	s7 =	sadd.s32 s4, s7;
	s6 =	sadd.s32 s3, s6;
	v34 =	vmax.f32 v34, v38;
	v36 =	vadd.f32 v58, v36;
	v38 =	vmul.f32 v51, v12;
	v51 =	vld [tilespmem:s8+$0x0];
	s8 =	sld [smem:$0x7A8]  }
0x2a5: {  	s2 =	sadd.s32 s18, s2;
	v54 =	vand.u32 $0xFFFF0000, v54;
	v53 =	vand.u32 $0xFFFF0000, v56;
	v59 =	vld [tilespmem:s6+$0x0];
	s6 =	sadd.s32 s3, s7;
	s7 =	sld [smem:$0x7B5];
	v34 =	vmax.f32 v34, v39  }
0x2a6: {  	s5 =	sadd.s32 s4, s5;
	s2 =	sadd.s32 s20, s2;
	v39 =	vld [tilespmem:s6+$0x0];
	v34 =	vmax.f32 v34, v40;
	v36 =	vadd.f32 v38, v36;
	v40 =	vmul.f32 v57, v11;
	s6 =	sld [smem:$0x7A9]  }
0x2a7: {  	v56 =	vshrl.u32 v33, $0x10;
	s5 =	sadd.s32 s3, s5;
	v55 =	vmul.f32 v55, v0;
	s9 =	sld [smem:$0x7B7];
	v34 =	vmax.f32 v34, v41;
	v41 =	vld [tilespmem:s2+$0x0];
	s2 =	sadd.s32 s18, s8  }
0x2a8: {  	v57 =	vld [tilespmem:s5+$0x0];
	s5 =	sadd.s32 s4, s7;
	v34 =	vmax.f32 v34, v42;
	v36 =	vadd.f32 v40, v36;
	v42 =	vmul.f32 v37, v10;
	s2 =	sadd.s32 s20, s2;
	s7 =	sld [smem:$0x7AA]  }
0x2a9: {  	v60 =	vmul.f32 v48, v1;
	s5 =	sadd.s32 s3, s5;
	s8 =	sld [smem:$0x7B9];
	v34 =	vmax.f32 v34, v43;
	v43 =	vmul.f32 v51, v9;
	v37 =	vld [tilespmem:s2+$0x0];
	s2 =	sadd.s32 s18, s6  }
0x2aa: {  	v48 =	vmul.f32 v59, v30;
	v59 =	vld [tilespmem:s5+$0x0];
	s5 =	sadd.s32 s4, s9;
	v34 =	vmax.f32 v34, v35;
	v35 =	vadd.f32 v42, v36;
	s2 =	sadd.s32 s20, s2;
	s6 =	sld [smem:$0x7AD]  }
0x2ab: {  	v51 =	vmul.f32 v39, v32;
	s5 =	sadd.s32 s3, s5;
	s9 =	sld [smem:$0x7BC];
	v34 =	vmax.f32 v34, v44;
	v39 =	vmul.f32 v52, v8;
	v44 =	vld [tilespmem:s2+$0x0];
	s2 =	sadd.s32 s18, s7  }
0x2ac: {  	v36 =	vadd.f32 $0.0e+00, v48;
	v61 =	vld [tilespmem:s5+$0x0];
	s5 =	sadd.s32 s4, s8;
	s7 =	sld [smem:$0x7C8];
	v34 =	vmax.f32 v34, v45;
	v35 =	vadd.f32 v43, v35;
	s2 =	sadd.s32 s20, s2  }
0x2ad: {  	v41 =	vmul.f32 v41, v5;
	v52 =	vmul.f32 v57, v31;
	s5 =	sadd.s32 s3, s5;
	s8 =	sld [smem:$0x7BE];
	v34 =	vmax.f32 v34, v46;
	v45 =	vld [tilespmem:s2+$0x0];
	s2 =	sadd.s32 s18, s6  }
0x2ae: {  	s18 =	smov.u32 s4;
	v36 =	vadd.f32 v51, v36;
	v46 =	vld [tilespmem:s5+$0x0];
	s5 =	sadd.s32 s4, s9;
	v47 =	vmax.f32 v34, v47;
	v35 =	vadd.f32 v39, v35;
	s2 =	sadd.s32 s20, s2  }
0x2af: {  	v34 =	vmul.f32 v59, v29;
	s4 =	sadd.s32 s3, s5;
	s5 =	sld [smem:$0x7C0];
	s6 =	sadd.s32 s18, s7;
	v47 =	vmax.f32 v47, v49;
	v49 =	vmul.f32 v37, v6;
	v57 =	vld [tilespmem:s2+$0x0]  }
0x2b0: {  	s20 =	smov.u32 s3;
	v37 =	vadd.f32 v52, v36;
	v59 =	vld [tilespmem:s4+$0x0];
	s2 =	sadd.s32 s18, s8;
	s4 =	sadd.s32 s3, s6;
	v47 =	vmax.f32 v47, v58;
	v35 =	vadd.f32 v41, v35  }
0x2b1: {  	v44 =	vmul.f32 v44, v4;
	v36 =	vmul.f32 v61, v28;
	s2 =	sadd.s32 s20, s2;
	s3 =	sld [smem:$0x7C3];
	v58 =	vld [tilespmem:s4+$0x0];
	v38 =	vmax.f32 v47, v38  }
0x2b2: {  	v47 =	vadd.f32 v34, v37;
	v61 =	vld [tilespmem:s2+$0x0];
	s2 =	sadd.s32 s18, s5;
	v38 =	vmax.f32 v38, v40;
	v35 =	vadd.f32 v49, v35  }
0x2b3: {  	v37 =	vmul.f32 v46, v27;
	s2 =	sadd.s32 s20, s2;
	s4 =	sld [smem:$0x7C5];
	v38 =	vmax.f32 v38, v42;
	v42 =	vmul.f32 v45, v3  }
0x2b4: {  	v40 =	vadd.f32 v36, v47;
	v45 =	vld [tilespmem:s2+$0x0];
	s2 =	sadd.s32 s18, s3;
	v43 =	vmax.f32 v38, v43;
	v35 =	vadd.f32 v44, v35  }
0x2b5: {  	v38 =	vmul.f32 v59, v26;
	s2 =	sadd.s32 s20, s2;
	s3 =	sld [smem:$0x7C7];
	v39 =	vmax.f32 v43, v39;
	v43 =	vmul.f32 v57, v2  }
0x2b6: {  	v40 =	vadd.f32 v37, v40;
	v46 =	vld [tilespmem:s2+$0x0];
	s2 =	sadd.s32 s18, s4;
	v41 =	vmax.f32 v39, v41;
	v47 =	vadd.f32 v42, v35  }
0x2b7: {  	v35 =	vmul.f32 v58, v20;
	v39 =	vmul.f32 v61, v25;
	s2 =	sadd.s32 s20, s2;
	v41 =	vmax.f32 v41, v49  }
0x2b8: {  	v49 =	vadd.f32 v38, v40;
	v57 =	vld [tilespmem:s2+$0x0];
	s2 =	sadd.s32 s18, s3;
	v41 =	vmax.f32 v41, v44;
	v44 =	vadd.f32 v43, v47  }
0x2b9: {  	v40 =	vmul.f32 v45, v24;
	s2 =	sadd.s32 s20, s2;
	v41 =	vmax.f32 v41, v42;
	v42 =	vand.u32 $0x1, v56  }
0x2ba: {  	v45 =	vadd.f32 v39, v49;
	v47 =	vld [tilespmem:s2+$0x0];
	s2 =	sld [smem:$0x7CA];
	v43 =	vmax.f32 v41, v43;
	v44 =	vadd.f32 v60, v44  }
0x2bb: {  	v33 =	vadd.s32 v42, v33;
	v41 =	vmul.f32 v46, v23;
	s4 =	sld [smem:$0x7CB];
	v43 =	vmax.f32 v43, v60  }
0x2bc: {  	v45 =	vadd.f32 v40, v45;
	s3 =	sld [smem:$0x7CC];
	v43 =	vmax.f32 v43, v55;
	v44 =	vadd.f32 v55, v44  }
0x2bd: {  	s7 =	sand.u32 $0x3F0, s21;
	v33 =	vadd.s32 $0x7FFF, v33;
	v42 =	vmul.f32 v57, v22;
	s2 =	sadd.s32 s18, s2;
	s5 =	sld [smem:$0x7CD];
	v46 =	vmax.f32 v43, $0.0e+00  }
0x2be: {  	s21 =	smov.u32 s1;
	v45 =	vadd.f32 v41, v45;
	s2 =	sadd.s32 s20, s2;
	s8 =	sld [smem:$0x7CE];
	v49 =	vld [tilespmem:s7+$0xA900];
	v55 =	vshrl.u32 v46, $0x10;
	v44 =	vmul.f32 v44, v7  }
0x2bf: {  	v33 =	vand.u32 $0xFFFF0000, v33;
	v43 =	vmul.f32 v47, v21;
	v47 =	vld [tilespmem:s2+$0x0];
	s2 =	sadd.s32 s18, s3;
	s6 =	sld [smem:$0x7CF];
	v55 =	vand.u32 $0x1, v55  }
0x2c0: {  	v45 =	vadd.f32 v42, v45;
	s2 =	sadd.s32 s20, s2;
	s3 =	sld [smem:$0x7D0];
	v56 =	vld [tilespmem:s7+$0xA500];
	v46 =	vadd.s32 v55, v46;
	v55 =	vshrl.u32 v44, $0x10  }
0x2c1: {  	s19 =	sadd.s32 $0x10, s19;
	v33 =	vmul.f32 v54, v33;
	v57 =	vld [tilespmem:s2+$0x0];
	s7 =	sadd.s32 s18, s8;
	s2 =	sld [smem:$0x7D1];
	v46 =	vadd.s32 $0x7FFF, v46;
	v54 =	vand.u32 $0x1, v55  }
0x2c2: {  	v45 =	vadd.f32 v43, v45;
	s7 =	sadd.s32 s20, s7;
	s9 =	sld [smem:$0x7D2];
	v58 =	vld [tilespmem:s19+$0x0];
	v46 =	vand.u32 $0xFFFF0000, v46;
	v44 =	vadd.s32 v54, v44  }
0x2c3: {  	v18 =	vadd.f32 v33, v18;
	v54 =	vld [tilespmem:s7+$0x0];
	s3 =	sadd.s32 s18, s3;
	s8 =	sld [smem:$0x7D3];
	v33 =	vmul.f32 v46, v53;
	v46 =	vadd.s32 $0x7FFF, v44  }
0x2c4: {  	s0 =	sadd.s32 $0x80, s0;
	v45 =	vadd.f32 v35, v45;
	v44 =	vmul.f32 v47, v19;
	s3 =	sadd.s32 s20, s3;
	s7 =	sld [smem:$0x7D4];
	v46 =	vand.u32 $0xFFFF0000, v46  }
0x2c5: {  	s11 =	sadd.s32 s18, s4;
	v47 =	vld [tilespmem:s3+$0x0];
	s9 =	sadd.s32 s18, s9;
	s3 =	sld [smem:$0x7D5];
	v18 =	vadd.f32 v33, v18;
	v33 =	vmul.f32 v50, v46  }
0x2c6: {  	s12 =	sadd.s32 s18, s5;
	v50 =	vshrl.u32 v49, $0x10;
	v46 =	vadd.f32 v44, v45;
	v45 =	vmul.f32 v57, v17;
	s9 =	sadd.s32 s20, s9;
	s10 =	sld [smem:$0x7D6]  }
0x2c7: {  	v55 =	vshrl.u32 v56, $0x10;
	v59 =	vld [tilespmem:s9+$0x0];
	s7 =	sadd.s32 s18, s7;
	s4 =	sld [smem:$0x7D7];
	s9 =	sadd.s32 s20, s11;
	v53 =	vshrl.u32 v58, $0x10;
	v18 =	vadd.f32 v18, v33  }
.Ltmp1:
0x2c8: {  	v57 =	vadd.f32 v45, v46;
	v46 =	vmul.f32 v54, v16;
	s7 =	sadd.s32 s20, s7;
	s11 =	sld [smem:$0x7D8];
	v33 =	vld [tilespmem:s9+$0x0];
	v54 =	vand.u32 $0x1, v50;
	(pc) =	sbr.rel @p0 .LBB2_4-.Ltmp1, $4  }
0x2c9: {  	v61 =	vand.u32 $0x1, v55;
	v60 =	vand.u32 $0x1, v53;
	s5 =	sld [smem:$0x7D9];
	v50 =	vld [tilespmem:s7+$0x0];
	s9 =	sadd.s32 s18, s10;
	s10 =	sadd.s32 s20, s12;
	v53 =	vadd.s32 v54, v49  }
0x2ca: {  	v48 =	vmax.f32 v48, $0.0e+00;
	s6 =	sadd.s32 s18, s6;
	s7 =	sld [smem:$0x7DA];
	v49 =	vadd.f32 v46, v57;
	v47 =	vmul.f32 v47, v15;
	s12 =	sadd.s32 s20, s9;
	v55 =	vld [tilespmem:s10+$0x0]  }
0x2cb: {  	v48 =	vmax.f32 v48, v51;
	v56 =	vadd.s32 v61, v56;
	v54 =	vadd.s32 v60, v58;
	s9 =	sld [smem:$0x7DB];
	v51 =	vld [tilespmem:s12+$0x0];
	s10 =	sadd.s32 s18, s11;
	s11 =	sadd.s32 s20, s6  }
0x2cc: {  	s1 =	sadd.s32 $0x10, s1;
	v57 =	vmax.f32 v48, v52;
	s6 =	sadd.s32 s18, s8;
	v52 =	vadd.f32 v47, v49;
	v49 =	vmul.f32 v59, v14;
	s10 =	sadd.s32 s20, s10;
	v48 =	vld [tilespmem:s11+$0x0]  }
0x2cd: {  	s1 =	sand.u32 $0x1C00, s0  }
0x2ce: {  	s0 =	sand.u32 $0x70, s21;
	s8 =	sadd.s32 s1, s9  }
0x2cf: {  	s8 =	sadd.s32 s0, s8  }
0x2d0: {  	s7 =	sadd.s32 s1, s7;
	v58 =	vld [tilespmem:s8+$0x0]  }
0x2d1: {  	s28 =	sld [smem:$0x7B5];
	s7 =	sadd.s32 s0, s7  }
0x2d2: {  	s5 =	sadd.s32 s1, s5;
	v59 =	vld [tilespmem:s7+$0x0]  }
0x2d3: {  	s29 =	sld [smem:$0x7B7];
	s5 =	sadd.s32 s0, s5  }
0x2d4: {  	v57 =	vmax.f32 v57, v34;
	v60 =	vld [tilespmem:s5+$0x0];
	s30 =	sadd.s32 s1, s28  }
0x2d5: {  	s31 =	sld [smem:$0x7B9];
	v62 =	vadd.s32 $0x7FFF, v53;
	v53 =	vld [tilespmem:s10+$0x0];
	v36 =	vmax.f32 v57, v36;
	s5 =	sadd.s32 s0, s30;
	v34 =	vmul.f32 v58, v30  }
0x2d6: {  	s10 =	sld [smem:$0x7BC];
	v52 =	vadd.f32 v49, v52;
	v50 =	vmul.f32 v50, v13;
	v36 =	vmax.f32 v36, v37;
	s9 =	sadd.s32 s1, s29;
	v58 =	vld [tilespmem:s5+$0x0]  }
0x2d7: {  	v38 =	vmax.f32 v36, v38;
	v32 =	vmul.f32 v59, v32;
	s5 =	sadd.s32 s0, s9;
	v63 =	vadd.f32 $0.0e+00, v34  }
0x2d8: {  	s11 =	sadd.s32 s1, s31;
	v52 =	vadd.f32 v50, v52;
	v51 =	vmul.f32 v51, v12;
	v30 =	vand.u32 $0xFFFF0000, v62;
	v62 =	vld [tilespmem:s5+$0x0]  }
0x2d9: {  	s12 =	sld [smem:$0x7BE];
	s13 =	sadd.s32 s1, s10;
	v38 =	vmax.f32 v38, v39;
	v36 =	vmul.f32 v60, v31;
	s5 =	sadd.s32 s0, s11;
	v57 =	vadd.f32 v32, v63  }
0x2da: {  	v56 =	vadd.s32 $0x7FFF, v56;
	s4 =	sadd.s32 s18, s4;
	s14 =	sadd.s32 s0, s13;
	v38 =	vmax.f32 v38, v40;
	v63 =	vld [tilespmem:s5+$0x0]  }
0x2db: {  	s3 =	sadd.s32 s18, s3;
	s15 =	sld [smem:$0x7C0];
	s4 =	sadd.s32 s20, s4;
	v40 =	vadd.f32 v51, v52;
	v52 =	vld [tilespmem:s14+$0x0];
	v37 =	vmul.f32 v58, v29;
	v57 =	vadd.f32 v36, v57  }
0x2dc: {  	v61 =	vadd.s32 $0x7FFF, v54;
	s3 =	sadd.s32 s20, s3;
	s16 =	sadd.s32 s1, s12;
	v53 =	vmul.f32 v53, v11;
	v41 =	vmax.f32 v38, v41;
	v59 =	vld [tilespmem:s4+$0x0]  }
0x2dd: {  	s22 =	sld [smem:$0x7C3];
	s17 =	sadd.s32 s0, s16;
	v31 =	vand.u32 $0xFFFF0000, v61;
	v60 =	vld [tilespmem:s3+$0x0];
	v28 =	vmul.f32 v62, v28;
	v61 =	vadd.f32 v37, v57  }
0x2de: {  	s6 =	sadd.s32 s20, s6;
	s23 =	sld [smem:$0x7A8];
	s24 =	sadd.s32 s1, s15;
	v38 =	vmul.f32 v55, v0;
	v55 =	vshrl.u32 v33, $0x10;
	v41 =	vmax.f32 v41, v42;
	v57 =	vld [tilespmem:s17+$0x0]  }
0x2df: {  	s2 =	sadd.s32 s18, s2;
	s25 =	sld [smem:$0x7C5];
	s3 =	sadd.s32 s0, s24;
	v41 =	vmax.f32 v41, v43;
	v62 =	vld [tilespmem:s6+$0x0];
	v27 =	vmul.f32 v63, v27;
	v63 =	vadd.f32 v28, v61  }
0x2e0: {  	s2 =	sadd.s32 s20, s2;
	s28 =	sadd.s32 s1, s22;
	s10 =	sld [smem:$0x7C8];
	v40 =	vadd.f32 v53, v40;
	v43 =	vld [tilespmem:s3+$0x0];
	v35 =	vmax.f32 v41, v35;
	v26 =	vmul.f32 v52, v26  }
0x2e1: {  	v54 =	vld [tilespmem:s2+$0x0];
	s30 =	sld [smem:$0x7C7];
	s3 =	sadd.s32 s0, s28;
	v35 =	vmax.f32 v35, v44;
	v52 =	vmul.f32 v48, v1;
	v39 =	vadd.f32 v27, v63  }
0x2e2: {  	s26 =	sld [smem:$0x7A9];
	s8 =	sadd.s32 s1, s25;
	v34 =	vmax.f32 v34, $0.0e+00;
	v35 =	vmax.f32 v35, v45;
	v41 =	vmul.f32 v60, v9;
	v60 =	vld [tilespmem:s3+$0x0]  }
0x2e3: {  	s31 =	sld [smem:$0x7AA];
	v35 =	vmax.f32 v35, v46;
	s5 =	sadd.s32 s1, s10;
	s3 =	sadd.s32 s0, s8;
	v25 =	vmul.f32 v57, v25;
	v39 =	vadd.f32 v26, v39  }
0x2e4: {  	s14 =	sld [smem:$0x7CA];
	s12 =	sadd.s32 s1, s30;
	v32 =	vmax.f32 v34, v32;
	v42 =	vmul.f32 v59, v10;
	s16 =	sadd.s32 s0, s5;
	v45 =	vmul.f32 v62, v8;
	v62 =	vld [tilespmem:s3+$0x0]  }
0x2e5: {  	s29 =	sadd.s32 s18, s23;
	s11 =	sld [smem:$0x7AD];
	v35 =	vmax.f32 v35, v47;
	v24 =	vmul.f32 v43, v24;
	v59 =	vld [tilespmem:s16+$0x0];
	s3 =	sadd.s32 s0, s12;
	v39 =	vadd.f32 v25, v39  }
0x2e6: {  	s2 =	sadd.s32 s20, s29;
	s9 =	sadd.s32 s18, s26;
	v29 =	vand.u32 $0xFFFF0000, v56;
	v43 =	vmul.f32 v54, v5;
	v35 =	vmax.f32 v35, v49;
	v54 =	vld [tilespmem:s3+$0x0]  }
0x2e7: {  	s13 =	sadd.s32 s18, s31;
	v35 =	vmax.f32 v35, v50;
	s17 =	sld [smem:$0x7CC];
	v61 =	vld [tilespmem:s2+$0x0];
	s2 =	sadd.s32 s20, s9;
	v23 =	vmul.f32 v60, v23;
	v39 =	vadd.f32 v24, v39  }
0x2e8: {  	s15 =	sadd.s32 s18, s11;
	s18 =	sadd.s32 s1, s14;
	v32 =	vmax.f32 v32, v36;
	v40 =	vadd.f32 v42, v40;
	v35 =	vmax.f32 v35, v51;
	v63 =	vld [tilespmem:s2+$0x0];
	s2 =	sadd.s32 s20, s13  }
0x2e9: {  	s22 =	sld [smem:$0x7CE];
	v35 =	vmax.f32 v35, v53;
	v57 =	vld [tilespmem:s2+$0x0];
	s2 =	sadd.s32 s20, s15;
	s20 =	sadd.s32 s0, s18;
	v22 =	vmul.f32 v62, v22;
	v39 =	vadd.f32 v23, v39  }
0x2ea: {  	v32 =	vmax.f32 v32, v37;
	v40 =	vadd.f32 v41, v40;
	v35 =	vmax.f32 v35, v42;
	s23 =	sadd.s32 s1, s17;
	v62 =	vld [tilespmem:s20+$0x0]  }
0x2eb: {  	s24 =	sld [smem:$0x7D0];
	v28 =	vmax.f32 v32, v28;
	v60 =	vld [tilespmem:s2+$0x0];
	s2 =	sadd.s32 s0, s23;
	v21 =	vmul.f32 v54, v21;
	v39 =	vadd.f32 v22, v39  }
0x2ec: {  	s25 =	sadd.s32 s1, s22;
	s10 =	sld [smem:$0x7D5];
	v35 =	vmax.f32 v35, v41;
	v20 =	vmul.f32 v59, v20;
	v40 =	vadd.f32 v45, v40;
	v49 =	vld [tilespmem:s2+$0x0]  }
0x2ed: {  	s26 =	sld [smem:$0x7D2];
	v27 =	vmax.f32 v28, v27;
	v35 =	vmax.f32 v35, v45;
	s2 =	sadd.s32 s0, s25;
	v39 =	vadd.f32 v21, v39  }
0x2ee: {  	s28 =	sadd.s32 s1, s24;
	v35 =	vmax.f32 v35, v43;
	v58 =	vmul.f32 v61, v6;
	v40 =	vadd.f32 v43, v40;
	v51 =	vld [tilespmem:s2+$0x0]  }
0x2ef: {  	s29 =	sld [smem:$0x7D4];
	s4 =	sadd.s32 s1, s10;
	v26 =	vmax.f32 v27, v26;
	s2 =	sadd.s32 s0, s28;
	v19 =	vmul.f32 v62, v19;
	v39 =	vadd.f32 v20, v39  }
0x2f0: {  	s30 =	sadd.s32 s1, s26;
	s4 =	sadd.s32 s0, s4;
	v25 =	vmax.f32 v26, v25;
	v61 =	vmul.f32 v63, v4;
	v40 =	vadd.f32 v58, v40;
	v53 =	vld [tilespmem:s2+$0x0]  }
0x2f1: {  	s31 =	sld [smem:$0x7D6];
	v42 =	vld [tilespmem:s4+$0x0];
	v35 =	vmax.f32 v35, v58;
	s2 =	sadd.s32 s0, s30;
	v17 =	vmul.f32 v49, v17;
	v39 =	vadd.f32 v19, v39  }
0x2f2: {  	s5 =	sadd.s32 s1, s29;
	v54 =	vand.u32 $0x1, v55;
	v63 =	vmul.f32 v57, v3;
	v55 =	vld [tilespmem:s2+$0x0];
	v40 =	vadd.f32 v61, v40  }
0x2f3: {  	s6 =	sld [smem:$0x7D8];
	s2 =	sadd.s32 s0, s5;
	v35 =	vmax.f32 v35, v61;
	v16 =	vmul.f32 v51, v16;
	v39 =	vadd.f32 v17, v39  }
0x2f4: {  	s7 =	sadd.s32 s1, s31;
	v56 =	vadd.s32 v54, v33;
	v50 =	vmul.f32 v60, v2;
	v57 =	vld [tilespmem:s2+$0x0];
	v35 =	vmax.f32 v35, v63  }
0x2f5: {  	s8 =	sld [smem:$0x7D7];
	s2 =	sadd.s32 s0, s7;
	v40 =	vadd.f32 v63, v40;
	v15 =	vmul.f32 v53, v15;
	v39 =	vadd.f32 v16, v39  }
0x2f6: {  	s9 =	sadd.s32 s1, s6;
	s12 =	sld [smem:$0x7D3];
	v24 =	vmax.f32 v25, v24;
	v54 =	vmul.f32 v42, v9;
	v59 =	vld [tilespmem:s2+$0x0];
	v35 =	vmax.f32 v35, v50  }
0x2f7: {  	s2 =	sadd.s32 s0, s9;
	v40 =	vadd.f32 v50, v40;
	v14 =	vmul.f32 v55, v14;
	v60 =	vadd.f32 v15, v39  }
0x2f8: {  	s11 =	sadd.s32 s1, s8;
	v33 =	vadd.s32 $0x7FFF, v56;
	v23 =	vmax.f32 v24, v23;
	v62 =	vld [tilespmem:s2+$0x0];
	v35 =	vmax.f32 v35, v52  }
0x2f9: {  	s3 =	sadd.s32 s1, s12;
	s2 =	sadd.s32 s0, s11;
	v13 =	vmul.f32 v57, v13;
	v40 =	vadd.f32 v52, v40;
	v63 =	vadd.f32 v14, v60  }
0x2fa: {  	s13 =	sld [smem:$0x7D1];
	s3 =	sadd.s32 s0, s3;
	v33 =	vand.u32 $0xFFFF0000, v33;
	v36 =	vld [tilespmem:s2+$0x0];
	v22 =	vmax.f32 v23, v22;
	v35 =	vmax.f32 v35, v38  }
0x2fb: {  	v47 =	vld [tilespmem:s3+$0x0];
	v38 =	vadd.f32 v38, v40;
	v40 =	vmul.f32 v59, v12;
	v39 =	vadd.f32 v13, v63  }
0x2fc: {  	v31 =	vmul.f32 v31, v33;
	v35 =	vmax.f32 v35, $0.0e+00;
	v21 =	vmax.f32 v22, v21  }
0x2fd: {  	s14 =	sld [smem:$0x7A8];
	s2 =	sadd.s32 s1, s13;
	v58 =	vshrl.u32 v35, $0x10;
	v44 =	vmul.f32 v62, v11;
	v43 =	vadd.f32 v40, v39  }
0x2fe: {  	s2 =	sadd.s32 s0, s2;
	v61 =	vand.u32 $0x1, v58;
	v20 =	vmax.f32 v21, v20;
	v38 =	vmul.f32 v38, v7  }
0x2ff: {  	s15 =	sld [smem:$0x7A9];
	v52 =	vld [tilespmem:s2+$0x0];
	v35 =	vadd.s32 v61, v35;
	v49 =	vmul.f32 v36, v10;
	v48 =	vadd.f32 v44, v43  }
0x300: {  	s16 =	sand.u32 $0x3F0, s21;
	s17 =	sadd.s32 s1, s14;
	s18 =	sld [smem:$0x7AA];
	v59 =	vmul.f32 v47, v8;
	v45 =	vadd.s32 $0x7FFF, v35;
	v41 =	vshrl.u32 v38, $0x10  }
0x301: {  	v53 =	vld [tilespmem:s16+$0xA900];
	s2 =	sadd.s32 s0, s17;
	v19 =	vmax.f32 v20, v19;
	v46 =	vand.u32 $0x1, v41;
	v55 =	vadd.f32 v49, v48  }
0x302: {  	s19 =	sadd.s32 $0x10, s19;
	s21 =	sld [smem:$0x7AD];
	s20 =	sadd.s32 s1, s15;
	v57 =	vld [tilespmem:s2+$0x0];
	v50 =	vand.u32 $0xFFFF0000, v45;
	v17 =	vmax.f32 v19, v17;
	v51 =	vadd.s32 v46, v38  }
0x303: {  	s22 =	sadd.s32 s1, s18;
	v58 =	vld [tilespmem:s19+$0x0];
	s2 =	sadd.s32 s0, s20;
	v61 =	vmul.f32 v50, v29;
	v56 =	vadd.s32 $0x7FFF, v51;
	v60 =	vadd.f32 v54, v55  }
0x304: {  	v62 =	vld [tilespmem:s2+$0x0];
	s2 =	sadd.s32 s0, s22;
	v27 =	vmul.f32 v52, v5;
	v16 =	vmax.f32 v17, v16;
	v23 =	vand.u32 $0xFFFF0000, v56  }
0x305: {  	s24 =	sadd.s32 s1, s21;
	s23 =	sld [smem:$0x7CF];
	v15 =	vmax.f32 v16, v15;
	v29 =	vmul.f32 v30, v23;
	v30 =	vld [tilespmem:s2+$0x0];
	v28 =	vadd.f32 v59, v60  }
0x306: {  	v18 =	vadd.f32 v31, v18;
	v33 =	vshrl.u32 v53, $0x10;
	v14 =	vmax.f32 v15, v14;
	s2 =	sadd.s32 s0, s24  }
0x307: {  	s25 =	sld [smem:$0x7CD];
	v31 =	vmul.f32 v57, v6;
	v35 =	vld [tilespmem:s2+$0x0];
	v13 =	vmax.f32 v14, v13;
	v32 =	vadd.f32 v27, v28  }
0x308: {  	s4 =	sadd.s32 s1, s23;
	v34 =	vshrl.u32 v58, $0x10;
	v18 =	vadd.f32 v61, v18;
	v63 =	vld [tilespmem:s16+$0xA500];
	v12 =	vmax.f32 v13, v40  }
0x309: {  	s26 =	sld [smem:$0x7CB];
	s4 =	sadd.s32 s0, s4;
	v36 =	vmul.f32 v62, v4;
	v11 =	vmax.f32 v12, v44;
	v37 =	vadd.f32 v31, v32  }
0x30a: {  	s3 =	sadd.s32 s1, s25;
	v39 =	vadd.f32 v18, v29;
	v40 =	vld [tilespmem:s4+$0x0];
	v10 =	vmax.f32 v11, v49;
	v41 =	vmul.f32 v30, v3  }
0x30b: {  	s3 =	sadd.s32 s0, s3;
	v9 =	vmax.f32 v10, v54;
	v43 =	vand.u32 $0x1, v33;
	v42 =	vadd.f32 v36, v37  }
0x30c: {  	s1 =	sadd.s32 s1, s26;
	v45 =	vld [tilespmem:s3+$0x0];
	v44 =	vand.u32 $0x1, v34;
	v46 =	vmul.f32 v35, v2;
	v8 =	vmax.f32 v9, v59  }
0x30d: {  	s0 =	sadd.s32 s0, s1;
	v38 =	vshrl.u32 v63, $0x10;
	v5 =	vmax.f32 v8, v27;
	v47 =	vadd.f32 v41, v42  }
0x30e: {  	v11 =	vadd.s32 v43, v53;
	v48 =	vld [tilespmem:s0+$0x0];
	v49 =	vand.u32 $0x1, v38;
	v5 =	vmax.f32 v5, v31  }
0x30f: {  	v50 =	vmul.f32 v40, v1;
	v4 =	vmax.f32 v5, v36;
	v51 =	vadd.f32 v46, v47  }
0x310: {  	v52 =	vadd.s32 v44, v58;
	v53 =	vadd.s32 v49, v63;
	v3 =	vmax.f32 v4, v41  }
0x311: {  	v54 =	vmul.f32 v45, v0;
	v2 =	vmax.f32 v3, v46;
	v55 =	vadd.f32 v50, v51  }
0x312: {  	v57 =	vadd.s32 $0x7FFF, v11;
	v56 =	vadd.s32 $0x7FFF, v53;
	v1 =	vmax.f32 v2, v50  }
0x313: {  	v58 =	vshrl.u32 v48, $0x10;
	v1 =	vmax.f32 v1, v54;
	v0 =	vadd.f32 v54, v55  }
0x314: {  	v59 =	vadd.s32 $0x7FFF, v52;
	v2 =	vand.u32 $0x1, v58;
	v1 =	vmax.f32 v1, $0.0e+00  }
0x315: {  	v2 =	vadd.s32 v2, v48;
	v60 =	vshrl.u32 v1, $0x10;
	v0 =	vmul.f32 v0, v7  }
0x316: {  	v3 =	vand.u32 $0xFFFF0000, v59;
	v2 =	vadd.s32 $0x7FFF, v2;
	v6 =	vand.u32 $0x1, v60  }
0x317: {  	v2 =	vand.u32 $0xFFFF0000, v2;
	v1 =	vadd.s32 v6, v1;
	v61 =	vshrl.u32 v0, $0x10  }
0x318: {  	v2 =	vmul.f32 v3, v2;
	v1 =	vadd.s32 $0x7FFF, v1;
	v62 =	vand.u32 $0x1, v61  }
0x319: {  	v4 =	vand.u32 $0xFFFF0000, v56;
	v1 =	vand.u32 $0xFFFF0000, v1;
	v0 =	vadd.s32 v62, v0  }
0x31a: {  	v2 =	vadd.f32 v2, v39;
	v1 =	vmul.f32 v1, v4;
	v0 =	vadd.s32 $0x7FFF, v0  }
0x31b: {  	v63 =	vand.u32 $0xFFFF0000, v57;
	v0 =	vand.u32 $0xFFFF0000, v0  }
0x31c: {  	v1 =	vadd.f32 v1, v2;
	v0 =	vmul.f32 v63, v0;
	_ =	sdelay $0x1  }
0x31d: {  	s28 =	sld [smem:$0x7FC];
	v0 =	vadd.f32 v1, v0;
	_ =	sdelay $0x1  }
0x31e: {  	s29 =	simm.s32 $0xAD00;
	s5 =	simm.s32 $0x0;
	s4 =	simm.s32 $0x1;
	[tilespmem:$0xAD00] =	vst v0  }
0x31f: {  	[hbm4b:s28+s5] =	stream.linear.scatter [tilespmem:s29], [sflag:$0x1], $0x80, $0x38;
	[tilespmem:$0xAD80] =	vst v63  }
0x320: {  	_ =	swait.ge [sflag:s4], $0x80  }
0x321: {  	s30 =	sld [smem:$0x7DC]  }
0x322: {  	s31 =	sld [smem:$0x7FD];
	_ =	sdelay $0x1  }
0x323: {  	s1 =	sadd.s32 $0x1, s30  }
0x324: {  	p0 =	sne.s32 s1, s31  }
.Ltmp2:
0x325: {  	_ = 	snop;
	(pc) =	sbr.rel @p0 .LBB2_1-.Ltmp2, $3  }
0x326: {  	_ =	sdelay $0x1  }
0x327: {  	[sflag:s4] =	ssyncset.done $0x0  }
0x328: {  	[sflag:s4] =	ssyncadd.s32 $0xFFFFFF80  }
0x329: {  	_ =	sfence.sel $0x180000  }
0x32a: {  	[bflag:$0x0] =	sbarrier.arrive $0xFFFF  }
0x32b: {  	_ =	strace $0x90000047  }
0x32c: {  	s0 =	stileid.u32;
	[bflag:$0x2] =	sbarrier.arrive $0xFFFF  }
0x32d: {  	p0 =	sne.s32 s0, $0x0;
	s0 =	rddreg [dreg:$0x4]  }
0x32e: {  	s0 =	sadd.s32 @!p0 $0x100000, s0  }
0x32f: {  	[sflag:s0] =	ssyncadd.tile.s32 @!p0 $0x1;
	_ =	shalt  }
.Lfunc_end2:
_tile_overlayer_lowered:
.L_overlay_start_2:
0x330: {  	(tag) =	ssettag $0x2  }
0x331: {  	s0 =	rddreg [dreg:$0x0];
	s2 =	stileid.u32  }
0x332: {  	s1 =	rddreg [dreg:$0x1];
	p0 =	sne.s32 s2, $0x0  }
0x333: {  	s3 =	rddreg [dreg:$0x2];
	[bflag:$0x3] =	sbarrier.arrive $0xFFFF;
	s2 =	simm.s32 @!p0 $0x1C01  }
0x334: {  	[timem:s3], [sflag:s2] =	dma.local @!p0 [hbm:s0], s1  }
0x335: {  	s0 =	simm.s32 @!p0 $0x1  }
0x336: {  	_ =	swait.ge @!p0 [sflag:s0], s1  }
0x337: {  	s1 =	ssub.s32 @!p0 $0x0, s1;
	[sflag:s0] =	ssyncset.done @!p0 $0x0  }
0x338: {  	[sflag:s0] =	ssyncadd.s32 @!p0 s1  }
0x339: {  	[bflag:$0x3] =	sbarrier.arrive $0xFFFF  }
0x33a: {  	_ =	shalt  }

</sc_bundles>
